<compile_context>
chip_gen: v7x
topology: tpu7x:2x2x1
jax: 0.10.2.dev20260603
libtpu: 0.0.44.dev20260713+nightly
codegen_flags: <defaults>
</compile_context>

<pallas_src>
import functools

import jax
import jax.numpy as jnp
from jax import lax
from jax.experimental import pallas as pl
from jax.experimental.pallas import tpu as pltpu
from jax.experimental.pallas import tpu_sc as plsc

N_T = 10000
HALF = N_T // 2
ACC_R = 5120
DUMP = HALF
D = 128
E = 256000
NC = 2
NS = 16
CHUNK = 128
EDGES_PER_TILE = E // NS
NCHUNK = EDGES_PER_TILE // CHUNK
NSLAB = 5
SLAB = HALF // NSLAB
ZSLAB = ACC_R // NSLAB


def _leaky_body(x_ref, o_ref):
    x = x_ref[...]
    o_ref[...] = jnp.where(x > 0, x, 0.01 * x)


def _leaky_table(x, block_rows):
    n = x.shape[0]
    return pl.pallas_call(
        _leaky_body,
        grid=(n // block_rows,),
        in_specs=[pl.BlockSpec((block_rows, D), lambda i: (i, 0))],
        out_specs=pl.BlockSpec((block_rows, D), lambda i: (i, 0)),
        out_shape=jax.ShapeDtypeStruct((n, D), jnp.float32),
    )(x)


def _clamp_body(d_ref, c0_ref, c1_ref):
    d = d_ref[...]
    dump = DUMP + jax.lax.broadcasted_iota(jnp.int32, d.shape, 1) % (ACC_R - DUMP)
    c0_ref[...] = jnp.where(d < HALF, d, dump)
    c1_ref[...] = jnp.where(d >= HALF, d - HALF, dump)


def _clamp_dst(src):
    dst2 = src.astype(jnp.int32).reshape(-1, CHUNK)
    n = dst2.shape[0]
    spec = pl.BlockSpec((n, CHUNK), lambda: (0, 0))
    c0, c1 = pl.pallas_call(
        _clamp_body,
        in_specs=[spec],
        out_specs=[spec, spec],
        out_shape=[jax.ShapeDtypeStruct((n, CHUNK), jnp.int32),
                   jax.ShapeDtypeStruct((n, CHUNK), jnp.int32)],
    )(dst2)
    return c0.reshape(-1), c1.reshape(-1)


def _sc_body(t_u, t_m, src_u, src_m, dst_u0, dst_u1, dst_m0, dst_m1,
             zacc, ones_u_h, ones_m_h,
             acc_u_out, acc_m_out, deg_out,
             idxs0, idxs1, idxd0, idxd1, rows0, rows1, ones_u_v, ones_m_v,
             acc_sh,
             isem0, isem1, gsem0, gsem1, ssem0, ssem1):
    cid = lax.axis_index("c")
    sid = lax.axis_index("s")
    idxs = (idxs0, idxs1)
    idxd = (idxd0, idxd1)
    rows = (rows0, rows1)
    isem = (isem0, isem1)
    gsem = (gsem0, gsem1)
    ssem = (ssem0, ssem1)

    pltpu.sync_copy(ones_u_h, ones_u_v)
    pltpu.sync_copy(ones_m_h, ones_m_v)

    def zero_acc():
        @pl.when(sid < NSLAB)
        def _():
            zslab = pl.ds(sid * ZSLAB, ZSLAB)
            pltpu.sync_copy(zacc.at[zslab], acc_sh.at[zslab])

        plsc.subcore_barrier()

    def run(table, src_f, dst_f):
        def fetch_idx(i, b):
            base = sid * EDGES_PER_TILE + i * CHUNK
            pltpu.sync_copy(src_f.at[pl.ds(base, CHUNK)], idxs[b])
            pltpu.sync_copy(dst_f.at[pl.ds(base, CHUNK)], idxd[b])

        def pair(k, carry):
            i0 = 2 * k
            fetch_idx(i0, 0)
            g0 = pltpu.async_copy(table.at[idxs[0]], rows[0], gsem0)
            fetch_idx(i0 + 1, 1)
            g0.wait()
            s0 = pltpu.async_copy(rows[0], acc_sh.at[idxd[0]], ssem0, add=True)
            g1 = pltpu.async_copy(table.at[idxs[1]], rows[1], gsem1)
            g1.wait()
            s1 = pltpu.async_copy(rows[1], acc_sh.at[idxd[1]], ssem1, add=True)
            s0.wait()
            s1.wait()
            return carry

        lax.fori_loop(0, NCHUNK // 2, pair, 0)
        fetch_idx(NCHUNK - 1, 0)
        pltpu.async_copy(table.at[idxs[0]], rows[0], gsem0).wait()
        pltpu.sync_copy(rows[0], acc_sh.at[idxd[0]], add=True)
        plsc.subcore_barrier()

    def count(dst_f, ones_v):
        def fetch_d(i, b):
            base = sid * EDGES_PER_TILE + i * CHUNK
            pltpu.sync_copy(dst_f.at[pl.ds(base, CHUNK)], idxd[b])

        def pair(k, carry):
            i0 = 2 * k
            fetch_d(i0, 0)
            s0 = pltpu.async_copy(ones_v, acc_sh.at[idxd[0]], ssem0, add=True)
            fetch_d(i0 + 1, 1)
            s1 = pltpu.async_copy(ones_v, acc_sh.at[idxd[1]], ssem1, add=True)
            s0.wait()
            s1.wait()
            return carry

        lax.fori_loop(0, NCHUNK // 2, pair, 0)
        fetch_d(NCHUNK - 1, 0)
        pltpu.sync_copy(ones_v, acc_sh.at[idxd[0]], add=True)

    def copy_out(out_ref):
        @pl.when(sid < NSLAB)
        def _():
            local = pl.ds(sid * SLAB, SLAB)
            hbm = pl.ds(cid * HALF + sid * SLAB, SLAB)
            pltpu.sync_copy(acc_sh.at[local], out_ref.at[hbm])

        plsc.subcore_barrier()

    def acc_phase(table, src_f, dst_f_c0, dst_f_c1, acc_out):
        zero_acc()

        @pl.when(cid == 0)
        def _():
            run(table, src_f, dst_f_c0)

        @pl.when(cid == 1)
        def _():
            run(table, src_f, dst_f_c1)

        copy_out(acc_out)

    acc_phase(t_u, src_u, dst_u0, dst_u1, acc_u_out)
    acc_phase(t_m, src_m, dst_m0, dst_m1, acc_m_out)

    zero_acc()

    @pl.when(cid == 0)
    def _():
        count(dst_u0, ones_u_v)
        count(dst_m0, ones_m_v)

    @pl.when(cid == 1)
    def _():
        count(dst_u1, ones_u_v)
        count(dst_m1, ones_m_v)

    plsc.subcore_barrier()
    copy_out(deg_out)


_sc_gather_scatter = functools.partial(
    pl.kernel,
    out_type=[
        jax.ShapeDtypeStruct((N_T, D), jnp.float32),
        jax.ShapeDtypeStruct((N_T, D), jnp.float32),
        jax.ShapeDtypeStruct((N_T, D), jnp.float32),
    ],
    mesh=plsc.VectorSubcoreMesh(core_axis_name="c", subcore_axis_name="s",
                                num_cores=NC, num_subcores=NS),
    scratch_types=[
        pltpu.VMEM((CHUNK,), jnp.int32),
        pltpu.VMEM((CHUNK,), jnp.int32),
        pltpu.VMEM((CHUNK,), jnp.int32),
        pltpu.VMEM((CHUNK,), jnp.int32),
        pltpu.VMEM((CHUNK, D), jnp.float32),
        pltpu.VMEM((CHUNK, D), jnp.float32),
        pltpu.VMEM((CHUNK, D), jnp.float32),
        pltpu.VMEM((CHUNK, D), jnp.float32),
        pltpu.VMEM_SHARED((ACC_R, D), jnp.float32),
        pltpu.SemaphoreType.DMA,
        pltpu.SemaphoreType.DMA,
        pltpu.SemaphoreType.DMA,
        pltpu.SemaphoreType.DMA,
        pltpu.SemaphoreType.DMA,
        pltpu.SemaphoreType.DMA,
    ],
)(_sc_body)


def _final_body(feat_ref, accu_ref, accm_ref, deg_ref,
                ws_ref, wu_ref, wm_ref, wo_ref, bo_ref, out_ref, emb_ref):
    h = feat_ref[...]
    h = jnp.where(h > 0, h, 0.01 * h)
    deg = deg_ref[...]
    du = jnp.clip(deg[:, 0:1], 1.0, None)
    dm = jnp.clip(deg[:, 64:65], 1.0, None)
    dot = functools.partial(jnp.dot, preferred_element_type=jnp.float32)
    emb = (dot(h, ws_ref[...])
           + dot(accu_ref[...] / du, wu_ref[...])
           + dot(accm_ref[...] / dm, wm_ref[...]))
    emb_ref[...] = emb
    out_ref[...] = dot(emb, wo_ref[...]) + bo_ref[...]


def _final(features, acc_u, acc_m, deg,
           W_self, W_user, W_merchant, W_out, b_out2):
    blk = 2000
    g = N_T // blk
    full = lambda shape: pl.BlockSpec(shape, lambda i: (0, 0))
    return pl.pallas_call(
        _final_body,
        grid=(g,),
        in_specs=[
            pl.BlockSpec((blk, D), lambda i: (i, 0)),
            pl.BlockSpec((blk, D), lambda i: (i, 0)),
            pl.BlockSpec((blk, D), lambda i: (i, 0)),
            pl.BlockSpec((blk, D), lambda i: (i, 0)),
            full((D, D)), full((D, D)), full((D, D)), full((D, 1)),
            full((1, 1)),
        ],
        out_specs=[
            pl.BlockSpec((blk, 1), lambda i: (i, 0)),
            pl.BlockSpec((blk, D), lambda i: (i, 0)),
        ],
        out_shape=[
            jax.ShapeDtypeStruct((N_T, 1), jnp.float32),
            jax.ShapeDtypeStruct((N_T, D), jnp.float32),
        ],
    )(features, acc_u, acc_m, deg, W_self, W_user, W_merchant,
      W_out, b_out2)


def kernel(features, nid_user, nid_merchant, src_user, dst_user, src_merchant,
           dst_merchant, emb_user, emb_merchant, W_self, W_user, W_merchant,
           W_out, b_out):
    t_u = _leaky_table(emb_user, 2000)
    t_m = _leaky_table(emb_merchant, 2000)

    src_u = src_user.astype(jnp.int32)
    src_m = src_merchant.astype(jnp.int32)
    dst_u0, dst_u1 = _clamp_dst(src=dst_user)
    dst_m0, dst_m1 = _clamp_dst(src=dst_merchant)

    zacc = jnp.zeros((ACC_R, D), jnp.float32)
    col = jnp.arange(D)
    ones_u_h = jnp.where(col < 64, 1.0, 0.0).astype(jnp.float32) * jnp.ones((CHUNK, 1), jnp.float32)
    ones_m_h = jnp.where(col >= 64, 1.0, 0.0).astype(jnp.float32) * jnp.ones((CHUNK, 1), jnp.float32)

    acc_u, acc_m, deg = _sc_gather_scatter(
        t_u, t_m, src_u, src_m, dst_u0, dst_u1, dst_m0, dst_m1,
        zacc, ones_u_h, ones_m_h)

    out, embedding = _final(features, acc_u, acc_m, deg,
                            W_self, W_user, W_merchant, W_out,
                            b_out.reshape(1, 1))
    return (out, embedding)

# --- scband reference (transcript-rebuilt; emitter-appended) ---
"""Pipeline reference for scband-base-hetero-graph-27960237097529 (READ-ONLY COPY).

The authoritative reference and input builder live on the scoring server;
editing this copy changes nothing except your own understanding.
"""

import jax, jax.numpy as jnp
import numpy as np

N_T = 10000   # target 'transaction' nodes
N_U = 100000  # 'user' nodes (embedded)
N_M = 50000   # 'merchant' nodes (embedded)
D = 128       # embedding_size
E_U = 256000  # user->transaction edges
E_M = 256000  # merchant->transaction edges


def setup_inputs(seed: int = 0) -> dict:
    key = jax.random.key(seed)
    ks = jax.random.split(key, 12)
    features = jax.random.normal(ks[0], (N_T, D), dtype=jnp.float32)
    # dgl.NID for full-graph inference: identity mapping over each non-target ntype
    nid_user = jnp.arange(N_U)
    nid_merchant = jnp.arange(N_M)
    src_user = jax.random.randint(ks[1], (E_U,), 0, N_U)
    dst_user = jax.random.randint(ks[2], (E_U,), 0, N_T)
    src_merchant = jax.random.randint(ks[3], (E_M,), 0, N_M)
    dst_merchant = jax.random.randint(ks[4], (E_M,), 0, N_T)
    # HeteroEmbedding tables for non-target node types
    emb_user = jax.random.normal(ks[5], (N_U, D), dtype=jnp.float32) * 0.02
    emb_merchant = jax.random.normal(ks[6], (N_M, D), dtype=jnp.float32) * 0.02
    # Hetero message-passing layer weights (per-relation) + self weight for target
    W_self = jax.random.normal(ks[7], (D, D), dtype=jnp.float32) * 0.05
    W_user = jax.random.normal(ks[8], (D, D), dtype=jnp.float32) * 0.05
    W_merchant = jax.random.normal(ks[9], (D, D), dtype=jnp.float32) * 0.05
    # Final layer (layers[-1]): Linear(D -> 1)
    W_out = jax.random.normal(ks[10], (D, 1), dtype=jnp.float32) * 0.05
    b_out = jnp.zeros((1,), dtype=jnp.float32)
    return {
        "features": features,
        "nid_user": nid_user,
        "nid_merchant": nid_merchant,
        "src_user": src_user,
        "dst_user": dst_user,
        "src_merchant": src_merchant,
        "dst_merchant": dst_merchant,
        "emb_user": emb_user,
        "emb_merchant": emb_merchant,
        "W_self": W_self,
        "W_user": W_user,
        "W_merchant": W_merchant,
        "W_out": W_out,
        "b_out": b_out,
    }


def _leaky_relu(x, slope=0.01):
    return jnp.where(x > 0, x, slope * x)


def _rel_conv_mean(h_src, W, src_idx, dst_idx, num_dst):
    # gather src feats along edges, project, scatter-mean onto dst nodes
    msg = jnp.take(h_src, src_idx, axis=0) @ W
    agg = jax.ops.segment_sum(msg, dst_idx, num_segments=num_dst)
    deg = jax.ops.segment_sum(jnp.ones((dst_idx.shape[0],), dtype=msg.dtype), dst_idx, num_segments=num_dst)
    return agg / jnp.clip(deg, 1.0, None)[:, None]


def reference(features, nid_user, nid_merchant, src_user, dst_user,
              src_merchant, dst_merchant, emb_user, emb_merchant,
              W_self, W_user, W_merchant, W_out, b_out):
    # h_dict = hetero_embedding({ntype: NID}) ; h_dict[target] = features
    h_user = jnp.take(emb_user, nid_user, axis=0)
    h_merchant = jnp.take(emb_merchant, nid_merchant, axis=0)
    h_target = features
    # pre-layer leaky_relu on every node type (as in forward loop)
    h_user = _leaky_relu(h_user)
    h_merchant = _leaky_relu(h_merchant)
    h_target = _leaky_relu(h_target)
    n_t = h_target.shape[0]
    # HeteroGraphConv: per-relation conv, 'sum' aggregate across relations, plus self transform
    agg_u = _rel_conv_mean(h_user, W_user, src_user, dst_user, n_t)
    agg_m = _rel_conv_mean(h_merchant, W_merchant, src_merchant, dst_merchant, n_t)
    embedding = h_target @ W_self + agg_u + agg_m
    # layers[-1]: Linear on target embedding
    out = embedding @ W_out + b_out
    return (out, embedding)

if __name__ == "__main__":
    import jax
    _d = setup_inputs()
    print(jax.jit(kernel)(*tuple(_d.values())))

</pallas_src>

<mosaic_0001>
#map = affine_map<(d0, d1) -> (0, 0)>
#map1 = affine_map<(d0, d1) -> (0)>
module attributes {stable_mosaic.version = 14 : i64} {
  func.func @_sc_body(%arg0: i32, %arg1: i32, %arg2: memref<100000x128xf32, #tpu.memory_space<hbm>>, %arg3: memref<50000x128xf32, #tpu.memory_space<hbm>>, %arg4: memref<256000xi32, #tpu.memory_space<hbm>>, %arg5: memref<256000xi32, #tpu.memory_space<hbm>>, %arg6: memref<256000xi32, #tpu.memory_space<hbm>>, %arg7: memref<256000xi32, #tpu.memory_space<hbm>>, %arg8: memref<256000xi32, #tpu.memory_space<hbm>>, %arg9: memref<256000xi32, #tpu.memory_space<hbm>>, %arg10: memref<5120x128xf32, #tpu.memory_space<hbm>>, %arg11: memref<128x128xf32, #tpu.memory_space<hbm>>, %arg12: memref<128x128xf32, #tpu.memory_space<hbm>>, %arg13: memref<10000x128xf32, #tpu.memory_space<hbm>>, %arg14: memref<10000x128xf32, #tpu.memory_space<hbm>>, %arg15: memref<10000x128xf32, #tpu.memory_space<hbm>>, %arg16: memref<128xi32, #tpu.memory_space<vmem>>, %arg17: memref<128xi32, #tpu.memory_space<vmem>>, %arg18: memref<128xi32, #tpu.memory_space<vmem>>, %arg19: memref<128xi32, #tpu.memory_space<vmem>>, %arg20: memref<128x128xf32, #tpu.memory_space<vmem>>, %arg21: memref<128x128xf32, #tpu.memory_space<vmem>>, %arg22: memref<128x128xf32, #tpu.memory_space<vmem>>, %arg23: memref<128x128xf32, #tpu.memory_space<vmem>>, %arg24: memref<5120x128xf32, #tpu.memory_space<vmem_shared>>, %arg25: memref<!tpu.dma_semaphore, #tpu.memory_space<semaphore_mem>>, %arg26: memref<!tpu.dma_semaphore, #tpu.memory_space<semaphore_mem>>, %arg27: memref<!tpu.dma_semaphore, #tpu.memory_space<semaphore_mem>>, %arg28: memref<!tpu.dma_semaphore, #tpu.memory_space<semaphore_mem>>, %arg29: memref<!tpu.dma_semaphore, #tpu.memory_space<semaphore_mem>>, %arg30: memref<!tpu.dma_semaphore, #tpu.memory_space<semaphore_mem>>) attributes {dimension_semantics = [#tpu.dimension_semantics<core_parallel>, #tpu.dimension_semantics<subcore_parallel>], iteration_bounds = array<i64: 2, 16>, scalar_prefetch = 0 : i64, scratch_operands = 15 : i64, tpu.core_type = #tpu.core_type<sc_vector_subcore>, window_params = [{transform_indices = #map}, {transform_indices = #map}, {transform_indices = #map1}, {transform_indices = #map1}, {transform_indices = #map1}, {transform_indices = #map1}, {transform_indices = #map1}, {transform_indices = #map1}, {transform_indices = #map}, {transform_indices = #map}, {transform_indices = #map}, {transform_indices = #map}, {transform_indices = #map}, {transform_indices = #map}]} {
    "tpu.region"() ({
      %run_scoped3A = tpu.sem_alloc : memref<!tpu.dma_semaphore, #tpu.memory_space<semaphore_mem>>
      tpu.enqueue_dma source(%arg11 : memref<128x128xf32, #tpu.memory_space<hbm>>) target(%arg22 : memref<128x128xf32, #tpu.memory_space<vmem>>) target_semaphore(%run_scoped3A : memref<!tpu.dma_semaphore, #tpu.memory_space<semaphore_mem>>)
      tpu.wait_dma2 semaphore(%run_scoped3A : memref<!tpu.dma_semaphore, #tpu.memory_space<semaphore_mem>>) src(%arg11 : memref<128x128xf32, #tpu.memory_space<hbm>>) dst(%arg22 : memref<128x128xf32, #tpu.memory_space<vmem>>)
      tpu.yield
    }) : () -> ()
    "tpu.region"() ({
      %run_scoped3A = tpu.sem_alloc : memref<!tpu.dma_semaphore, #tpu.memory_space<semaphore_mem>>
      tpu.enqueue_dma source(%arg12 : memref<128x128xf32, #tpu.memory_space<hbm>>) target(%arg23 : memref<128x128xf32, #tpu.memory_space<vmem>>) target_semaphore(%run_scoped3A : memref<!tpu.dma_semaphore, #tpu.memory_space<semaphore_mem>>)
      tpu.wait_dma2 semaphore(%run_scoped3A : memref<!tpu.dma_semaphore, #tpu.memory_space<semaphore_mem>>) src(%arg12 : memref<128x128xf32, #tpu.memory_space<hbm>>) dst(%arg23 : memref<128x128xf32, #tpu.memory_space<vmem>>)
      tpu.yield
    }) : () -> ()
    %lt3A = arith.constant 5 : i32
    %lt3A_0 = arith.cmpi slt, %arg1, %lt3A : i32
    %convert_element_type3A = arith.extui %lt3A_0 : i1 to i32
    %cond3A = arith.constant 0 : i32
    %cond3A_1 = arith.cmpi ne, %convert_element_type3A, %cond3A : i32
    scf.if %cond3A_1 {
      %mul3A = arith.constant 1024 : i32
      %mul3A_62 = arith.muli %arg1, %mul3A : i32
      "tpu.region"() ({
        %run_scoped3A = tpu.sem_alloc : memref<!tpu.dma_semaphore, #tpu.memory_space<semaphore_mem>>
        %dma_start3A = arith.constant 0 : i32
        %dma_start3A_63 = tpu.memref_slice %arg24[%mul3A_62, %dma_start3A] : memref<5120x128xf32, #tpu.memory_space<vmem_shared>> -> memref<1024x128xf32, #tpu.memory_space<vmem_shared>>
        %dma_start3A_64 = arith.constant 0 : i32
        %dma_start3A_65 = tpu.memref_slice %arg10[%mul3A_62, %dma_start3A_64] : memref<5120x128xf32, #tpu.memory_space<hbm>> -> memref<1024x128xf32, #tpu.memory_space<hbm>>
        tpu.enqueue_dma source(%dma_start3A_65 : memref<1024x128xf32, #tpu.memory_space<hbm>>) target(%dma_start3A_63 : memref<1024x128xf32, #tpu.memory_space<vmem_shared>>) target_semaphore(%run_scoped3A : memref<!tpu.dma_semaphore, #tpu.memory_space<semaphore_mem>>)
        %dma_wait3A = arith.constant 0 : i32
        %dma_wait3A_66 = tpu.memref_slice %arg24[%mul3A_62, %dma_wait3A] : memref<5120x128xf32, #tpu.memory_space<vmem_shared>> -> memref<1024x128xf32, #tpu.memory_space<vmem_shared>>
        %dma_wait3A_67 = arith.constant 0 : i32
        %dma_wait3A_68 = tpu.memref_slice %arg10[%mul3A_62, %dma_wait3A_67] : memref<5120x128xf32, #tpu.memory_space<hbm>> -> memref<1024x128xf32, #tpu.memory_space<hbm>>
        tpu.wait_dma2 semaphore(%run_scoped3A : memref<!tpu.dma_semaphore, #tpu.memory_space<semaphore_mem>>) src(%dma_wait3A_68 : memref<1024x128xf32, #tpu.memory_space<hbm>>) dst(%dma_wait3A_66 : memref<1024x128xf32, #tpu.memory_space<vmem_shared>>)
        tpu.yield
      }) : () -> ()
    } else {
    }
    %barrier3A = arith.constant 0 : index
    tpu.barrier barrier_id(%barrier3A)
    %eq3A = arith.constant 0 : i32
    %eq3A_2 = arith.cmpi eq, %arg0, %eq3A : i32
    %convert_element_type3A_3 = arith.extui %eq3A_2 : i1 to i32
    %cond3A_4 = arith.constant 0 : i32
    %cond3A_5 = arith.cmpi ne, %convert_element_type3A_3, %cond3A_4 : i32
    scf.if %cond3A_5 {
      %scan3A = arith.constant 0 : i32
      %scan3A_62 = arith.constant 0 : i32
      %scan3A_63 = arith.constant 62 : i32
      %scan3A_64 = arith.addi %scan3A_62, %scan3A_63 : i32
      %scan3A_65 = arith.constant 1 : i32
      scf.for %scan3A_74 = %scan3A_62 to %scan3A_64 step %scan3A_65  : i32 {
        %mul3A_75 = arith.constant 2 : i32
        %mul3A_76 = arith.muli %mul3A_75, %scan3A_74 : i32
        %mul3A_77 = arith.constant 16000 : i32
        %mul3A_78 = arith.muli %arg1, %mul3A_77 : i32
        %mul3A_79 = arith.constant 128 : i32
        %mul3A_80 = arith.muli %mul3A_76, %mul3A_79 : i32
        %add3A_81 = arith.addi %mul3A_78, %mul3A_80 : i32
        "tpu.region"() ({
          %run_scoped3A = tpu.sem_alloc : memref<!tpu.dma_semaphore, #tpu.memory_space<semaphore_mem>>
          %dma_start3A_113 = tpu.memref_slice %arg4[%add3A_81] : memref<256000xi32, #tpu.memory_space<hbm>> -> memref<128xi32, #tpu.memory_space<hbm>>
          %dma_start3A_114 = tpu.memref_slice %arg4[%add3A_81] : memref<256000xi32, #tpu.memory_space<hbm>> -> memref<128xi32, #tpu.memory_space<hbm>>
          tpu.enqueue_dma source(%dma_start3A_114 : memref<128xi32, #tpu.memory_space<hbm>>) target(%arg16 : memref<128xi32, #tpu.memory_space<vmem>>) target_semaphore(%run_scoped3A : memref<!tpu.dma_semaphore, #tpu.memory_space<semaphore_mem>>)
          %dma_wait3A_115 = tpu.memref_slice %arg4[%add3A_81] : memref<256000xi32, #tpu.memory_space<hbm>> -> memref<128xi32, #tpu.memory_space<hbm>>
          %dma_wait3A_116 = tpu.memref_slice %arg4[%add3A_81] : memref<256000xi32, #tpu.memory_space<hbm>> -> memref<128xi32, #tpu.memory_space<hbm>>
          tpu.wait_dma2 semaphore(%run_scoped3A : memref<!tpu.dma_semaphore, #tpu.memory_space<semaphore_mem>>) src(%dma_wait3A_116 : memref<128xi32, #tpu.memory_space<hbm>>) dst(%arg16 : memref<128xi32, #tpu.memory_space<vmem>>)
          tpu.yield
        }) : () -> ()
        "tpu.region"() ({
          %run_scoped3A = tpu.sem_alloc : memref<!tpu.dma_semaphore, #tpu.memory_space<semaphore_mem>>
          %dma_start3A_113 = tpu.memref_slice %arg6[%add3A_81] : memref<256000xi32, #tpu.memory_space<hbm>> -> memref<128xi32, #tpu.memory_space<hbm>>
          %dma_start3A_114 = tpu.memref_slice %arg6[%add3A_81] : memref<256000xi32, #tpu.memory_space<hbm>> -> memref<128xi32, #tpu.memory_space<hbm>>
          tpu.enqueue_dma source(%dma_start3A_114 : memref<128xi32, #tpu.memory_space<hbm>>) target(%arg18 : memref<128xi32, #tpu.memory_space<vmem>>) target_semaphore(%run_scoped3A : memref<!tpu.dma_semaphore, #tpu.memory_space<semaphore_mem>>)
          %dma_wait3A_115 = tpu.memref_slice %arg6[%add3A_81] : memref<256000xi32, #tpu.memory_space<hbm>> -> memref<128xi32, #tpu.memory_space<hbm>>
          %dma_wait3A_116 = tpu.memref_slice %arg6[%add3A_81] : memref<256000xi32, #tpu.memory_space<hbm>> -> memref<128xi32, #tpu.memory_space<hbm>>
          tpu.wait_dma2 semaphore(%run_scoped3A : memref<!tpu.dma_semaphore, #tpu.memory_space<semaphore_mem>>) src(%dma_wait3A_116 : memref<128xi32, #tpu.memory_space<hbm>>) dst(%arg18 : memref<128xi32, #tpu.memory_space<vmem>>)
          tpu.yield
        }) : () -> ()
        %dma_start3A_82 = arith.constant 0 : i32
        %dma_start3A_83 = arith.constant 0 : i32
        %dma_start3A_84 = tpu.memref_slice %arg2[%dma_start3A_82, %dma_start3A_83] : memref<100000x128xf32, #tpu.memory_space<hbm>> -> memref<100000x128xf32, #tpu.memory_space<hbm>>
        tpu.enqueue_indirect_dma source(%dma_start3A_84 : memref<100000x128xf32, #tpu.memory_space<hbm>>) target(%arg20 : memref<128x128xf32, #tpu.memory_space<vmem>>) offsets(%arg16 : memref<128xi32, #tpu.memory_space<vmem>>) semaphore(%arg27 : memref<!tpu.dma_semaphore, #tpu.memory_space<semaphore_mem>>)
        %add3A_85 = arith.constant 1 : i32
        %add3A_86 = arith.addi %mul3A_76, %add3A_85 : i32
        %mul3A_87 = arith.constant 16000 : i32
        %mul3A_88 = arith.muli %arg1, %mul3A_87 : i32
        %mul3A_89 = arith.constant 128 : i32
        %mul3A_90 = arith.muli %add3A_86, %mul3A_89 : i32
        %add3A_91 = arith.addi %mul3A_88, %mul3A_90 : i32
        "tpu.region"() ({
          %run_scoped3A = tpu.sem_alloc : memref<!tpu.dma_semaphore, #tpu.memory_space<semaphore_mem>>
          %dma_start3A_113 = tpu.memref_slice %arg4[%add3A_91] : memref<256000xi32, #tpu.memory_space<hbm>> -> memref<128xi32, #tpu.memory_space<hbm>>
          %dma_start3A_114 = tpu.memref_slice %arg4[%add3A_91] : memref<256000xi32, #tpu.memory_space<hbm>> -> memref<128xi32, #tpu.memory_space<hbm>>
          tpu.enqueue_dma source(%dma_start3A_114 : memref<128xi32, #tpu.memory_space<hbm>>) target(%arg17 : memref<128xi32, #tpu.memory_space<vmem>>) target_semaphore(%run_scoped3A : memref<!tpu.dma_semaphore, #tpu.memory_space<semaphore_mem>>)
          %dma_wait3A_115 = tpu.memref_slice %arg4[%add3A_91] : memref<256000xi32, #tpu.memory_space<hbm>> -> memref<128xi32, #tpu.memory_space<hbm>>
          %dma_wait3A_116 = tpu.memref_slice %arg4[%add3A_91] : memref<256000xi32, #tpu.memory_space<hbm>> -> memref<128xi32, #tpu.memory_space<hbm>>
          tpu.wait_dma2 semaphore(%run_scoped3A : memref<!tpu.dma_semaphore, #tpu.memory_space<semaphore_mem>>) src(%dma_wait3A_116 : memref<128xi32, #tpu.memory_space<hbm>>) dst(%arg17 : memref<128xi32, #tpu.memory_space<vmem>>)
          tpu.yield
        }) : () -> ()
        "tpu.region"() ({
          %run_scoped3A = tpu.sem_alloc : memref<!tpu.dma_semaphore, #tpu.memory_space<semaphore_mem>>
          %dma_start3A_113 = tpu.memref_slice %arg6[%add3A_91] : memref<256000xi32, #tpu.memory_space<hbm>> -> memref<128xi32, #tpu.memory_space<hbm>>
          %dma_start3A_114 = tpu.memref_slice %arg6[%add3A_91] : memref<256000xi32, #tpu.memory_space<hbm>> -> memref<128xi32, #tpu.memory_space<hbm>>
          tpu.enqueue_dma source(%dma_start3A_114 : memref<128xi32, #tpu.memory_space<hbm>>) target(%arg19 : memref<128xi32, #tpu.memory_space<vmem>>) target_semaphore(%run_scoped3A : memref<!tpu.dma_semaphore, #tpu.memory_space<semaphore_mem>>)
          %dma_wait3A_115 = tpu.memref_slice %arg6[%add3A_91] : memref<256000xi32, #tpu.memory_space<hbm>> -> memref<128xi32, #tpu.memory_space<hbm>>
          %dma_wait3A_116 = tpu.memref_slice %arg6[%add3A_91] : memref<256000xi32, #tpu.memory_space<hbm>> -> memref<128xi32, #tpu.memory_space<hbm>>
          tpu.wait_dma2 semaphore(%run_scoped3A : memref<!tpu.dma_semaphore, #tpu.memory_space<semaphore_mem>>) src(%dma_wait3A_116 : memref<128xi32, #tpu.memory_space<hbm>>) dst(%arg19 : memref<128xi32, #tpu.memory_space<vmem>>)
          tpu.yield
        }) : () -> ()
        %dma_wait3A_92 = arith.constant 0 : i32
        %dma_wait3A_93 = arith.constant 0 : i32
        %dma_wait3A_94 = tpu.memref_slice %arg2[%dma_wait3A_92, %dma_wait3A_93] : memref<100000x128xf32, #tpu.memory_space<hbm>> -> memref<100000x128xf32, #tpu.memory_space<hbm>>
        tpu.wait_indirect_dma semaphore(%arg27 : memref<!tpu.dma_semaphore, #tpu.memory_space<semaphore_mem>>) src(%dma_wait3A_94 : memref<100000x128xf32, #tpu.memory_space<hbm>>) dst(%arg20 : memref<128x128xf32, #tpu.memory_space<vmem>>)
        %dma_start3A_95 = arith.constant 0 : i32
        %dma_start3A_96 = arith.constant 0 : i32
        %dma_start3A_97 = tpu.memref_slice %arg24[%dma_start3A_95, %dma_start3A_96] : memref<5120x128xf32, #tpu.memory_space<vmem_shared>> -> memref<5120x128xf32, #tpu.memory_space<vmem_shared>>
        tpu.enqueue_indirect_dma source(%arg20 : memref<128x128xf32, #tpu.memory_space<vmem>>) target(%dma_start3A_97 : memref<5120x128xf32, #tpu.memory_space<vmem_shared>>) offsets(%arg18 : memref<128xi32, #tpu.memory_space<vmem>>) semaphore(%arg29 : memref<!tpu.dma_semaphore, #tpu.memory_space<semaphore_mem>>) {add = true}
        %dma_start3A_98 = arith.constant 0 : i32
        %dma_start3A_99 = arith.constant 0 : i32
        %dma_start3A_100 = tpu.memref_slice %arg2[%dma_start3A_98, %dma_start3A_99] : memref<100000x128xf32, #tpu.memory_space<hbm>> -> memref<100000x128xf32, #tpu.memory_space<hbm>>
        tpu.enqueue_indirect_dma source(%dma_start3A_100 : memref<100000x128xf32, #tpu.memory_space<hbm>>) target(%arg21 : memref<128x128xf32, #tpu.memory_space<vmem>>) offsets(%arg17 : memref<128xi32, #tpu.memory_space<vmem>>) semaphore(%arg28 : memref<!tpu.dma_semaphore, #tpu.memory_space<semaphore_mem>>)
        %dma_wait3A_101 = arith.constant 0 : i32
        %dma_wait3A_102 = arith.constant 0 : i32
        %dma_wait3A_103 = tpu.memref_slice %arg2[%dma_wait3A_101, %dma_wait3A_102] : memref<100000x128xf32, #tpu.memory_space<hbm>> -> memref<100000x128xf32, #tpu.memory_space<hbm>>
        tpu.wait_indirect_dma semaphore(%arg28 : memref<!tpu.dma_semaphore, #tpu.memory_space<semaphore_mem>>) src(%dma_wait3A_103 : memref<100000x128xf32, #tpu.memory_space<hbm>>) dst(%arg21 : memref<128x128xf32, #tpu.memory_space<vmem>>)
        %dma_start3A_104 = arith.constant 0 : i32
        %dma_start3A_105 = arith.constant 0 : i32
        %dma_start3A_106 = tpu.memref_slice %arg24[%dma_start3A_104, %dma_start3A_105] : memref<5120x128xf32, #tpu.memory_space<vmem_shared>> -> memref<5120x128xf32, #tpu.memory_space<vmem_shared>>
        tpu.enqueue_indirect_dma source(%arg21 : memref<128x128xf32, #tpu.memory_space<vmem>>) target(%dma_start3A_106 : memref<5120x128xf32, #tpu.memory_space<vmem_shared>>) offsets(%arg19 : memref<128xi32, #tpu.memory_space<vmem>>) semaphore(%arg30 : memref<!tpu.dma_semaphore, #tpu.memory_space<semaphore_mem>>) {add = true}
        %dma_wait3A_107 = arith.constant 0 : i32
        %dma_wait3A_108 = arith.constant 0 : i32
        %dma_wait3A_109 = tpu.memref_slice %arg24[%dma_wait3A_107, %dma_wait3A_108] : memref<5120x128xf32, #tpu.memory_space<vmem_shared>> -> memref<5120x128xf32, #tpu.memory_space<vmem_shared>>
        tpu.wait_indirect_dma semaphore(%arg29 : memref<!tpu.dma_semaphore, #tpu.memory_space<semaphore_mem>>) src(%arg20 : memref<128x128xf32, #tpu.memory_space<vmem>>) dst(%dma_wait3A_109 : memref<5120x128xf32, #tpu.memory_space<vmem_shared>>)
        %dma_wait3A_110 = arith.constant 0 : i32
        %dma_wait3A_111 = arith.constant 0 : i32
        %dma_wait3A_112 = tpu.memref_slice %arg24[%dma_wait3A_110, %dma_wait3A_111] : memref<5120x128xf32, #tpu.memory_space<vmem_shared>> -> memref<5120x128xf32, #tpu.memory_space<vmem_shared>>
        tpu.wait_indirect_dma semaphore(%arg30 : memref<!tpu.dma_semaphore, #tpu.memory_space<semaphore_mem>>) src(%arg21 : memref<128x128xf32, #tpu.memory_space<vmem>>) dst(%dma_wait3A_112 : memref<5120x128xf32, #tpu.memory_space<vmem_shared>>)
      }
      %scan3A_66 = arith.constant 62 : i32
      %mul3A = arith.constant 16000 : i32
      %mul3A_67 = arith.muli %arg1, %mul3A : i32
      %add3A = arith.constant 15872 : i32
      %add3A_68 = arith.addi %mul3A_67, %add3A : i32
      "tpu.region"() ({
        %run_scoped3A = tpu.sem_alloc : memref<!tpu.dma_semaphore, #tpu.memory_space<semaphore_mem>>
        %dma_start3A_74 = tpu.memref_slice %arg4[%add3A_68] : memref<256000xi32, #tpu.memory_space<hbm>> -> memref<128xi32, #tpu.memory_space<hbm>>
        %dma_start3A_75 = tpu.memref_slice %arg4[%add3A_68] : memref<256000xi32, #tpu.memory_space<hbm>> -> memref<128xi32, #tpu.memory_space<hbm>>
        tpu.enqueue_dma source(%dma_start3A_75 : memref<128xi32, #tpu.memory_space<hbm>>) target(%arg16 : memref<128xi32, #tpu.memory_space<vmem>>) target_semaphore(%run_scoped3A : memref<!tpu.dma_semaphore, #tpu.memory_space<semaphore_mem>>)
        %dma_wait3A_76 = tpu.memref_slice %arg4[%add3A_68] : memref<256000xi32, #tpu.memory_space<hbm>> -> memref<128xi32, #tpu.memory_space<hbm>>
        %dma_wait3A_77 = tpu.memref_slice %arg4[%add3A_68] : memref<256000xi32, #tpu.memory_space<hbm>> -> memref<128xi32, #tpu.memory_space<hbm>>
        tpu.wait_dma2 semaphore(%run_scoped3A : memref<!tpu.dma_semaphore, #tpu.memory_space<semaphore_mem>>) src(%dma_wait3A_77 : memref<128xi32, #tpu.memory_space<hbm>>) dst(%arg16 : memref<128xi32, #tpu.memory_space<vmem>>)
        tpu.yield
      }) : () -> ()
      "tpu.region"() ({
        %run_scoped3A = tpu.sem_alloc : memref<!tpu.dma_semaphore, #tpu.memory_space<semaphore_mem>>
        %dma_start3A_74 = tpu.memref_slice %arg6[%add3A_68] : memref<256000xi32, #tpu.memory_space<hbm>> -> memref<128xi32, #tpu.memory_space<hbm>>
        %dma_start3A_75 = tpu.memref_slice %arg6[%add3A_68] : memref<256000xi32, #tpu.memory_space<hbm>> -> memref<128xi32, #tpu.memory_space<hbm>>
        tpu.enqueue_dma source(%dma_start3A_75 : memref<128xi32, #tpu.memory_space<hbm>>) target(%arg18 : memref<128xi32, #tpu.memory_space<vmem>>) target_semaphore(%run_scoped3A : memref<!tpu.dma_semaphore, #tpu.memory_space<semaphore_mem>>)
        %dma_wait3A_76 = tpu.memref_slice %arg6[%add3A_68] : memref<256000xi32, #tpu.memory_space<hbm>> -> memref<128xi32, #tpu.memory_space<hbm>>
        %dma_wait3A_77 = tpu.memref_slice %arg6[%add3A_68] : memref<256000xi32, #tpu.memory_space<hbm>> -> memref<128xi32, #tpu.memory_space<hbm>>
        tpu.wait_dma2 semaphore(%run_scoped3A : memref<!tpu.dma_semaphore, #tpu.memory_space<semaphore_mem>>) src(%dma_wait3A_77 : memref<128xi32, #tpu.memory_space<hbm>>) dst(%arg18 : memref<128xi32, #tpu.memory_space<vmem>>)
        tpu.yield
      }) : () -> ()
      %dma_start3A = arith.constant 0 : i32
      %dma_start3A_69 = arith.constant 0 : i32
      %dma_start3A_70 = tpu.memref_slice %arg2[%dma_start3A, %dma_start3A_69] : memref<100000x128xf32, #tpu.memory_space<hbm>> -> memref<100000x128xf32, #tpu.memory_space<hbm>>
      tpu.enqueue_indirect_dma source(%dma_start3A_70 : memref<100000x128xf32, #tpu.memory_space<hbm>>) target(%arg20 : memref<128x128xf32, #tpu.memory_space<vmem>>) offsets(%arg16 : memref<128xi32, #tpu.memory_space<vmem>>) semaphore(%arg27 : memref<!tpu.dma_semaphore, #tpu.memory_space<semaphore_mem>>)
      %dma_wait3A = arith.constant 0 : i32
      %dma_wait3A_71 = arith.constant 0 : i32
      %dma_wait3A_72 = tpu.memref_slice %arg2[%dma_wait3A, %dma_wait3A_71] : memref<100000x128xf32, #tpu.memory_space<hbm>> -> memref<100000x128xf32, #tpu.memory_space<hbm>>
      tpu.wait_indirect_dma semaphore(%arg27 : memref<!tpu.dma_semaphore, #tpu.memory_space<semaphore_mem>>) src(%dma_wait3A_72 : memref<100000x128xf32, #tpu.memory_space<hbm>>) dst(%arg20 : memref<128x128xf32, #tpu.memory_space<vmem>>)
      "tpu.region"() ({
        %run_scoped3A = tpu.sem_alloc : memref<!tpu.dma_semaphore, #tpu.memory_space<semaphore_mem>>
        %dma_start3A_74 = arith.constant 0 : i32
        %dma_start3A_75 = arith.constant 0 : i32
        %dma_start3A_76 = tpu.memref_slice %arg24[%dma_start3A_74, %dma_start3A_75] : memref<5120x128xf32, #tpu.memory_space<vmem_shared>> -> memref<5120x128xf32, #tpu.memory_space<vmem_shared>>
        tpu.enqueue_indirect_dma source(%arg20 : memref<128x128xf32, #tpu.memory_space<vmem>>) target(%dma_start3A_76 : memref<5120x128xf32, #tpu.memory_space<vmem_shared>>) offsets(%arg18 : memref<128xi32, #tpu.memory_space<vmem>>) semaphore(%run_scoped3A : memref<!tpu.dma_semaphore, #tpu.memory_space<semaphore_mem>>) {add = true}
        %dma_wait3A_77 = arith.constant 0 : i32
        %dma_wait3A_78 = arith.constant 0 : i32
        %dma_wait3A_79 = tpu.memref_slice %arg24[%dma_wait3A_77, %dma_wait3A_78] : memref<5120x128xf32, #tpu.memory_space<vmem_shared>> -> memref<5120x128xf32, #tpu.memory_space<vmem_shared>>
        tpu.wait_indirect_dma semaphore(%run_scoped3A : memref<!tpu.dma_semaphore, #tpu.memory_space<semaphore_mem>>) src(%arg20 : memref<128x128xf32, #tpu.memory_space<vmem>>) dst(%dma_wait3A_79 : memref<5120x128xf32, #tpu.memory_space<vmem_shared>>)
        tpu.yield
      }) : () -> ()
      %barrier3A_73 = arith.constant 0 : index
      tpu.barrier barrier_id(%barrier3A_73)
    } else {
    }
    %eq3A_6 = arith.constant 1 : i32
    %eq3A_7 = arith.cmpi eq, %arg0, %eq3A_6 : i32
    %convert_element_type3A_8 = arith.extui %eq3A_7 : i1 to i32
    %cond3A_9 = arith.constant 0 : i32
    %cond3A_10 = arith.cmpi ne, %convert_element_type3A_8, %cond3A_9 : i32
    scf.if %cond3A_10 {
      %scan3A = arith.constant 0 : i32
      %scan3A_62 = arith.constant 0 : i32
      %scan3A_63 = arith.constant 62 : i32
      %scan3A_64 = arith.addi %scan3A_62, %scan3A_63 : i32
      %scan3A_65 = arith.constant 1 : i32
      scf.for %scan3A_74 = %scan3A_62 to %scan3A_64 step %scan3A_65  : i32 {
        %mul3A_75 = arith.constant 2 : i32
        %mul3A_76 = arith.muli %mul3A_75, %scan3A_74 : i32
        %mul3A_77 = arith.constant 16000 : i32
        %mul3A_78 = arith.muli %arg1, %mul3A_77 : i32
        %mul3A_79 = arith.constant 128 : i32
        %mul3A_80 = arith.muli %mul3A_76, %mul3A_79 : i32
        %add3A_81 = arith.addi %mul3A_78, %mul3A_80 : i32
        "tpu.region"() ({
          %run_scoped3A = tpu.sem_alloc : memref<!tpu.dma_semaphore, #tpu.memory_space<semaphore_mem>>
          %dma_start3A_113 = tpu.memref_slice %arg4[%add3A_81] : memref<256000xi32, #tpu.memory_space<hbm>> -> memref<128xi32, #tpu.memory_space<hbm>>
          %dma_start3A_114 = tpu.memref_slice %arg4[%add3A_81] : memref<256000xi32, #tpu.memory_space<hbm>> -> memref<128xi32, #tpu.memory_space<hbm>>
          tpu.enqueue_dma source(%dma_start3A_114 : memref<128xi32, #tpu.memory_space<hbm>>) target(%arg16 : memref<128xi32, #tpu.memory_space<vmem>>) target_semaphore(%run_scoped3A : memref<!tpu.dma_semaphore, #tpu.memory_space<semaphore_mem>>)
          %dma_wait3A_115 = tpu.memref_slice %arg4[%add3A_81] : memref<256000xi32, #tpu.memory_space<hbm>> -> memref<128xi32, #tpu.memory_space<hbm>>
          %dma_wait3A_116 = tpu.memref_slice %arg4[%add3A_81] : memref<256000xi32, #tpu.memory_space<hbm>> -> memref<128xi32, #tpu.memory_space<hbm>>
          tpu.wait_dma2 semaphore(%run_scoped3A : memref<!tpu.dma_semaphore, #tpu.memory_space<semaphore_mem>>) src(%dma_wait3A_116 : memref<128xi32, #tpu.memory_space<hbm>>) dst(%arg16 : memref<128xi32, #tpu.memory_space<vmem>>)
          tpu.yield
        }) : () -> ()
        "tpu.region"() ({
          %run_scoped3A = tpu.sem_alloc : memref<!tpu.dma_semaphore, #tpu.memory_space<semaphore_mem>>
          %dma_start3A_113 = tpu.memref_slice %arg7[%add3A_81] : memref<256000xi32, #tpu.memory_space<hbm>> -> memref<128xi32, #tpu.memory_space<hbm>>
          %dma_start3A_114 = tpu.memref_slice %arg7[%add3A_81] : memref<256000xi32, #tpu.memory_space<hbm>> -> memref<128xi32, #tpu.memory_space<hbm>>
          tpu.enqueue_dma source(%dma_start3A_114 : memref<128xi32, #tpu.memory_space<hbm>>) target(%arg18 : memref<128xi32, #tpu.memory_space<vmem>>) target_semaphore(%run_scoped3A : memref<!tpu.dma_semaphore, #tpu.memory_space<semaphore_mem>>)
          %dma_wait3A_115 = tpu.memref_slice %arg7[%add3A_81] : memref<256000xi32, #tpu.memory_space<hbm>> -> memref<128xi32, #tpu.memory_space<hbm>>
          %dma_wait3A_116 = tpu.memref_slice %arg7[%add3A_81] : memref<256000xi32, #tpu.memory_space<hbm>> -> memref<128xi32, #tpu.memory_space<hbm>>
          tpu.wait_dma2 semaphore(%run_scoped3A : memref<!tpu.dma_semaphore, #tpu.memory_space<semaphore_mem>>) src(%dma_wait3A_116 : memref<128xi32, #tpu.memory_space<hbm>>) dst(%arg18 : memref<128xi32, #tpu.memory_space<vmem>>)
          tpu.yield
        }) : () -> ()
        %dma_start3A_82 = arith.constant 0 : i32
        %dma_start3A_83 = arith.constant 0 : i32
        %dma_start3A_84 = tpu.memref_slice %arg2[%dma_start3A_82, %dma_start3A_83] : memref<100000x128xf32, #tpu.memory_space<hbm>> -> memref<100000x128xf32, #tpu.memory_space<hbm>>
        tpu.enqueue_indirect_dma source(%dma_start3A_84 : memref<100000x128xf32, #tpu.memory_space<hbm>>) target(%arg20 : memref<128x128xf32, #tpu.memory_space<vmem>>) offsets(%arg16 : memref<128xi32, #tpu.memory_space<vmem>>) semaphore(%arg27 : memref<!tpu.dma_semaphore, #tpu.memory_space<semaphore_mem>>)
        %add3A_85 = arith.constant 1 : i32
        %add3A_86 = arith.addi %mul3A_76, %add3A_85 : i32
        %mul3A_87 = arith.constant 16000 : i32
        %mul3A_88 = arith.muli %arg1, %mul3A_87 : i32
        %mul3A_89 = arith.constant 128 : i32
        %mul3A_90 = arith.muli %add3A_86, %mul3A_89 : i32
        %add3A_91 = arith.addi %mul3A_88, %mul3A_90 : i32
        "tpu.region"() ({
          %run_scoped3A = tpu.sem_alloc : memref<!tpu.dma_semaphore, #tpu.memory_space<semaphore_mem>>
          %dma_start3A_113 = tpu.memref_slice %arg4[%add3A_91] : memref<256000xi32, #tpu.memory_space<hbm>> -> memref<128xi32, #tpu.memory_space<hbm>>
          %dma_start3A_114 = tpu.memref_slice %arg4[%add3A_91] : memref<256000xi32, #tpu.memory_space<hbm>> -> memref<128xi32, #tpu.memory_space<hbm>>
          tpu.enqueue_dma source(%dma_start3A_114 : memref<128xi32, #tpu.memory_space<hbm>>) target(%arg17 : memref<128xi32, #tpu.memory_space<vmem>>) target_semaphore(%run_scoped3A : memref<!tpu.dma_semaphore, #tpu.memory_space<semaphore_mem>>)
          %dma_wait3A_115 = tpu.memref_slice %arg4[%add3A_91] : memref<256000xi32, #tpu.memory_space<hbm>> -> memref<128xi32, #tpu.memory_space<hbm>>
          %dma_wait3A_116 = tpu.memref_slice %arg4[%add3A_91] : memref<256000xi32, #tpu.memory_space<hbm>> -> memref<128xi32, #tpu.memory_space<hbm>>
          tpu.wait_dma2 semaphore(%run_scoped3A : memref<!tpu.dma_semaphore, #tpu.memory_space<semaphore_mem>>) src(%dma_wait3A_116 : memref<128xi32, #tpu.memory_space<hbm>>) dst(%arg17 : memref<128xi32, #tpu.memory_space<vmem>>)
          tpu.yield
        }) : () -> ()
        "tpu.region"() ({
          %run_scoped3A = tpu.sem_alloc : memref<!tpu.dma_semaphore, #tpu.memory_space<semaphore_mem>>
          %dma_start3A_113 = tpu.memref_slice %arg7[%add3A_91] : memref<256000xi32, #tpu.memory_space<hbm>> -> memref<128xi32, #tpu.memory_space<hbm>>
          %dma_start3A_114 = tpu.memref_slice %arg7[%add3A_91] : memref<256000xi32, #tpu.memory_space<hbm>> -> memref<128xi32, #tpu.memory_space<hbm>>
          tpu.enqueue_dma source(%dma_start3A_114 : memref<128xi32, #tpu.memory_space<hbm>>) target(%arg19 : memref<128xi32, #tpu.memory_space<vmem>>) target_semaphore(%run_scoped3A : memref<!tpu.dma_semaphore, #tpu.memory_space<semaphore_mem>>)
          %dma_wait3A_115 = tpu.memref_slice %arg7[%add3A_91] : memref<256000xi32, #tpu.memory_space<hbm>> -> memref<128xi32, #tpu.memory_space<hbm>>
          %dma_wait3A_116 = tpu.memref_slice %arg7[%add3A_91] : memref<256000xi32, #tpu.memory_space<hbm>> -> memref<128xi32, #tpu.memory_space<hbm>>
          tpu.wait_dma2 semaphore(%run_scoped3A : memref<!tpu.dma_semaphore, #tpu.memory_space<semaphore_mem>>) src(%dma_wait3A_116 : memref<128xi32, #tpu.memory_space<hbm>>) dst(%arg19 : memref<128xi32, #tpu.memory_space<vmem>>)
          tpu.yield
        }) : () -> ()
        %dma_wait3A_92 = arith.constant 0 : i32
        %dma_wait3A_93 = arith.constant 0 : i32
        %dma_wait3A_94 = tpu.memref_slice %arg2[%dma_wait3A_92, %dma_wait3A_93] : memref<100000x128xf32, #tpu.memory_space<hbm>> -> memref<100000x128xf32, #tpu.memory_space<hbm>>
        tpu.wait_indirect_dma semaphore(%arg27 : memref<!tpu.dma_semaphore, #tpu.memory_space<semaphore_mem>>) src(%dma_wait3A_94 : memref<100000x128xf32, #tpu.memory_space<hbm>>) dst(%arg20 : memref<128x128xf32, #tpu.memory_space<vmem>>)
        %dma_start3A_95 = arith.constant 0 : i32
        %dma_start3A_96 = arith.constant 0 : i32
        %dma_start3A_97 = tpu.memref_slice %arg24[%dma_start3A_95, %dma_start3A_96] : memref<5120x128xf32, #tpu.memory_space<vmem_shared>> -> memref<5120x128xf32, #tpu.memory_space<vmem_shared>>
        tpu.enqueue_indirect_dma source(%arg20 : memref<128x128xf32, #tpu.memory_space<vmem>>) target(%dma_start3A_97 : memref<5120x128xf32, #tpu.memory_space<vmem_shared>>) offsets(%arg18 : memref<128xi32, #tpu.memory_space<vmem>>) semaphore(%arg29 : memref<!tpu.dma_semaphore, #tpu.memory_space<semaphore_mem>>) {add = true}
        %dma_start3A_98 = arith.constant 0 : i32
        %dma_start3A_99 = arith.constant 0 : i32
        %dma_start3A_100 = tpu.memref_slice %arg2[%dma_start3A_98, %dma_start3A_99] : memref<100000x128xf32, #tpu.memory_space<hbm>> -> memref<100000x128xf32, #tpu.memory_space<hbm>>
        tpu.enqueue_indirect_dma source(%dma_start3A_100 : memref<100000x128xf32, #tpu.memory_space<hbm>>) target(%arg21 : memref<128x128xf32, #tpu.memory_space<vmem>>) offsets(%arg17 : memref<128xi32, #tpu.memory_space<vmem>>) semaphore(%arg28 : memref<!tpu.dma_semaphore, #tpu.memory_space<semaphore_mem>>)
        %dma_wait3A_101 = arith.constant 0 : i32
        %dma_wait3A_102 = arith.constant 0 : i32
        %dma_wait3A_103 = tpu.memref_slice %arg2[%dma_wait3A_101, %dma_wait3A_102] : memref<100000x128xf32, #tpu.memory_space<hbm>> -> memref<100000x128xf32, #tpu.memory_space<hbm>>
        tpu.wait_indirect_dma semaphore(%arg28 : memref<!tpu.dma_semaphore, #tpu.memory_space<semaphore_mem>>) src(%dma_wait3A_103 : memref<100000x128xf32, #tpu.memory_space<hbm>>) dst(%arg21 : memref<128x128xf32, #tpu.memory_space<vmem>>)
        %dma_start3A_104 = arith.constant 0 : i32
        %dma_start3A_105 = arith.constant 0 : i32
        %dma_start3A_106 = tpu.memref_slice %arg24[%dma_start3A_104, %dma_start3A_105] : memref<5120x128xf32, #tpu.memory_space<vmem_shared>> -> memref<5120x128xf32, #tpu.memory_space<vmem_shared>>
        tpu.enqueue_indirect_dma source(%arg21 : memref<128x128xf32, #tpu.memory_space<vmem>>) target(%dma_start3A_106 : memref<5120x128xf32, #tpu.memory_space<vmem_shared>>) offsets(%arg19 : memref<128xi32, #tpu.memory_space<vmem>>) semaphore(%arg30 : memref<!tpu.dma_semaphore, #tpu.memory_space<semaphore_mem>>) {add = true}
        %dma_wait3A_107 = arith.constant 0 : i32
        %dma_wait3A_108 = arith.constant 0 : i32
        %dma_wait3A_109 = tpu.memref_slice %arg24[%dma_wait3A_107, %dma_wait3A_108] : memref<5120x128xf32, #tpu.memory_space<vmem_shared>> -> memref<5120x128xf32, #tpu.memory_space<vmem_shared>>
        tpu.wait_indirect_dma semaphore(%arg29 : memref<!tpu.dma_semaphore, #tpu.memory_space<semaphore_mem>>) src(%arg20 : memref<128x128xf32, #tpu.memory_space<vmem>>) dst(%dma_wait3A_109 : memref<5120x128xf32, #tpu.memory_space<vmem_shared>>)
        %dma_wait3A_110 = arith.constant 0 : i32
        %dma_wait3A_111 = arith.constant 0 : i32
        %dma_wait3A_112 = tpu.memref_slice %arg24[%dma_wait3A_110, %dma_wait3A_111] : memref<5120x128xf32, #tpu.memory_space<vmem_shared>> -> memref<5120x128xf32, #tpu.memory_space<vmem_shared>>
        tpu.wait_indirect_dma semaphore(%arg30 : memref<!tpu.dma_semaphore, #tpu.memory_space<semaphore_mem>>) src(%arg21 : memref<128x128xf32, #tpu.memory_space<vmem>>) dst(%dma_wait3A_112 : memref<5120x128xf32, #tpu.memory_space<vmem_shared>>)
      }
      %scan3A_66 = arith.constant 62 : i32
      %mul3A = arith.constant 16000 : i32
      %mul3A_67 = arith.muli %arg1, %mul3A : i32
      %add3A = arith.constant 15872 : i32
      %add3A_68 = arith.addi %mul3A_67, %add3A : i32
      "tpu.region"() ({
        %run_scoped3A = tpu.sem_alloc : memref<!tpu.dma_semaphore, #tpu.memory_space<semaphore_mem>>
        %dma_start3A_74 = tpu.memref_slice %arg4[%add3A_68] : memref<256000xi32, #tpu.memory_space<hbm>> -> memref<128xi32, #tpu.memory_space<hbm>>
        %dma_start3A_75 = tpu.memref_slice %arg4[%add3A_68] : memref<256000xi32, #tpu.memory_space<hbm>> -> memref<128xi32, #tpu.memory_space<hbm>>
        tpu.enqueue_dma source(%dma_start3A_75 : memref<128xi32, #tpu.memory_space<hbm>>) target(%arg16 : memref<128xi32, #tpu.memory_space<vmem>>) target_semaphore(%run_scoped3A : memref<!tpu.dma_semaphore, #tpu.memory_space<semaphore_mem>>)
        %dma_wait3A_76 = tpu.memref_slice %arg4[%add3A_68] : memref<256000xi32, #tpu.memory_space<hbm>> -> memref<128xi32, #tpu.memory_space<hbm>>
        %dma_wait3A_77 = tpu.memref_slice %arg4[%add3A_68] : memref<256000xi32, #tpu.memory_space<hbm>> -> memref<128xi32, #tpu.memory_space<hbm>>
        tpu.wait_dma2 semaphore(%run_scoped3A : memref<!tpu.dma_semaphore, #tpu.memory_space<semaphore_mem>>) src(%dma_wait3A_77 : memref<128xi32, #tpu.memory_space<hbm>>) dst(%arg16 : memref<128xi32, #tpu.memory_space<vmem>>)
        tpu.yield
      }) : () -> ()
      "tpu.region"() ({
        %run_scoped3A = tpu.sem_alloc : memref<!tpu.dma_semaphore, #tpu.memory_space<semaphore_mem>>
        %dma_start3A_74 = tpu.memref_slice %arg7[%add3A_68] : memref<256000xi32, #tpu.memory_space<hbm>> -> memref<128xi32, #tpu.memory_space<hbm>>
        %dma_start3A_75 = tpu.memref_slice %arg7[%add3A_68] : memref<256000xi32, #tpu.memory_space<hbm>> -> memref<128xi32, #tpu.memory_space<hbm>>
        tpu.enqueue_dma source(%dma_start3A_75 : memref<128xi32, #tpu.memory_space<hbm>>) target(%arg18 : memref<128xi32, #tpu.memory_space<vmem>>) target_semaphore(%run_scoped3A : memref<!tpu.dma_semaphore, #tpu.memory_space<semaphore_mem>>)
        %dma_wait3A_76 = tpu.memref_slice %arg7[%add3A_68] : memref<256000xi32, #tpu.memory_space<hbm>> -> memref<128xi32, #tpu.memory_space<hbm>>
        %dma_wait3A_77 = tpu.memref_slice %arg7[%add3A_68] : memref<256000xi32, #tpu.memory_space<hbm>> -> memref<128xi32, #tpu.memory_space<hbm>>
        tpu.wait_dma2 semaphore(%run_scoped3A : memref<!tpu.dma_semaphore, #tpu.memory_space<semaphore_mem>>) src(%dma_wait3A_77 : memref<128xi32, #tpu.memory_space<hbm>>) dst(%arg18 : memref<128xi32, #tpu.memory_space<vmem>>)
        tpu.yield
      }) : () -> ()
      %dma_start3A = arith.constant 0 : i32
      %dma_start3A_69 = arith.constant 0 : i32
      %dma_start3A_70 = tpu.memref_slice %arg2[%dma_start3A, %dma_start3A_69] : memref<100000x128xf32, #tpu.memory_space<hbm>> -> memref<100000x128xf32, #tpu.memory_space<hbm>>
      tpu.enqueue_indirect_dma source(%dma_start3A_70 : memref<100000x128xf32, #tpu.memory_space<hbm>>) target(%arg20 : memref<128x128xf32, #tpu.memory_space<vmem>>) offsets(%arg16 : memref<128xi32, #tpu.memory_space<vmem>>) semaphore(%arg27 : memref<!tpu.dma_semaphore, #tpu.memory_space<semaphore_mem>>)
      %dma_wait3A = arith.constant 0 : i32
      %dma_wait3A_71 = arith.constant 0 : i32
      %dma_wait3A_72 = tpu.memref_slice %arg2[%dma_wait3A, %dma_wait3A_71] : memref<100000x128xf32, #tpu.memory_space<hbm>> -> memref<100000x128xf32, #tpu.memory_space<hbm>>
      tpu.wait_indirect_dma semaphore(%arg27 : memref<!tpu.dma_semaphore, #tpu.memory_space<semaphore_mem>>) src(%dma_wait3A_72 : memref<100000x128xf32, #tpu.memory_space<hbm>>) dst(%arg20 : memref<128x128xf32, #tpu.memory_space<vmem>>)
      "tpu.region"() ({
        %run_scoped3A = tpu.sem_alloc : memref<!tpu.dma_semaphore, #tpu.memory_space<semaphore_mem>>
        %dma_start3A_74 = arith.constant 0 : i32
        %dma_start3A_75 = arith.constant 0 : i32
        %dma_start3A_76 = tpu.memref_slice %arg24[%dma_start3A_74, %dma_start3A_75] : memref<5120x128xf32, #tpu.memory_space<vmem_shared>> -> memref<5120x128xf32, #tpu.memory_space<vmem_shared>>
        tpu.enqueue_indirect_dma source(%arg20 : memref<128x128xf32, #tpu.memory_space<vmem>>) target(%dma_start3A_76 : memref<5120x128xf32, #tpu.memory_space<vmem_shared>>) offsets(%arg18 : memref<128xi32, #tpu.memory_space<vmem>>) semaphore(%run_scoped3A : memref<!tpu.dma_semaphore, #tpu.memory_space<semaphore_mem>>) {add = true}
        %dma_wait3A_77 = arith.constant 0 : i32
        %dma_wait3A_78 = arith.constant 0 : i32
        %dma_wait3A_79 = tpu.memref_slice %arg24[%dma_wait3A_77, %dma_wait3A_78] : memref<5120x128xf32, #tpu.memory_space<vmem_shared>> -> memref<5120x128xf32, #tpu.memory_space<vmem_shared>>
        tpu.wait_indirect_dma semaphore(%run_scoped3A : memref<!tpu.dma_semaphore, #tpu.memory_space<semaphore_mem>>) src(%arg20 : memref<128x128xf32, #tpu.memory_space<vmem>>) dst(%dma_wait3A_79 : memref<5120x128xf32, #tpu.memory_space<vmem_shared>>)
        tpu.yield
      }) : () -> ()
      %barrier3A_73 = arith.constant 0 : index
      tpu.barrier barrier_id(%barrier3A_73)
    } else {
    }
    %lt3A_11 = arith.constant 5 : i32
    %lt3A_12 = arith.cmpi slt, %arg1, %lt3A_11 : i32
    %convert_element_type3A_13 = arith.extui %lt3A_12 : i1 to i32
    %cond3A_14 = arith.constant 0 : i32
    %cond3A_15 = arith.cmpi ne, %convert_element_type3A_13, %cond3A_14 : i32
    scf.if %cond3A_15 {
      %mul3A = arith.constant 1000 : i32
      %mul3A_62 = arith.muli %arg1, %mul3A : i32
      %mul3A_63 = arith.constant 5000 : i32
      %mul3A_64 = arith.muli %arg0, %mul3A_63 : i32
      %mul3A_65 = arith.constant 1000 : i32
      %mul3A_66 = arith.muli %arg1, %mul3A_65 : i32
      %add3A = arith.addi %mul3A_64, %mul3A_66 : i32
      "tpu.region"() ({
        %run_scoped3A = tpu.sem_alloc : memref<!tpu.dma_semaphore, #tpu.memory_space<semaphore_mem>>
        %dma_start3A = arith.constant 0 : i32
        %dma_start3A_67 = tpu.memref_slice %arg13[%add3A, %dma_start3A] : memref<10000x128xf32, #tpu.memory_space<hbm>> -> memref<1000x128xf32, #tpu.memory_space<hbm>>
        %dma_start3A_68 = arith.constant 0 : i32
        %dma_start3A_69 = tpu.memref_slice %arg24[%mul3A_62, %dma_start3A_68] : memref<5120x128xf32, #tpu.memory_space<vmem_shared>> -> memref<1000x128xf32, #tpu.memory_space<vmem_shared>>
        tpu.enqueue_dma source(%dma_start3A_69 : memref<1000x128xf32, #tpu.memory_space<vmem_shared>>) target(%dma_start3A_67 : memref<1000x128xf32, #tpu.memory_space<hbm>>) target_semaphore(%run_scoped3A : memref<!tpu.dma_semaphore, #tpu.memory_space<semaphore_mem>>)
        %dma_wait3A = arith.constant 0 : i32
        %dma_wait3A_70 = tpu.memref_slice %arg13[%add3A, %dma_wait3A] : memref<10000x128xf32, #tpu.memory_space<hbm>> -> memref<1000x128xf32, #tpu.memory_space<hbm>>
        %dma_wait3A_71 = arith.constant 0 : i32
        %dma_wait3A_72 = tpu.memref_slice %arg24[%mul3A_62, %dma_wait3A_71] : memref<5120x128xf32, #tpu.memory_space<vmem_shared>> -> memref<1000x128xf32, #tpu.memory_space<vmem_shared>>
        tpu.wait_dma2 semaphore(%run_scoped3A : memref<!tpu.dma_semaphore, #tpu.memory_space<semaphore_mem>>) src(%dma_wait3A_72 : memref<1000x128xf32, #tpu.memory_space<vmem_shared>>) dst(%dma_wait3A_70 : memref<1000x128xf32, #tpu.memory_space<hbm>>)
        tpu.yield
      }) : () -> ()
    } else {
    }
    %barrier3A_16 = arith.constant 0 : index
    tpu.barrier barrier_id(%barrier3A_16)
    %lt3A_17 = arith.constant 5 : i32
    %lt3A_18 = arith.cmpi slt, %arg1, %lt3A_17 : i32
    %convert_element_type3A_19 = arith.extui %lt3A_18 : i1 to i32
    %cond3A_20 = arith.constant 0 : i32
    %cond3A_21 = arith.cmpi ne, %convert_element_type3A_19, %cond3A_20 : i32
    scf.if %cond3A_21 {
      %mul3A = arith.constant 1024 : i32
      %mul3A_62 = arith.muli %arg1, %mul3A : i32
      "tpu.region"() ({
        %run_scoped3A = tpu.sem_alloc : memref<!tpu.dma_semaphore, #tpu.memory_space<semaphore_mem>>
        %dma_start3A = arith.constant 0 : i32
        %dma_start3A_63 = tpu.memref_slice %arg24[%mul3A_62, %dma_start3A] : memref<5120x128xf32, #tpu.memory_space<vmem_shared>> -> memref<1024x128xf32, #tpu.memory_space<vmem_shared>>
        %dma_start3A_64 = arith.constant 0 : i32
        %dma_start3A_65 = tpu.memref_slice %arg10[%mul3A_62, %dma_start3A_64] : memref<5120x128xf32, #tpu.memory_space<hbm>> -> memref<1024x128xf32, #tpu.memory_space<hbm>>
        tpu.enqueue_dma source(%dma_start3A_65 : memref<1024x128xf32, #tpu.memory_space<hbm>>) target(%dma_start3A_63 : memref<1024x128xf32, #tpu.memory_space<vmem_shared>>) target_semaphore(%run_scoped3A : memref<!tpu.dma_semaphore, #tpu.memory_space<semaphore_mem>>)
        %dma_wait3A = arith.constant 0 : i32
        %dma_wait3A_66 = tpu.memref_slice %arg24[%mul3A_62, %dma_wait3A] : memref<5120x128xf32, #tpu.memory_space<vmem_shared>> -> memref<1024x128xf32, #tpu.memory_space<vmem_shared>>
        %dma_wait3A_67 = arith.constant 0 : i32
        %dma_wait3A_68 = tpu.memref_slice %arg10[%mul3A_62, %dma_wait3A_67] : memref<5120x128xf32, #tpu.memory_space<hbm>> -> memref<1024x128xf32, #tpu.memory_space<hbm>>
        tpu.wait_dma2 semaphore(%run_scoped3A : memref<!tpu.dma_semaphore, #tpu.memory_space<semaphore_mem>>) src(%dma_wait3A_68 : memref<1024x128xf32, #tpu.memory_space<hbm>>) dst(%dma_wait3A_66 : memref<1024x128xf32, #tpu.memory_space<vmem_shared>>)
        tpu.yield
      }) : () -> ()
    } else {
    }
    %barrier3A_22 = arith.constant 0 : index
    tpu.barrier barrier_id(%barrier3A_22)
    %eq3A_23 = arith.constant 0 : i32
    %eq3A_24 = arith.cmpi eq, %arg0, %eq3A_23 : i32
    %convert_element_type3A_25 = arith.extui %eq3A_24 : i1 to i32
    %cond3A_26 = arith.constant 0 : i32
    %cond3A_27 = arith.cmpi ne, %convert_element_type3A_25, %cond3A_26 : i32
    scf.if %cond3A_27 {
      %scan3A = arith.constant 0 : i32
      %scan3A_62 = arith.constant 0 : i32
      %scan3A_63 = arith.constant 62 : i32
      %scan3A_64 = arith.addi %scan3A_62, %scan3A_63 : i32
      %scan3A_65 = arith.constant 1 : i32
      scf.for %scan3A_74 = %scan3A_62 to %scan3A_64 step %scan3A_65  : i32 {
        %mul3A_75 = arith.constant 2 : i32
        %mul3A_76 = arith.muli %mul3A_75, %scan3A_74 : i32
        %mul3A_77 = arith.constant 16000 : i32
        %mul3A_78 = arith.muli %arg1, %mul3A_77 : i32
        %mul3A_79 = arith.constant 128 : i32
        %mul3A_80 = arith.muli %mul3A_76, %mul3A_79 : i32
        %add3A_81 = arith.addi %mul3A_78, %mul3A_80 : i32
        "tpu.region"() ({
          %run_scoped3A = tpu.sem_alloc : memref<!tpu.dma_semaphore, #tpu.memory_space<semaphore_mem>>
          %dma_start3A_113 = tpu.memref_slice %arg5[%add3A_81] : memref<256000xi32, #tpu.memory_space<hbm>> -> memref<128xi32, #tpu.memory_space<hbm>>
          %dma_start3A_114 = tpu.memref_slice %arg5[%add3A_81] : memref<256000xi32, #tpu.memory_space<hbm>> -> memref<128xi32, #tpu.memory_space<hbm>>
          tpu.enqueue_dma source(%dma_start3A_114 : memref<128xi32, #tpu.memory_space<hbm>>) target(%arg16 : memref<128xi32, #tpu.memory_space<vmem>>) target_semaphore(%run_scoped3A : memref<!tpu.dma_semaphore, #tpu.memory_space<semaphore_mem>>)
          %dma_wait3A_115 = tpu.memref_slice %arg5[%add3A_81] : memref<256000xi32, #tpu.memory_space<hbm>> -> memref<128xi32, #tpu.memory_space<hbm>>
          %dma_wait3A_116 = tpu.memref_slice %arg5[%add3A_81] : memref<256000xi32, #tpu.memory_space<hbm>> -> memref<128xi32, #tpu.memory_space<hbm>>
          tpu.wait_dma2 semaphore(%run_scoped3A : memref<!tpu.dma_semaphore, #tpu.memory_space<semaphore_mem>>) src(%dma_wait3A_116 : memref<128xi32, #tpu.memory_space<hbm>>) dst(%arg16 : memref<128xi32, #tpu.memory_space<vmem>>)
          tpu.yield
        }) : () -> ()
        "tpu.region"() ({
          %run_scoped3A = tpu.sem_alloc : memref<!tpu.dma_semaphore, #tpu.memory_space<semaphore_mem>>
          %dma_start3A_113 = tpu.memref_slice %arg8[%add3A_81] : memref<256000xi32, #tpu.memory_space<hbm>> -> memref<128xi32, #tpu.memory_space<hbm>>
          %dma_start3A_114 = tpu.memref_slice %arg8[%add3A_81] : memref<256000xi32, #tpu.memory_space<hbm>> -> memref<128xi32, #tpu.memory_space<hbm>>
          tpu.enqueue_dma source(%dma_start3A_114 : memref<128xi32, #tpu.memory_space<hbm>>) target(%arg18 : memref<128xi32, #tpu.memory_space<vmem>>) target_semaphore(%run_scoped3A : memref<!tpu.dma_semaphore, #tpu.memory_space<semaphore_mem>>)
          %dma_wait3A_115 = tpu.memref_slice %arg8[%add3A_81] : memref<256000xi32, #tpu.memory_space<hbm>> -> memref<128xi32, #tpu.memory_space<hbm>>
          %dma_wait3A_116 = tpu.memref_slice %arg8[%add3A_81] : memref<256000xi32, #tpu.memory_space<hbm>> -> memref<128xi32, #tpu.memory_space<hbm>>
          tpu.wait_dma2 semaphore(%run_scoped3A : memref<!tpu.dma_semaphore, #tpu.memory_space<semaphore_mem>>) src(%dma_wait3A_116 : memref<128xi32, #tpu.memory_space<hbm>>) dst(%arg18 : memref<128xi32, #tpu.memory_space<vmem>>)
          tpu.yield
        }) : () -> ()
        %dma_start3A_82 = arith.constant 0 : i32
        %dma_start3A_83 = arith.constant 0 : i32
        %dma_start3A_84 = tpu.memref_slice %arg3[%dma_start3A_82, %dma_start3A_83] : memref<50000x128xf32, #tpu.memory_space<hbm>> -> memref<50000x128xf32, #tpu.memory_space<hbm>>
        tpu.enqueue_indirect_dma source(%dma_start3A_84 : memref<50000x128xf32, #tpu.memory_space<hbm>>) target(%arg20 : memref<128x128xf32, #tpu.memory_space<vmem>>) offsets(%arg16 : memref<128xi32, #tpu.memory_space<vmem>>) semaphore(%arg27 : memref<!tpu.dma_semaphore, #tpu.memory_space<semaphore_mem>>)
        %add3A_85 = arith.constant 1 : i32
        %add3A_86 = arith.addi %mul3A_76, %add3A_85 : i32
        %mul3A_87 = arith.constant 16000 : i32
        %mul3A_88 = arith.muli %arg1, %mul3A_87 : i32
        %mul3A_89 = arith.constant 128 : i32
        %mul3A_90 = arith.muli %add3A_86, %mul3A_89 : i32
        %add3A_91 = arith.addi %mul3A_88, %mul3A_90 : i32
        "tpu.region"() ({
          %run_scoped3A = tpu.sem_alloc : memref<!tpu.dma_semaphore, #tpu.memory_space<semaphore_mem>>
          %dma_start3A_113 = tpu.memref_slice %arg5[%add3A_91] : memref<256000xi32, #tpu.memory_space<hbm>> -> memref<128xi32, #tpu.memory_space<hbm>>
          %dma_start3A_114 = tpu.memref_slice %arg5[%add3A_91] : memref<256000xi32, #tpu.memory_space<hbm>> -> memref<128xi32, #tpu.memory_space<hbm>>
          tpu.enqueue_dma source(%dma_start3A_114 : memref<128xi32, #tpu.memory_space<hbm>>) target(%arg17 : memref<128xi32, #tpu.memory_space<vmem>>) target_semaphore(%run_scoped3A : memref<!tpu.dma_semaphore, #tpu.memory_space<semaphore_mem>>)
          %dma_wait3A_115 = tpu.memref_slice %arg5[%add3A_91] : memref<256000xi32, #tpu.memory_space<hbm>> -> memref<128xi32, #tpu.memory_space<hbm>>
          %dma_wait3A_116 = tpu.memref_slice %arg5[%add3A_91] : memref<256000xi32, #tpu.memory_space<hbm>> -> memref<128xi32, #tpu.memory_space<hbm>>
          tpu.wait_dma2 semaphore(%run_scoped3A : memref<!tpu.dma_semaphore, #tpu.memory_space<semaphore_mem>>) src(%dma_wait3A_116 : memref<128xi32, #tpu.memory_space<hbm>>) dst(%arg17 : memref<128xi32, #tpu.memory_space<vmem>>)
          tpu.yield
        }) : () -> ()
        "tpu.region"() ({
          %run_scoped3A = tpu.sem_alloc : memref<!tpu.dma_semaphore, #tpu.memory_space<semaphore_mem>>
          %dma_start3A_113 = tpu.memref_slice %arg8[%add3A_91] : memref<256000xi32, #tpu.memory_space<hbm>> -> memref<128xi32, #tpu.memory_space<hbm>>
          %dma_start3A_114 = tpu.memref_slice %arg8[%add3A_91] : memref<256000xi32, #tpu.memory_space<hbm>> -> memref<128xi32, #tpu.memory_space<hbm>>
          tpu.enqueue_dma source(%dma_start3A_114 : memref<128xi32, #tpu.memory_space<hbm>>) target(%arg19 : memref<128xi32, #tpu.memory_space<vmem>>) target_semaphore(%run_scoped3A : memref<!tpu.dma_semaphore, #tpu.memory_space<semaphore_mem>>)
          %dma_wait3A_115 = tpu.memref_slice %arg8[%add3A_91] : memref<256000xi32, #tpu.memory_space<hbm>> -> memref<128xi32, #tpu.memory_space<hbm>>
          %dma_wait3A_116 = tpu.memref_slice %arg8[%add3A_91] : memref<256000xi32, #tpu.memory_space<hbm>> -> memref<128xi32, #tpu.memory_space<hbm>>
          tpu.wait_dma2 semaphore(%run_scoped3A : memref<!tpu.dma_semaphore, #tpu.memory_space<semaphore_mem>>) src(%dma_wait3A_116 : memref<128xi32, #tpu.memory_space<hbm>>) dst(%arg19 : memref<128xi32, #tpu.memory_space<vmem>>)
          tpu.yield
        }) : () -> ()
        %dma_wait3A_92 = arith.constant 0 : i32
        %dma_wait3A_93 = arith.constant 0 : i32
        %dma_wait3A_94 = tpu.memref_slice %arg3[%dma_wait3A_92, %dma_wait3A_93] : memref<50000x128xf32, #tpu.memory_space<hbm>> -> memref<50000x128xf32, #tpu.memory_space<hbm>>
        tpu.wait_indirect_dma semaphore(%arg27 : memref<!tpu.dma_semaphore, #tpu.memory_space<semaphore_mem>>) src(%dma_wait3A_94 : memref<50000x128xf32, #tpu.memory_space<hbm>>) dst(%arg20 : memref<128x128xf32, #tpu.memory_space<vmem>>)
        %dma_start3A_95 = arith.constant 0 : i32
        %dma_start3A_96 = arith.constant 0 : i32
        %dma_start3A_97 = tpu.memref_slice %arg24[%dma_start3A_95, %dma_start3A_96] : memref<5120x128xf32, #tpu.memory_space<vmem_shared>> -> memref<5120x128xf32, #tpu.memory_space<vmem_shared>>
        tpu.enqueue_indirect_dma source(%arg20 : memref<128x128xf32, #tpu.memory_space<vmem>>) target(%dma_start3A_97 : memref<5120x128xf32, #tpu.memory_space<vmem_shared>>) offsets(%arg18 : memref<128xi32, #tpu.memory_space<vmem>>) semaphore(%arg29 : memref<!tpu.dma_semaphore, #tpu.memory_space<semaphore_mem>>) {add = true}
        %dma_start3A_98 = arith.constant 0 : i32
        %dma_start3A_99 = arith.constant 0 : i32
        %dma_start3A_100 = tpu.memref_slice %arg3[%dma_start3A_98, %dma_start3A_99] : memref<50000x128xf32, #tpu.memory_space<hbm>> -> memref<50000x128xf32, #tpu.memory_space<hbm>>
        tpu.enqueue_indirect_dma source(%dma_start3A_100 : memref<50000x128xf32, #tpu.memory_space<hbm>>) target(%arg21 : memref<128x128xf32, #tpu.memory_space<vmem>>) offsets(%arg17 : memref<128xi32, #tpu.memory_space<vmem>>) semaphore(%arg28 : memref<!tpu.dma_semaphore, #tpu.memory_space<semaphore_mem>>)
        %dma_wait3A_101 = arith.constant 0 : i32
        %dma_wait3A_102 = arith.constant 0 : i32
        %dma_wait3A_103 = tpu.memref_slice %arg3[%dma_wait3A_101, %dma_wait3A_102] : memref<50000x128xf32, #tpu.memory_space<hbm>> -> memref<50000x128xf32, #tpu.memory_space<hbm>>
        tpu.wait_indirect_dma semaphore(%arg28 : memref<!tpu.dma_semaphore, #tpu.memory_space<semaphore_mem>>) src(%dma_wait3A_103 : memref<50000x128xf32, #tpu.memory_space<hbm>>) dst(%arg21 : memref<128x128xf32, #tpu.memory_space<vmem>>)
        %dma_start3A_104 = arith.constant 0 : i32
        %dma_start3A_105 = arith.constant 0 : i32
        %dma_start3A_106 = tpu.memref_slice %arg24[%dma_start3A_104, %dma_start3A_105] : memref<5120x128xf32, #tpu.memory_space<vmem_shared>> -> memref<5120x128xf32, #tpu.memory_space<vmem_shared>>
        tpu.enqueue_indirect_dma source(%arg21 : memref<128x128xf32, #tpu.memory_space<vmem>>) target(%dma_start3A_106 : memref<5120x128xf32, #tpu.memory_space<vmem_shared>>) offsets(%arg19 : memref<128xi32, #tpu.memory_space<vmem>>) semaphore(%arg30 : memref<!tpu.dma_semaphore, #tpu.memory_space<semaphore_mem>>) {add = true}
        %dma_wait3A_107 = arith.constant 0 : i32
        %dma_wait3A_108 = arith.constant 0 : i32
        %dma_wait3A_109 = tpu.memref_slice %arg24[%dma_wait3A_107, %dma_wait3A_108] : memref<5120x128xf32, #tpu.memory_space<vmem_shared>> -> memref<5120x128xf32, #tpu.memory_space<vmem_shared>>
        tpu.wait_indirect_dma semaphore(%arg29 : memref<!tpu.dma_semaphore, #tpu.memory_space<semaphore_mem>>) src(%arg20 : memref<128x128xf32, #tpu.memory_space<vmem>>) dst(%dma_wait3A_109 : memref<5120x128xf32, #tpu.memory_space<vmem_shared>>)
        %dma_wait3A_110 = arith.constant 0 : i32
        %dma_wait3A_111 = arith.constant 0 : i32
        %dma_wait3A_112 = tpu.memref_slice %arg24[%dma_wait3A_110, %dma_wait3A_111] : memref<5120x128xf32, #tpu.memory_space<vmem_shared>> -> memref<5120x128xf32, #tpu.memory_space<vmem_shared>>
        tpu.wait_indirect_dma semaphore(%arg30 : memref<!tpu.dma_semaphore, #tpu.memory_space<semaphore_mem>>) src(%arg21 : memref<128x128xf32, #tpu.memory_space<vmem>>) dst(%dma_wait3A_112 : memref<5120x128xf32, #tpu.memory_space<vmem_shared>>)
      }
      %scan3A_66 = arith.constant 62 : i32
      %mul3A = arith.constant 16000 : i32
      %mul3A_67 = arith.muli %arg1, %mul3A : i32
      %add3A = arith.constant 15872 : i32
      %add3A_68 = arith.addi %mul3A_67, %add3A : i32
      "tpu.region"() ({
        %run_scoped3A = tpu.sem_alloc : memref<!tpu.dma_semaphore, #tpu.memory_space<semaphore_mem>>
        %dma_start3A_74 = tpu.memref_slice %arg5[%add3A_68] : memref<256000xi32, #tpu.memory_space<hbm>> -> memref<128xi32, #tpu.memory_space<hbm>>
        %dma_start3A_75 = tpu.memref_slice %arg5[%add3A_68] : memref<256000xi32, #tpu.memory_space<hbm>> -> memref<128xi32, #tpu.memory_space<hbm>>
        tpu.enqueue_dma source(%dma_start3A_75 : memref<128xi32, #tpu.memory_space<hbm>>) target(%arg16 : memref<128xi32, #tpu.memory_space<vmem>>) target_semaphore(%run_scoped3A : memref<!tpu.dma_semaphore, #tpu.memory_space<semaphore_mem>>)
        %dma_wait3A_76 = tpu.memref_slice %arg5[%add3A_68] : memref<256000xi32, #tpu.memory_space<hbm>> -> memref<128xi32, #tpu.memory_space<hbm>>
        %dma_wait3A_77 = tpu.memref_slice %arg5[%add3A_68] : memref<256000xi32, #tpu.memory_space<hbm>> -> memref<128xi32, #tpu.memory_space<hbm>>
        tpu.wait_dma2 semaphore(%run_scoped3A : memref<!tpu.dma_semaphore, #tpu.memory_space<semaphore_mem>>) src(%dma_wait3A_77 : memref<128xi32, #tpu.memory_space<hbm>>) dst(%arg16 : memref<128xi32, #tpu.memory_space<vmem>>)
        tpu.yield
      }) : () -> ()
      "tpu.region"() ({
        %run_scoped3A = tpu.sem_alloc : memref<!tpu.dma_semaphore, #tpu.memory_space<semaphore_mem>>
        %dma_start3A_74 = tpu.memref_slice %arg8[%add3A_68] : memref<256000xi32, #tpu.memory_space<hbm>> -> memref<128xi32, #tpu.memory_space<hbm>>
        %dma_start3A_75 = tpu.memref_slice %arg8[%add3A_68] : memref<256000xi32, #tpu.memory_space<hbm>> -> memref<128xi32, #tpu.memory_space<hbm>>
        tpu.enqueue_dma source(%dma_start3A_75 : memref<128xi32, #tpu.memory_space<hbm>>) target(%arg18 : memref<128xi32, #tpu.memory_space<vmem>>) target_semaphore(%run_scoped3A : memref<!tpu.dma_semaphore, #tpu.memory_space<semaphore_mem>>)
        %dma_wait3A_76 = tpu.memref_slice %arg8[%add3A_68] : memref<256000xi32, #tpu.memory_space<hbm>> -> memref<128xi32, #tpu.memory_space<hbm>>
        %dma_wait3A_77 = tpu.memref_slice %arg8[%add3A_68] : memref<256000xi32, #tpu.memory_space<hbm>> -> memref<128xi32, #tpu.memory_space<hbm>>
        tpu.wait_dma2 semaphore(%run_scoped3A : memref<!tpu.dma_semaphore, #tpu.memory_space<semaphore_mem>>) src(%dma_wait3A_77 : memref<128xi32, #tpu.memory_space<hbm>>) dst(%arg18 : memref<128xi32, #tpu.memory_space<vmem>>)
        tpu.yield
      }) : () -> ()
      %dma_start3A = arith.constant 0 : i32
      %dma_start3A_69 = arith.constant 0 : i32
      %dma_start3A_70 = tpu.memref_slice %arg3[%dma_start3A, %dma_start3A_69] : memref<50000x128xf32, #tpu.memory_space<hbm>> -> memref<50000x128xf32, #tpu.memory_space<hbm>>
      tpu.enqueue_indirect_dma source(%dma_start3A_70 : memref<50000x128xf32, #tpu.memory_space<hbm>>) target(%arg20 : memref<128x128xf32, #tpu.memory_space<vmem>>) offsets(%arg16 : memref<128xi32, #tpu.memory_space<vmem>>) semaphore(%arg27 : memref<!tpu.dma_semaphore, #tpu.memory_space<semaphore_mem>>)
      %dma_wait3A = arith.constant 0 : i32
      %dma_wait3A_71 = arith.constant 0 : i32
      %dma_wait3A_72 = tpu.memref_slice %arg3[%dma_wait3A, %dma_wait3A_71] : memref<50000x128xf32, #tpu.memory_space<hbm>> -> memref<50000x128xf32, #tpu.memory_space<hbm>>
      tpu.wait_indirect_dma semaphore(%arg27 : memref<!tpu.dma_semaphore, #tpu.memory_space<semaphore_mem>>) src(%dma_wait3A_72 : memref<50000x128xf32, #tpu.memory_space<hbm>>) dst(%arg20 : memref<128x128xf32, #tpu.memory_space<vmem>>)
      "tpu.region"() ({
        %run_scoped3A = tpu.sem_alloc : memref<!tpu.dma_semaphore, #tpu.memory_space<semaphore_mem>>
        %dma_start3A_74 = arith.constant 0 : i32
        %dma_start3A_75 = arith.constant 0 : i32
        %dma_start3A_76 = tpu.memref_slice %arg24[%dma_start3A_74, %dma_start3A_75] : memref<5120x128xf32, #tpu.memory_space<vmem_shared>> -> memref<5120x128xf32, #tpu.memory_space<vmem_shared>>
        tpu.enqueue_indirect_dma source(%arg20 : memref<128x128xf32, #tpu.memory_space<vmem>>) target(%dma_start3A_76 : memref<5120x128xf32, #tpu.memory_space<vmem_shared>>) offsets(%arg18 : memref<128xi32, #tpu.memory_space<vmem>>) semaphore(%run_scoped3A : memref<!tpu.dma_semaphore, #tpu.memory_space<semaphore_mem>>) {add = true}
        %dma_wait3A_77 = arith.constant 0 : i32
        %dma_wait3A_78 = arith.constant 0 : i32
        %dma_wait3A_79 = tpu.memref_slice %arg24[%dma_wait3A_77, %dma_wait3A_78] : memref<5120x128xf32, #tpu.memory_space<vmem_shared>> -> memref<5120x128xf32, #tpu.memory_space<vmem_shared>>
        tpu.wait_indirect_dma semaphore(%run_scoped3A : memref<!tpu.dma_semaphore, #tpu.memory_space<semaphore_mem>>) src(%arg20 : memref<128x128xf32, #tpu.memory_space<vmem>>) dst(%dma_wait3A_79 : memref<5120x128xf32, #tpu.memory_space<vmem_shared>>)
        tpu.yield
      }) : () -> ()
      %barrier3A_73 = arith.constant 0 : index
      tpu.barrier barrier_id(%barrier3A_73)
    } else {
    }
    %eq3A_28 = arith.constant 1 : i32
    %eq3A_29 = arith.cmpi eq, %arg0, %eq3A_28 : i32
    %convert_element_type3A_30 = arith.extui %eq3A_29 : i1 to i32
    %cond3A_31 = arith.constant 0 : i32
    %cond3A_32 = arith.cmpi ne, %convert_element_type3A_30, %cond3A_31 : i32
    scf.if %cond3A_32 {
      %scan3A = arith.constant 0 : i32
      %scan3A_62 = arith.constant 0 : i32
      %scan3A_63 = arith.constant 62 : i32
      %scan3A_64 = arith.addi %scan3A_62, %scan3A_63 : i32
      %scan3A_65 = arith.constant 1 : i32
      scf.for %scan3A_74 = %scan3A_62 to %scan3A_64 step %scan3A_65  : i32 {
        %mul3A_75 = arith.constant 2 : i32
        %mul3A_76 = arith.muli %mul3A_75, %scan3A_74 : i32
        %mul3A_77 = arith.constant 16000 : i32
        %mul3A_78 = arith.muli %arg1, %mul3A_77 : i32
        %mul3A_79 = arith.constant 128 : i32
        %mul3A_80 = arith.muli %mul3A_76, %mul3A_79 : i32
        %add3A_81 = arith.addi %mul3A_78, %mul3A_80 : i32
        "tpu.region"() ({
          %run_scoped3A = tpu.sem_alloc : memref<!tpu.dma_semaphore, #tpu.memory_space<semaphore_mem>>
          %dma_start3A_113 = tpu.memref_slice %arg5[%add3A_81] : memref<256000xi32, #tpu.memory_space<hbm>> -> memref<128xi32, #tpu.memory_space<hbm>>
          %dma_start3A_114 = tpu.memref_slice %arg5[%add3A_81] : memref<256000xi32, #tpu.memory_space<hbm>> -> memref<128xi32, #tpu.memory_space<hbm>>
          tpu.enqueue_dma source(%dma_start3A_114 : memref<128xi32, #tpu.memory_space<hbm>>) target(%arg16 : memref<128xi32, #tpu.memory_space<vmem>>) target_semaphore(%run_scoped3A : memref<!tpu.dma_semaphore, #tpu.memory_space<semaphore_mem>>)
          %dma_wait3A_115 = tpu.memref_slice %arg5[%add3A_81] : memref<256000xi32, #tpu.memory_space<hbm>> -> memref<128xi32, #tpu.memory_space<hbm>>
          %dma_wait3A_116 = tpu.memref_slice %arg5[%add3A_81] : memref<256000xi32, #tpu.memory_space<hbm>> -> memref<128xi32, #tpu.memory_space<hbm>>
          tpu.wait_dma2 semaphore(%run_scoped3A : memref<!tpu.dma_semaphore, #tpu.memory_space<semaphore_mem>>) src(%dma_wait3A_116 : memref<128xi32, #tpu.memory_space<hbm>>) dst(%arg16 : memref<128xi32, #tpu.memory_space<vmem>>)
          tpu.yield
        }) : () -> ()
        "tpu.region"() ({
          %run_scoped3A = tpu.sem_alloc : memref<!tpu.dma_semaphore, #tpu.memory_space<semaphore_mem>>
          %dma_start3A_113 = tpu.memref_slice %arg9[%add3A_81] : memref<256000xi32, #tpu.memory_space<hbm>> -> memref<128xi32, #tpu.memory_space<hbm>>
          %dma_start3A_114 = tpu.memref_slice %arg9[%add3A_81] : memref<256000xi32, #tpu.memory_space<hbm>> -> memref<128xi32, #tpu.memory_space<hbm>>
          tpu.enqueue_dma source(%dma_start3A_114 : memref<128xi32, #tpu.memory_space<hbm>>) target(%arg18 : memref<128xi32, #tpu.memory_space<vmem>>) target_semaphore(%run_scoped3A : memref<!tpu.dma_semaphore, #tpu.memory_space<semaphore_mem>>)
          %dma_wait3A_115 = tpu.memref_slice %arg9[%add3A_81] : memref<256000xi32, #tpu.memory_space<hbm>> -> memref<128xi32, #tpu.memory_space<hbm>>
          %dma_wait3A_116 = tpu.memref_slice %arg9[%add3A_81] : memref<256000xi32, #tpu.memory_space<hbm>> -> memref<128xi32, #tpu.memory_space<hbm>>
          tpu.wait_dma2 semaphore(%run_scoped3A : memref<!tpu.dma_semaphore, #tpu.memory_space<semaphore_mem>>) src(%dma_wait3A_116 : memref<128xi32, #tpu.memory_space<hbm>>) dst(%arg18 : memref<128xi32, #tpu.memory_space<vmem>>)
          tpu.yield
        }) : () -> ()
        %dma_start3A_82 = arith.constant 0 : i32
        %dma_start3A_83 = arith.constant 0 : i32
        %dma_start3A_84 = tpu.memref_slice %arg3[%dma_start3A_82, %dma_start3A_83] : memref<50000x128xf32, #tpu.memory_space<hbm>> -> memref<50000x128xf32, #tpu.memory_space<hbm>>
        tpu.enqueue_indirect_dma source(%dma_start3A_84 : memref<50000x128xf32, #tpu.memory_space<hbm>>) target(%arg20 : memref<128x128xf32, #tpu.memory_space<vmem>>) offsets(%arg16 : memref<128xi32, #tpu.memory_space<vmem>>) semaphore(%arg27 : memref<!tpu.dma_semaphore, #tpu.memory_space<semaphore_mem>>)
        %add3A_85 = arith.constant 1 : i32
        %add3A_86 = arith.addi %mul3A_76, %add3A_85 : i32
        %mul3A_87 = arith.constant 16000 : i32
        %mul3A_88 = arith.muli %arg1, %mul3A_87 : i32
        %mul3A_89 = arith.constant 128 : i32
        %mul3A_90 = arith.muli %add3A_86, %mul3A_89 : i32
        %add3A_91 = arith.addi %mul3A_88, %mul3A_90 : i32
        "tpu.region"() ({
          %run_scoped3A = tpu.sem_alloc : memref<!tpu.dma_semaphore, #tpu.memory_space<semaphore_mem>>
          %dma_start3A_113 = tpu.memref_slice %arg5[%add3A_91] : memref<256000xi32, #tpu.memory_space<hbm>> -> memref<128xi32, #tpu.memory_space<hbm>>
          %dma_start3A_114 = tpu.memref_slice %arg5[%add3A_91] : memref<256000xi32, #tpu.memory_space<hbm>> -> memref<128xi32, #tpu.memory_space<hbm>>
          tpu.enqueue_dma source(%dma_start3A_114 : memref<128xi32, #tpu.memory_space<hbm>>) target(%arg17 : memref<128xi32, #tpu.memory_space<vmem>>) target_semaphore(%run_scoped3A : memref<!tpu.dma_semaphore, #tpu.memory_space<semaphore_mem>>)
          %dma_wait3A_115 = tpu.memref_slice %arg5[%add3A_91] : memref<256000xi32, #tpu.memory_space<hbm>> -> memref<128xi32, #tpu.memory_space<hbm>>
          %dma_wait3A_116 = tpu.memref_slice %arg5[%add3A_91] : memref<256000xi32, #tpu.memory_space<hbm>> -> memref<128xi32, #tpu.memory_space<hbm>>
          tpu.wait_dma2 semaphore(%run_scoped3A : memref<!tpu.dma_semaphore, #tpu.memory_space<semaphore_mem>>) src(%dma_wait3A_116 : memref<128xi32, #tpu.memory_space<hbm>>) dst(%arg17 : memref<128xi32, #tpu.memory_space<vmem>>)
          tpu.yield
        }) : () -> ()
        "tpu.region"() ({
          %run_scoped3A = tpu.sem_alloc : memref<!tpu.dma_semaphore, #tpu.memory_space<semaphore_mem>>
          %dma_start3A_113 = tpu.memref_slice %arg9[%add3A_91] : memref<256000xi32, #tpu.memory_space<hbm>> -> memref<128xi32, #tpu.memory_space<hbm>>
          %dma_start3A_114 = tpu.memref_slice %arg9[%add3A_91] : memref<256000xi32, #tpu.memory_space<hbm>> -> memref<128xi32, #tpu.memory_space<hbm>>
          tpu.enqueue_dma source(%dma_start3A_114 : memref<128xi32, #tpu.memory_space<hbm>>) target(%arg19 : memref<128xi32, #tpu.memory_space<vmem>>) target_semaphore(%run_scoped3A : memref<!tpu.dma_semaphore, #tpu.memory_space<semaphore_mem>>)
          %dma_wait3A_115 = tpu.memref_slice %arg9[%add3A_91] : memref<256000xi32, #tpu.memory_space<hbm>> -> memref<128xi32, #tpu.memory_space<hbm>>
          %dma_wait3A_116 = tpu.memref_slice %arg9[%add3A_91] : memref<256000xi32, #tpu.memory_space<hbm>> -> memref<128xi32, #tpu.memory_space<hbm>>
          tpu.wait_dma2 semaphore(%run_scoped3A : memref<!tpu.dma_semaphore, #tpu.memory_space<semaphore_mem>>) src(%dma_wait3A_116 : memref<128xi32, #tpu.memory_space<hbm>>) dst(%arg19 : memref<128xi32, #tpu.memory_space<vmem>>)
          tpu.yield
        }) : () -> ()
        %dma_wait3A_92 = arith.constant 0 : i32
        %dma_wait3A_93 = arith.constant 0 : i32
        %dma_wait3A_94 = tpu.memref_slice %arg3[%dma_wait3A_92, %dma_wait3A_93] : memref<50000x128xf32, #tpu.memory_space<hbm>> -> memref<50000x128xf32, #tpu.memory_space<hbm>>
        tpu.wait_indirect_dma semaphore(%arg27 : memref<!tpu.dma_semaphore, #tpu.memory_space<semaphore_mem>>) src(%dma_wait3A_94 : memref<50000x128xf32, #tpu.memory_space<hbm>>) dst(%arg20 : memref<128x128xf32, #tpu.memory_space<vmem>>)
        %dma_start3A_95 = arith.constant 0 : i32
        %dma_start3A_96 = arith.constant 0 : i32
        %dma_start3A_97 = tpu.memref_slice %arg24[%dma_start3A_95, %dma_start3A_96] : memref<5120x128xf32, #tpu.memory_space<vmem_shared>> -> memref<5120x128xf32, #tpu.memory_space<vmem_shared>>
        tpu.enqueue_indirect_dma source(%arg20 : memref<128x128xf32, #tpu.memory_space<vmem>>) target(%dma_start3A_97 : memref<5120x128xf32, #tpu.memory_space<vmem_shared>>) offsets(%arg18 : memref<128xi32, #tpu.memory_space<vmem>>) semaphore(%arg29 : memref<!tpu.dma_semaphore, #tpu.memory_space<semaphore_mem>>) {add = true}
        %dma_start3A_98 = arith.constant 0 : i32
        %dma_start3A_99 = arith.constant 0 : i32
        %dma_start3A_100 = tpu.memref_slice %arg3[%dma_start3A_98, %dma_start3A_99] : memref<50000x128xf32, #tpu.memory_space<hbm>> -> memref<50000x128xf32, #tpu.memory_space<hbm>>
        tpu.enqueue_indirect_dma source(%dma_start3A_100 : memref<50000x128xf32, #tpu.memory_space<hbm>>) target(%arg21 : memref<128x128xf32, #tpu.memory_space<vmem>>) offsets(%arg17 : memref<128xi32, #tpu.memory_space<vmem>>) semaphore(%arg28 : memref<!tpu.dma_semaphore, #tpu.memory_space<semaphore_mem>>)
        %dma_wait3A_101 = arith.constant 0 : i32
        %dma_wait3A_102 = arith.constant 0 : i32
        %dma_wait3A_103 = tpu.memref_slice %arg3[%dma_wait3A_101, %dma_wait3A_102] : memref<50000x128xf32, #tpu.memory_space<hbm>> -> memref<50000x128xf32, #tpu.memory_space<hbm>>
        tpu.wait_indirect_dma semaphore(%arg28 : memref<!tpu.dma_semaphore, #tpu.memory_space<semaphore_mem>>) src(%dma_wait3A_103 : memref<50000x128xf32, #tpu.memory_space<hbm>>) dst(%arg21 : memref<128x128xf32, #tpu.memory_space<vmem>>)
        %dma_start3A_104 = arith.constant 0 : i32
        %dma_start3A_105 = arith.constant 0 : i32
        %dma_start3A_106 = tpu.memref_slice %arg24[%dma_start3A_104, %dma_start3A_105] : memref<5120x128xf32, #tpu.memory_space<vmem_shared>> -> memref<5120x128xf32, #tpu.memory_space<vmem_shared>>
        tpu.enqueue_indirect_dma source(%arg21 : memref<128x128xf32, #tpu.memory_space<vmem>>) target(%dma_start3A_106 : memref<5120x128xf32, #tpu.memory_space<vmem_shared>>) offsets(%arg19 : memref<128xi32, #tpu.memory_space<vmem>>) semaphore(%arg30 : memref<!tpu.dma_semaphore, #tpu.memory_space<semaphore_mem>>) {add = true}
        %dma_wait3A_107 = arith.constant 0 : i32
        %dma_wait3A_108 = arith.constant 0 : i32
        %dma_wait3A_109 = tpu.memref_slice %arg24[%dma_wait3A_107, %dma_wait3A_108] : memref<5120x128xf32, #tpu.memory_space<vmem_shared>> -> memref<5120x128xf32, #tpu.memory_space<vmem_shared>>
        tpu.wait_indirect_dma semaphore(%arg29 : memref<!tpu.dma_semaphore, #tpu.memory_space<semaphore_mem>>) src(%arg20 : memref<128x128xf32, #tpu.memory_space<vmem>>) dst(%dma_wait3A_109 : memref<5120x128xf32, #tpu.memory_space<vmem_shared>>)
        %dma_wait3A_110 = arith.constant 0 : i32
        %dma_wait3A_111 = arith.constant 0 : i32
        %dma_wait3A_112 = tpu.memref_slice %arg24[%dma_wait3A_110, %dma_wait3A_111] : memref<5120x128xf32, #tpu.memory_space<vmem_shared>> -> memref<5120x128xf32, #tpu.memory_space<vmem_shared>>
        tpu.wait_indirect_dma semaphore(%arg30 : memref<!tpu.dma_semaphore, #tpu.memory_space<semaphore_mem>>) src(%arg21 : memref<128x128xf32, #tpu.memory_space<vmem>>) dst(%dma_wait3A_112 : memref<5120x128xf32, #tpu.memory_space<vmem_shared>>)
      }
      %scan3A_66 = arith.constant 62 : i32
      %mul3A = arith.constant 16000 : i32
      %mul3A_67 = arith.muli %arg1, %mul3A : i32
      %add3A = arith.constant 15872 : i32
      %add3A_68 = arith.addi %mul3A_67, %add3A : i32
      "tpu.region"() ({
        %run_scoped3A = tpu.sem_alloc : memref<!tpu.dma_semaphore, #tpu.memory_space<semaphore_mem>>
        %dma_start3A_74 = tpu.memref_slice %arg5[%add3A_68] : memref<256000xi32, #tpu.memory_space<hbm>> -> memref<128xi32, #tpu.memory_space<hbm>>
        %dma_start3A_75 = tpu.memref_slice %arg5[%add3A_68] : memref<256000xi32, #tpu.memory_space<hbm>> -> memref<128xi32, #tpu.memory_space<hbm>>
        tpu.enqueue_dma source(%dma_start3A_75 : memref<128xi32, #tpu.memory_space<hbm>>) target(%arg16 : memref<128xi32, #tpu.memory_space<vmem>>) target_semaphore(%run_scoped3A : memref<!tpu.dma_semaphore, #tpu.memory_space<semaphore_mem>>)
        %dma_wait3A_76 = tpu.memref_slice %arg5[%add3A_68] : memref<256000xi32, #tpu.memory_space<hbm>> -> memref<128xi32, #tpu.memory_space<hbm>>
        %dma_wait3A_77 = tpu.memref_slice %arg5[%add3A_68] : memref<256000xi32, #tpu.memory_space<hbm>> -> memref<128xi32, #tpu.memory_space<hbm>>
        tpu.wait_dma2 semaphore(%run_scoped3A : memref<!tpu.dma_semaphore, #tpu.memory_space<semaphore_mem>>) src(%dma_wait3A_77 : memref<128xi32, #tpu.memory_space<hbm>>) dst(%arg16 : memref<128xi32, #tpu.memory_space<vmem>>)
        tpu.yield
      }) : () -> ()
      "tpu.region"() ({
        %run_scoped3A = tpu.sem_alloc : memref<!tpu.dma_semaphore, #tpu.memory_space<semaphore_mem>>
        %dma_start3A_74 = tpu.memref_slice %arg9[%add3A_68] : memref<256000xi32, #tpu.memory_space<hbm>> -> memref<128xi32, #tpu.memory_space<hbm>>
        %dma_start3A_75 = tpu.memref_slice %arg9[%add3A_68] : memref<256000xi32, #tpu.memory_space<hbm>> -> memref<128xi32, #tpu.memory_space<hbm>>
        tpu.enqueue_dma source(%dma_start3A_75 : memref<128xi32, #tpu.memory_space<hbm>>) target(%arg18 : memref<128xi32, #tpu.memory_space<vmem>>) target_semaphore(%run_scoped3A : memref<!tpu.dma_semaphore, #tpu.memory_space<semaphore_mem>>)
        %dma_wait3A_76 = tpu.memref_slice %arg9[%add3A_68] : memref<256000xi32, #tpu.memory_space<hbm>> -> memref<128xi32, #tpu.memory_space<hbm>>
        %dma_wait3A_77 = tpu.memref_slice %arg9[%add3A_68] : memref<256000xi32, #tpu.memory_space<hbm>> -> memref<128xi32, #tpu.memory_space<hbm>>
        tpu.wait_dma2 semaphore(%run_scoped3A : memref<!tpu.dma_semaphore, #tpu.memory_space<semaphore_mem>>) src(%dma_wait3A_77 : memref<128xi32, #tpu.memory_space<hbm>>) dst(%arg18 : memref<128xi32, #tpu.memory_space<vmem>>)
        tpu.yield
      }) : () -> ()
      %dma_start3A = arith.constant 0 : i32
      %dma_start3A_69 = arith.constant 0 : i32
      %dma_start3A_70 = tpu.memref_slice %arg3[%dma_start3A, %dma_start3A_69] : memref<50000x128xf32, #tpu.memory_space<hbm>> -> memref<50000x128xf32, #tpu.memory_space<hbm>>
      tpu.enqueue_indirect_dma source(%dma_start3A_70 : memref<50000x128xf32, #tpu.memory_space<hbm>>) target(%arg20 : memref<128x128xf32, #tpu.memory_space<vmem>>) offsets(%arg16 : memref<128xi32, #tpu.memory_space<vmem>>) semaphore(%arg27 : memref<!tpu.dma_semaphore, #tpu.memory_space<semaphore_mem>>)
      %dma_wait3A = arith.constant 0 : i32
      %dma_wait3A_71 = arith.constant 0 : i32
      %dma_wait3A_72 = tpu.memref_slice %arg3[%dma_wait3A, %dma_wait3A_71] : memref<50000x128xf32, #tpu.memory_space<hbm>> -> memref<50000x128xf32, #tpu.memory_space<hbm>>
      tpu.wait_indirect_dma semaphore(%arg27 : memref<!tpu.dma_semaphore, #tpu.memory_space<semaphore_mem>>) src(%dma_wait3A_72 : memref<50000x128xf32, #tpu.memory_space<hbm>>) dst(%arg20 : memref<128x128xf32, #tpu.memory_space<vmem>>)
      "tpu.region"() ({
        %run_scoped3A = tpu.sem_alloc : memref<!tpu.dma_semaphore, #tpu.memory_space<semaphore_mem>>
        %dma_start3A_74 = arith.constant 0 : i32
        %dma_start3A_75 = arith.constant 0 : i32
        %dma_start3A_76 = tpu.memref_slice %arg24[%dma_start3A_74, %dma_start3A_75] : memref<5120x128xf32, #tpu.memory_space<vmem_shared>> -> memref<5120x128xf32, #tpu.memory_space<vmem_shared>>
        tpu.enqueue_indirect_dma source(%arg20 : memref<128x128xf32, #tpu.memory_space<vmem>>) target(%dma_start3A_76 : memref<5120x128xf32, #tpu.memory_space<vmem_shared>>) offsets(%arg18 : memref<128xi32, #tpu.memory_space<vmem>>) semaphore(%run_scoped3A : memref<!tpu.dma_semaphore, #tpu.memory_space<semaphore_mem>>) {add = true}
        %dma_wait3A_77 = arith.constant 0 : i32
        %dma_wait3A_78 = arith.constant 0 : i32
        %dma_wait3A_79 = tpu.memref_slice %arg24[%dma_wait3A_77, %dma_wait3A_78] : memref<5120x128xf32, #tpu.memory_space<vmem_shared>> -> memref<5120x128xf32, #tpu.memory_space<vmem_shared>>
        tpu.wait_indirect_dma semaphore(%run_scoped3A : memref<!tpu.dma_semaphore, #tpu.memory_space<semaphore_mem>>) src(%arg20 : memref<128x128xf32, #tpu.memory_space<vmem>>) dst(%dma_wait3A_79 : memref<5120x128xf32, #tpu.memory_space<vmem_shared>>)
        tpu.yield
      }) : () -> ()
      %barrier3A_73 = arith.constant 0 : index
      tpu.barrier barrier_id(%barrier3A_73)
    } else {
    }
    %lt3A_33 = arith.constant 5 : i32
    %lt3A_34 = arith.cmpi slt, %arg1, %lt3A_33 : i32
    %convert_element_type3A_35 = arith.extui %lt3A_34 : i1 to i32
    %cond3A_36 = arith.constant 0 : i32
    %cond3A_37 = arith.cmpi ne, %convert_element_type3A_35, %cond3A_36 : i32
    scf.if %cond3A_37 {
      %mul3A = arith.constant 1000 : i32
      %mul3A_62 = arith.muli %arg1, %mul3A : i32
      %mul3A_63 = arith.constant 5000 : i32
      %mul3A_64 = arith.muli %arg0, %mul3A_63 : i32
      %mul3A_65 = arith.constant 1000 : i32
      %mul3A_66 = arith.muli %arg1, %mul3A_65 : i32
      %add3A = arith.addi %mul3A_64, %mul3A_66 : i32
      "tpu.region"() ({
        %run_scoped3A = tpu.sem_alloc : memref<!tpu.dma_semaphore, #tpu.memory_space<semaphore_mem>>
        %dma_start3A = arith.constant 0 : i32
        %dma_start3A_67 = tpu.memref_slice %arg14[%add3A, %dma_start3A] : memref<10000x128xf32, #tpu.memory_space<hbm>> -> memref<1000x128xf32, #tpu.memory_space<hbm>>
        %dma_start3A_68 = arith.constant 0 : i32
        %dma_start3A_69 = tpu.memref_slice %arg24[%mul3A_62, %dma_start3A_68] : memref<5120x128xf32, #tpu.memory_space<vmem_shared>> -> memref<1000x128xf32, #tpu.memory_space<vmem_shared>>
        tpu.enqueue_dma source(%dma_start3A_69 : memref<1000x128xf32, #tpu.memory_space<vmem_shared>>) target(%dma_start3A_67 : memref<1000x128xf32, #tpu.memory_space<hbm>>) target_semaphore(%run_scoped3A : memref<!tpu.dma_semaphore, #tpu.memory_space<semaphore_mem>>)
        %dma_wait3A = arith.constant 0 : i32
        %dma_wait3A_70 = tpu.memref_slice %arg14[%add3A, %dma_wait3A] : memref<10000x128xf32, #tpu.memory_space<hbm>> -> memref<1000x128xf32, #tpu.memory_space<hbm>>
        %dma_wait3A_71 = arith.constant 0 : i32
        %dma_wait3A_72 = tpu.memref_slice %arg24[%mul3A_62, %dma_wait3A_71] : memref<5120x128xf32, #tpu.memory_space<vmem_shared>> -> memref<1000x128xf32, #tpu.memory_space<vmem_shared>>
        tpu.wait_dma2 semaphore(%run_scoped3A : memref<!tpu.dma_semaphore, #tpu.memory_space<semaphore_mem>>) src(%dma_wait3A_72 : memref<1000x128xf32, #tpu.memory_space<vmem_shared>>) dst(%dma_wait3A_70 : memref<1000x128xf32, #tpu.memory_space<hbm>>)
        tpu.yield
      }) : () -> ()
    } else {
    }
    %barrier3A_38 = arith.constant 0 : index
    tpu.barrier barrier_id(%barrier3A_38)
    %lt3A_39 = arith.constant 5 : i32
    %lt3A_40 = arith.cmpi slt, %arg1, %lt3A_39 : i32
    %convert_element_type3A_41 = arith.extui %lt3A_40 : i1 to i32
    %cond3A_42 = arith.constant 0 : i32
    %cond3A_43 = arith.cmpi ne, %convert_element_type3A_41, %cond3A_42 : i32
    scf.if %cond3A_43 {
      %mul3A = arith.constant 1024 : i32
      %mul3A_62 = arith.muli %arg1, %mul3A : i32
      "tpu.region"() ({
        %run_scoped3A = tpu.sem_alloc : memref<!tpu.dma_semaphore, #tpu.memory_space<semaphore_mem>>
        %dma_start3A = arith.constant 0 : i32
        %dma_start3A_63 = tpu.memref_slice %arg24[%mul3A_62, %dma_start3A] : memref<5120x128xf32, #tpu.memory_space<vmem_shared>> -> memref<1024x128xf32, #tpu.memory_space<vmem_shared>>
        %dma_start3A_64 = arith.constant 0 : i32
        %dma_start3A_65 = tpu.memref_slice %arg10[%mul3A_62, %dma_start3A_64] : memref<5120x128xf32, #tpu.memory_space<hbm>> -> memref<1024x128xf32, #tpu.memory_space<hbm>>
        tpu.enqueue_dma source(%dma_start3A_65 : memref<1024x128xf32, #tpu.memory_space<hbm>>) target(%dma_start3A_63 : memref<1024x128xf32, #tpu.memory_space<vmem_shared>>) target_semaphore(%run_scoped3A : memref<!tpu.dma_semaphore, #tpu.memory_space<semaphore_mem>>)
        %dma_wait3A = arith.constant 0 : i32
        %dma_wait3A_66 = tpu.memref_slice %arg24[%mul3A_62, %dma_wait3A] : memref<5120x128xf32, #tpu.memory_space<vmem_shared>> -> memref<1024x128xf32, #tpu.memory_space<vmem_shared>>
        %dma_wait3A_67 = arith.constant 0 : i32
        %dma_wait3A_68 = tpu.memref_slice %arg10[%mul3A_62, %dma_wait3A_67] : memref<5120x128xf32, #tpu.memory_space<hbm>> -> memref<1024x128xf32, #tpu.memory_space<hbm>>
        tpu.wait_dma2 semaphore(%run_scoped3A : memref<!tpu.dma_semaphore, #tpu.memory_space<semaphore_mem>>) src(%dma_wait3A_68 : memref<1024x128xf32, #tpu.memory_space<hbm>>) dst(%dma_wait3A_66 : memref<1024x128xf32, #tpu.memory_space<vmem_shared>>)
        tpu.yield
      }) : () -> ()
    } else {
    }
    %barrier3A_44 = arith.constant 0 : index
    tpu.barrier barrier_id(%barrier3A_44)
    %eq3A_45 = arith.constant 0 : i32
    %eq3A_46 = arith.cmpi eq, %arg0, %eq3A_45 : i32
    %convert_element_type3A_47 = arith.extui %eq3A_46 : i1 to i32
    %cond3A_48 = arith.constant 0 : i32
    %cond3A_49 = arith.cmpi ne, %convert_element_type3A_47, %cond3A_48 : i32
    scf.if %cond3A_49 {
      %scan3A = arith.constant 0 : i32
      %scan3A_62 = arith.constant 0 : i32
      %scan3A_63 = arith.constant 62 : i32
      %scan3A_64 = arith.addi %scan3A_62, %scan3A_63 : i32
      %scan3A_65 = arith.constant 1 : i32
      scf.for %scan3A_79 = %scan3A_62 to %scan3A_64 step %scan3A_65  : i32 {
        %mul3A_80 = arith.constant 2 : i32
        %mul3A_81 = arith.muli %mul3A_80, %scan3A_79 : i32
        %mul3A_82 = arith.constant 16000 : i32
        %mul3A_83 = arith.muli %arg1, %mul3A_82 : i32
        %mul3A_84 = arith.constant 128 : i32
        %mul3A_85 = arith.muli %mul3A_81, %mul3A_84 : i32
        %add3A_86 = arith.addi %mul3A_83, %mul3A_85 : i32
        "tpu.region"() ({
          %run_scoped3A = tpu.sem_alloc : memref<!tpu.dma_semaphore, #tpu.memory_space<semaphore_mem>>
          %dma_start3A_104 = tpu.memref_slice %arg6[%add3A_86] : memref<256000xi32, #tpu.memory_space<hbm>> -> memref<128xi32, #tpu.memory_space<hbm>>
          %dma_start3A_105 = tpu.memref_slice %arg6[%add3A_86] : memref<256000xi32, #tpu.memory_space<hbm>> -> memref<128xi32, #tpu.memory_space<hbm>>
          tpu.enqueue_dma source(%dma_start3A_105 : memref<128xi32, #tpu.memory_space<hbm>>) target(%arg18 : memref<128xi32, #tpu.memory_space<vmem>>) target_semaphore(%run_scoped3A : memref<!tpu.dma_semaphore, #tpu.memory_space<semaphore_mem>>)
          %dma_wait3A_106 = tpu.memref_slice %arg6[%add3A_86] : memref<256000xi32, #tpu.memory_space<hbm>> -> memref<128xi32, #tpu.memory_space<hbm>>
          %dma_wait3A_107 = tpu.memref_slice %arg6[%add3A_86] : memref<256000xi32, #tpu.memory_space<hbm>> -> memref<128xi32, #tpu.memory_space<hbm>>
          tpu.wait_dma2 semaphore(%run_scoped3A : memref<!tpu.dma_semaphore, #tpu.memory_space<semaphore_mem>>) src(%dma_wait3A_107 : memref<128xi32, #tpu.memory_space<hbm>>) dst(%arg18 : memref<128xi32, #tpu.memory_space<vmem>>)
          tpu.yield
        }) : () -> ()
        %dma_start3A = arith.constant 0 : i32
        %dma_start3A_87 = arith.constant 0 : i32
        %dma_start3A_88 = tpu.memref_slice %arg24[%dma_start3A, %dma_start3A_87] : memref<5120x128xf32, #tpu.memory_space<vmem_shared>> -> memref<5120x128xf32, #tpu.memory_space<vmem_shared>>
        tpu.enqueue_indirect_dma source(%arg22 : memref<128x128xf32, #tpu.memory_space<vmem>>) target(%dma_start3A_88 : memref<5120x128xf32, #tpu.memory_space<vmem_shared>>) offsets(%arg18 : memref<128xi32, #tpu.memory_space<vmem>>) semaphore(%arg29 : memref<!tpu.dma_semaphore, #tpu.memory_space<semaphore_mem>>) {add = true}
        %add3A_89 = arith.constant 1 : i32
        %add3A_90 = arith.addi %mul3A_81, %add3A_89 : i32
        %mul3A_91 = arith.constant 16000 : i32
        %mul3A_92 = arith.muli %arg1, %mul3A_91 : i32
        %mul3A_93 = arith.constant 128 : i32
        %mul3A_94 = arith.muli %add3A_90, %mul3A_93 : i32
        %add3A_95 = arith.addi %mul3A_92, %mul3A_94 : i32
        "tpu.region"() ({
          %run_scoped3A = tpu.sem_alloc : memref<!tpu.dma_semaphore, #tpu.memory_space<semaphore_mem>>
          %dma_start3A_104 = tpu.memref_slice %arg6[%add3A_95] : memref<256000xi32, #tpu.memory_space<hbm>> -> memref<128xi32, #tpu.memory_space<hbm>>
          %dma_start3A_105 = tpu.memref_slice %arg6[%add3A_95] : memref<256000xi32, #tpu.memory_space<hbm>> -> memref<128xi32, #tpu.memory_space<hbm>>
          tpu.enqueue_dma source(%dma_start3A_105 : memref<128xi32, #tpu.memory_space<hbm>>) target(%arg19 : memref<128xi32, #tpu.memory_space<vmem>>) target_semaphore(%run_scoped3A : memref<!tpu.dma_semaphore, #tpu.memory_space<semaphore_mem>>)
          %dma_wait3A_106 = tpu.memref_slice %arg6[%add3A_95] : memref<256000xi32, #tpu.memory_space<hbm>> -> memref<128xi32, #tpu.memory_space<hbm>>
          %dma_wait3A_107 = tpu.memref_slice %arg6[%add3A_95] : memref<256000xi32, #tpu.memory_space<hbm>> -> memref<128xi32, #tpu.memory_space<hbm>>
          tpu.wait_dma2 semaphore(%run_scoped3A : memref<!tpu.dma_semaphore, #tpu.memory_space<semaphore_mem>>) src(%dma_wait3A_107 : memref<128xi32, #tpu.memory_space<hbm>>) dst(%arg19 : memref<128xi32, #tpu.memory_space<vmem>>)
          tpu.yield
        }) : () -> ()
        %dma_start3A_96 = arith.constant 0 : i32
        %dma_start3A_97 = arith.constant 0 : i32
        %dma_start3A_98 = tpu.memref_slice %arg24[%dma_start3A_96, %dma_start3A_97] : memref<5120x128xf32, #tpu.memory_space<vmem_shared>> -> memref<5120x128xf32, #tpu.memory_space<vmem_shared>>
        tpu.enqueue_indirect_dma source(%arg22 : memref<128x128xf32, #tpu.memory_space<vmem>>) target(%dma_start3A_98 : memref<5120x128xf32, #tpu.memory_space<vmem_shared>>) offsets(%arg19 : memref<128xi32, #tpu.memory_space<vmem>>) semaphore(%arg30 : memref<!tpu.dma_semaphore, #tpu.memory_space<semaphore_mem>>) {add = true}
        %dma_wait3A = arith.constant 0 : i32
        %dma_wait3A_99 = arith.constant 0 : i32
        %dma_wait3A_100 = tpu.memref_slice %arg24[%dma_wait3A, %dma_wait3A_99] : memref<5120x128xf32, #tpu.memory_space<vmem_shared>> -> memref<5120x128xf32, #tpu.memory_space<vmem_shared>>
        tpu.wait_indirect_dma semaphore(%arg29 : memref<!tpu.dma_semaphore, #tpu.memory_space<semaphore_mem>>) src(%arg22 : memref<128x128xf32, #tpu.memory_space<vmem>>) dst(%dma_wait3A_100 : memref<5120x128xf32, #tpu.memory_space<vmem_shared>>)
        %dma_wait3A_101 = arith.constant 0 : i32
        %dma_wait3A_102 = arith.constant 0 : i32
        %dma_wait3A_103 = tpu.memref_slice %arg24[%dma_wait3A_101, %dma_wait3A_102] : memref<5120x128xf32, #tpu.memory_space<vmem_shared>> -> memref<5120x128xf32, #tpu.memory_space<vmem_shared>>
        tpu.wait_indirect_dma semaphore(%arg30 : memref<!tpu.dma_semaphore, #tpu.memory_space<semaphore_mem>>) src(%arg22 : memref<128x128xf32, #tpu.memory_space<vmem>>) dst(%dma_wait3A_103 : memref<5120x128xf32, #tpu.memory_space<vmem_shared>>)
      }
      %scan3A_66 = arith.constant 62 : i32
      %mul3A = arith.constant 16000 : i32
      %mul3A_67 = arith.muli %arg1, %mul3A : i32
      %add3A = arith.constant 15872 : i32
      %add3A_68 = arith.addi %mul3A_67, %add3A : i32
      "tpu.region"() ({
        %run_scoped3A = tpu.sem_alloc : memref<!tpu.dma_semaphore, #tpu.memory_space<semaphore_mem>>
        %dma_start3A = tpu.memref_slice %arg6[%add3A_68] : memref<256000xi32, #tpu.memory_space<hbm>> -> memref<128xi32, #tpu.memory_space<hbm>>
        %dma_start3A_79 = tpu.memref_slice %arg6[%add3A_68] : memref<256000xi32, #tpu.memory_space<hbm>> -> memref<128xi32, #tpu.memory_space<hbm>>
        tpu.enqueue_dma source(%dma_start3A_79 : memref<128xi32, #tpu.memory_space<hbm>>) target(%arg18 : memref<128xi32, #tpu.memory_space<vmem>>) target_semaphore(%run_scoped3A : memref<!tpu.dma_semaphore, #tpu.memory_space<semaphore_mem>>)
        %dma_wait3A = tpu.memref_slice %arg6[%add3A_68] : memref<256000xi32, #tpu.memory_space<hbm>> -> memref<128xi32, #tpu.memory_space<hbm>>
        %dma_wait3A_80 = tpu.memref_slice %arg6[%add3A_68] : memref<256000xi32, #tpu.memory_space<hbm>> -> memref<128xi32, #tpu.memory_space<hbm>>
        tpu.wait_dma2 semaphore(%run_scoped3A : memref<!tpu.dma_semaphore, #tpu.memory_space<semaphore_mem>>) src(%dma_wait3A_80 : memref<128xi32, #tpu.memory_space<hbm>>) dst(%arg18 : memref<128xi32, #tpu.memory_space<vmem>>)
        tpu.yield
      }) : () -> ()
      "tpu.region"() ({
        %run_scoped3A = tpu.sem_alloc : memref<!tpu.dma_semaphore, #tpu.memory_space<semaphore_mem>>
        %dma_start3A = arith.constant 0 : i32
        %dma_start3A_79 = arith.constant 0 : i32
        %dma_start3A_80 = tpu.memref_slice %arg24[%dma_start3A, %dma_start3A_79] : memref<5120x128xf32, #tpu.memory_space<vmem_shared>> -> memref<5120x128xf32, #tpu.memory_space<vmem_shared>>
        tpu.enqueue_indirect_dma source(%arg22 : memref<128x128xf32, #tpu.memory_space<vmem>>) target(%dma_start3A_80 : memref<5120x128xf32, #tpu.memory_space<vmem_shared>>) offsets(%arg18 : memref<128xi32, #tpu.memory_space<vmem>>) semaphore(%run_scoped3A : memref<!tpu.dma_semaphore, #tpu.memory_space<semaphore_mem>>) {add = true}
        %dma_wait3A = arith.constant 0 : i32
        %dma_wait3A_81 = arith.constant 0 : i32
        %dma_wait3A_82 = tpu.memref_slice %arg24[%dma_wait3A, %dma_wait3A_81] : memref<5120x128xf32, #tpu.memory_space<vmem_shared>> -> memref<5120x128xf32, #tpu.memory_space<vmem_shared>>
        tpu.wait_indirect_dma semaphore(%run_scoped3A : memref<!tpu.dma_semaphore, #tpu.memory_space<semaphore_mem>>) src(%arg22 : memref<128x128xf32, #tpu.memory_space<vmem>>) dst(%dma_wait3A_82 : memref<5120x128xf32, #tpu.memory_space<vmem_shared>>)
        tpu.yield
      }) : () -> ()
      %scan3A_69 = arith.constant 0 : i32
      %scan3A_70 = arith.constant 0 : i32
      %scan3A_71 = arith.constant 62 : i32
      %scan3A_72 = arith.addi %scan3A_70, %scan3A_71 : i32
      %scan3A_73 = arith.constant 1 : i32
      scf.for %scan3A_79 = %scan3A_70 to %scan3A_72 step %scan3A_73  : i32 {
        %mul3A_80 = arith.constant 2 : i32
        %mul3A_81 = arith.muli %mul3A_80, %scan3A_79 : i32
        %mul3A_82 = arith.constant 16000 : i32
        %mul3A_83 = arith.muli %arg1, %mul3A_82 : i32
        %mul3A_84 = arith.constant 128 : i32
        %mul3A_85 = arith.muli %mul3A_81, %mul3A_84 : i32
        %add3A_86 = arith.addi %mul3A_83, %mul3A_85 : i32
        "tpu.region"() ({
          %run_scoped3A = tpu.sem_alloc : memref<!tpu.dma_semaphore, #tpu.memory_space<semaphore_mem>>
          %dma_start3A_104 = tpu.memref_slice %arg8[%add3A_86] : memref<256000xi32, #tpu.memory_space<hbm>> -> memref<128xi32, #tpu.memory_space<hbm>>
          %dma_start3A_105 = tpu.memref_slice %arg8[%add3A_86] : memref<256000xi32, #tpu.memory_space<hbm>> -> memref<128xi32, #tpu.memory_space<hbm>>
          tpu.enqueue_dma source(%dma_start3A_105 : memref<128xi32, #tpu.memory_space<hbm>>) target(%arg18 : memref<128xi32, #tpu.memory_space<vmem>>) target_semaphore(%run_scoped3A : memref<!tpu.dma_semaphore, #tpu.memory_space<semaphore_mem>>)
          %dma_wait3A_106 = tpu.memref_slice %arg8[%add3A_86] : memref<256000xi32, #tpu.memory_space<hbm>> -> memref<128xi32, #tpu.memory_space<hbm>>
          %dma_wait3A_107 = tpu.memref_slice %arg8[%add3A_86] : memref<256000xi32, #tpu.memory_space<hbm>> -> memref<128xi32, #tpu.memory_space<hbm>>
          tpu.wait_dma2 semaphore(%run_scoped3A : memref<!tpu.dma_semaphore, #tpu.memory_space<semaphore_mem>>) src(%dma_wait3A_107 : memref<128xi32, #tpu.memory_space<hbm>>) dst(%arg18 : memref<128xi32, #tpu.memory_space<vmem>>)
          tpu.yield
        }) : () -> ()
        %dma_start3A = arith.constant 0 : i32
        %dma_start3A_87 = arith.constant 0 : i32
        %dma_start3A_88 = tpu.memref_slice %arg24[%dma_start3A, %dma_start3A_87] : memref<5120x128xf32, #tpu.memory_space<vmem_shared>> -> memref<5120x128xf32, #tpu.memory_space<vmem_shared>>
        tpu.enqueue_indirect_dma source(%arg23 : memref<128x128xf32, #tpu.memory_space<vmem>>) target(%dma_start3A_88 : memref<5120x128xf32, #tpu.memory_space<vmem_shared>>) offsets(%arg18 : memref<128xi32, #tpu.memory_space<vmem>>) semaphore(%arg29 : memref<!tpu.dma_semaphore, #tpu.memory_space<semaphore_mem>>) {add = true}
        %add3A_89 = arith.constant 1 : i32
        %add3A_90 = arith.addi %mul3A_81, %add3A_89 : i32
        %mul3A_91 = arith.constant 16000 : i32
        %mul3A_92 = arith.muli %arg1, %mul3A_91 : i32
        %mul3A_93 = arith.constant 128 : i32
        %mul3A_94 = arith.muli %add3A_90, %mul3A_93 : i32
        %add3A_95 = arith.addi %mul3A_92, %mul3A_94 : i32
        "tpu.region"() ({
          %run_scoped3A = tpu.sem_alloc : memref<!tpu.dma_semaphore, #tpu.memory_space<semaphore_mem>>
          %dma_start3A_104 = tpu.memref_slice %arg8[%add3A_95] : memref<256000xi32, #tpu.memory_space<hbm>> -> memref<128xi32, #tpu.memory_space<hbm>>
          %dma_start3A_105 = tpu.memref_slice %arg8[%add3A_95] : memref<256000xi32, #tpu.memory_space<hbm>> -> memref<128xi32, #tpu.memory_space<hbm>>
          tpu.enqueue_dma source(%dma_start3A_105 : memref<128xi32, #tpu.memory_space<hbm>>) target(%arg19 : memref<128xi32, #tpu.memory_space<vmem>>) target_semaphore(%run_scoped3A : memref<!tpu.dma_semaphore, #tpu.memory_space<semaphore_mem>>)
          %dma_wait3A_106 = tpu.memref_slice %arg8[%add3A_95] : memref<256000xi32, #tpu.memory_space<hbm>> -> memref<128xi32, #tpu.memory_space<hbm>>
          %dma_wait3A_107 = tpu.memref_slice %arg8[%add3A_95] : memref<256000xi32, #tpu.memory_space<hbm>> -> memref<128xi32, #tpu.memory_space<hbm>>
          tpu.wait_dma2 semaphore(%run_scoped3A : memref<!tpu.dma_semaphore, #tpu.memory_space<semaphore_mem>>) src(%dma_wait3A_107 : memref<128xi32, #tpu.memory_space<hbm>>) dst(%arg19 : memref<128xi32, #tpu.memory_space<vmem>>)
          tpu.yield
        }) : () -> ()
        %dma_start3A_96 = arith.constant 0 : i32
        %dma_start3A_97 = arith.constant 0 : i32
        %dma_start3A_98 = tpu.memref_slice %arg24[%dma_start3A_96, %dma_start3A_97] : memref<5120x128xf32, #tpu.memory_space<vmem_shared>> -> memref<5120x128xf32, #tpu.memory_space<vmem_shared>>
        tpu.enqueue_indirect_dma source(%arg23 : memref<128x128xf32, #tpu.memory_space<vmem>>) target(%dma_start3A_98 : memref<5120x128xf32, #tpu.memory_space<vmem_shared>>) offsets(%arg19 : memref<128xi32, #tpu.memory_space<vmem>>) semaphore(%arg30 : memref<!tpu.dma_semaphore, #tpu.memory_space<semaphore_mem>>) {add = true}
        %dma_wait3A = arith.constant 0 : i32
        %dma_wait3A_99 = arith.constant 0 : i32
        %dma_wait3A_100 = tpu.memref_slice %arg24[%dma_wait3A, %dma_wait3A_99] : memref<5120x128xf32, #tpu.memory_space<vmem_shared>> -> memref<5120x128xf32, #tpu.memory_space<vmem_shared>>
        tpu.wait_indirect_dma semaphore(%arg29 : memref<!tpu.dma_semaphore, #tpu.memory_space<semaphore_mem>>) src(%arg23 : memref<128x128xf32, #tpu.memory_space<vmem>>) dst(%dma_wait3A_100 : memref<5120x128xf32, #tpu.memory_space<vmem_shared>>)
        %dma_wait3A_101 = arith.constant 0 : i32
        %dma_wait3A_102 = arith.constant 0 : i32
        %dma_wait3A_103 = tpu.memref_slice %arg24[%dma_wait3A_101, %dma_wait3A_102] : memref<5120x128xf32, #tpu.memory_space<vmem_shared>> -> memref<5120x128xf32, #tpu.memory_space<vmem_shared>>
        tpu.wait_indirect_dma semaphore(%arg30 : memref<!tpu.dma_semaphore, #tpu.memory_space<semaphore_mem>>) src(%arg23 : memref<128x128xf32, #tpu.memory_space<vmem>>) dst(%dma_wait3A_103 : memref<5120x128xf32, #tpu.memory_space<vmem_shared>>)
      }
      %scan3A_74 = arith.constant 62 : i32
      %mul3A_75 = arith.constant 16000 : i32
      %mul3A_76 = arith.muli %arg1, %mul3A_75 : i32
      %add3A_77 = arith.constant 15872 : i32
      %add3A_78 = arith.addi %mul3A_76, %add3A_77 : i32
      "tpu.region"() ({
        %run_scoped3A = tpu.sem_alloc : memref<!tpu.dma_semaphore, #tpu.memory_space<semaphore_mem>>
        %dma_start3A = tpu.memref_slice %arg8[%add3A_78] : memref<256000xi32, #tpu.memory_space<hbm>> -> memref<128xi32, #tpu.memory_space<hbm>>
        %dma_start3A_79 = tpu.memref_slice %arg8[%add3A_78] : memref<256000xi32, #tpu.memory_space<hbm>> -> memref<128xi32, #tpu.memory_space<hbm>>
        tpu.enqueue_dma source(%dma_start3A_79 : memref<128xi32, #tpu.memory_space<hbm>>) target(%arg18 : memref<128xi32, #tpu.memory_space<vmem>>) target_semaphore(%run_scoped3A : memref<!tpu.dma_semaphore, #tpu.memory_space<semaphore_mem>>)
        %dma_wait3A = tpu.memref_slice %arg8[%add3A_78] : memref<256000xi32, #tpu.memory_space<hbm>> -> memref<128xi32, #tpu.memory_space<hbm>>
        %dma_wait3A_80 = tpu.memref_slice %arg8[%add3A_78] : memref<256000xi32, #tpu.memory_space<hbm>> -> memref<128xi32, #tpu.memory_space<hbm>>
        tpu.wait_dma2 semaphore(%run_scoped3A : memref<!tpu.dma_semaphore, #tpu.memory_space<semaphore_mem>>) src(%dma_wait3A_80 : memref<128xi32, #tpu.memory_space<hbm>>) dst(%arg18 : memref<128xi32, #tpu.memory_space<vmem>>)
        tpu.yield
      }) : () -> ()
      "tpu.region"() ({
        %run_scoped3A = tpu.sem_alloc : memref<!tpu.dma_semaphore, #tpu.memory_space<semaphore_mem>>
        %dma_start3A = arith.constant 0 : i32
        %dma_start3A_79 = arith.constant 0 : i32
        %dma_start3A_80 = tpu.memref_slice %arg24[%dma_start3A, %dma_start3A_79] : memref<5120x128xf32, #tpu.memory_space<vmem_shared>> -> memref<5120x128xf32, #tpu.memory_space<vmem_shared>>
        tpu.enqueue_indirect_dma source(%arg23 : memref<128x128xf32, #tpu.memory_space<vmem>>) target(%dma_start3A_80 : memref<5120x128xf32, #tpu.memory_space<vmem_shared>>) offsets(%arg18 : memref<128xi32, #tpu.memory_space<vmem>>) semaphore(%run_scoped3A : memref<!tpu.dma_semaphore, #tpu.memory_space<semaphore_mem>>) {add = true}
        %dma_wait3A = arith.constant 0 : i32
        %dma_wait3A_81 = arith.constant 0 : i32
        %dma_wait3A_82 = tpu.memref_slice %arg24[%dma_wait3A, %dma_wait3A_81] : memref<5120x128xf32, #tpu.memory_space<vmem_shared>> -> memref<5120x128xf32, #tpu.memory_space<vmem_shared>>
        tpu.wait_indirect_dma semaphore(%run_scoped3A : memref<!tpu.dma_semaphore, #tpu.memory_space<semaphore_mem>>) src(%arg23 : memref<128x128xf32, #tpu.memory_space<vmem>>) dst(%dma_wait3A_82 : memref<5120x128xf32, #tpu.memory_space<vmem_shared>>)
        tpu.yield
      }) : () -> ()
    } else {
    }
    %eq3A_50 = arith.constant 1 : i32
    %eq3A_51 = arith.cmpi eq, %arg0, %eq3A_50 : i32
    %convert_element_type3A_52 = arith.extui %eq3A_51 : i1 to i32
    %cond3A_53 = arith.constant 0 : i32
    %cond3A_54 = arith.cmpi ne, %convert_element_type3A_52, %cond3A_53 : i32
    scf.if %cond3A_54 {
      %scan3A = arith.constant 0 : i32
      %scan3A_62 = arith.constant 0 : i32
      %scan3A_63 = arith.constant 62 : i32
      %scan3A_64 = arith.addi %scan3A_62, %scan3A_63 : i32
      %scan3A_65 = arith.constant 1 : i32
      scf.for %scan3A_79 = %scan3A_62 to %scan3A_64 step %scan3A_65  : i32 {
        %mul3A_80 = arith.constant 2 : i32
        %mul3A_81 = arith.muli %mul3A_80, %scan3A_79 : i32
        %mul3A_82 = arith.constant 16000 : i32
        %mul3A_83 = arith.muli %arg1, %mul3A_82 : i32
        %mul3A_84 = arith.constant 128 : i32
        %mul3A_85 = arith.muli %mul3A_81, %mul3A_84 : i32
        %add3A_86 = arith.addi %mul3A_83, %mul3A_85 : i32
        "tpu.region"() ({
          %run_scoped3A = tpu.sem_alloc : memref<!tpu.dma_semaphore, #tpu.memory_space<semaphore_mem>>
          %dma_start3A_104 = tpu.memref_slice %arg7[%add3A_86] : memref<256000xi32, #tpu.memory_space<hbm>> -> memref<128xi32, #tpu.memory_space<hbm>>
          %dma_start3A_105 = tpu.memref_slice %arg7[%add3A_86] : memref<256000xi32, #tpu.memory_space<hbm>> -> memref<128xi32, #tpu.memory_space<hbm>>
          tpu.enqueue_dma source(%dma_start3A_105 : memref<128xi32, #tpu.memory_space<hbm>>) target(%arg18 : memref<128xi32, #tpu.memory_space<vmem>>) target_semaphore(%run_scoped3A : memref<!tpu.dma_semaphore, #tpu.memory_space<semaphore_mem>>)
          %dma_wait3A_106 = tpu.memref_slice %arg7[%add3A_86] : memref<256000xi32, #tpu.memory_space<hbm>> -> memref<128xi32, #tpu.memory_space<hbm>>
          %dma_wait3A_107 = tpu.memref_slice %arg7[%add3A_86] : memref<256000xi32, #tpu.memory_space<hbm>> -> memref<128xi32, #tpu.memory_space<hbm>>
          tpu.wait_dma2 semaphore(%run_scoped3A : memref<!tpu.dma_semaphore, #tpu.memory_space<semaphore_mem>>) src(%dma_wait3A_107 : memref<128xi32, #tpu.memory_space<hbm>>) dst(%arg18 : memref<128xi32, #tpu.memory_space<vmem>>)
          tpu.yield
        }) : () -> ()
        %dma_start3A = arith.constant 0 : i32
        %dma_start3A_87 = arith.constant 0 : i32
        %dma_start3A_88 = tpu.memref_slice %arg24[%dma_start3A, %dma_start3A_87] : memref<5120x128xf32, #tpu.memory_space<vmem_shared>> -> memref<5120x128xf32, #tpu.memory_space<vmem_shared>>
        tpu.enqueue_indirect_dma source(%arg22 : memref<128x128xf32, #tpu.memory_space<vmem>>) target(%dma_start3A_88 : memref<5120x128xf32, #tpu.memory_space<vmem_shared>>) offsets(%arg18 : memref<128xi32, #tpu.memory_space<vmem>>) semaphore(%arg29 : memref<!tpu.dma_semaphore, #tpu.memory_space<semaphore_mem>>) {add = true}
        %add3A_89 = arith.constant 1 : i32
        %add3A_90 = arith.addi %mul3A_81, %add3A_89 : i32
        %mul3A_91 = arith.constant 16000 : i32
        %mul3A_92 = arith.muli %arg1, %mul3A_91 : i32
        %mul3A_93 = arith.constant 128 : i32
        %mul3A_94 = arith.muli %add3A_90, %mul3A_93 : i32
        %add3A_95 = arith.addi %mul3A_92, %mul3A_94 : i32
        "tpu.region"() ({
          %run_scoped3A = tpu.sem_alloc : memref<!tpu.dma_semaphore, #tpu.memory_space<semaphore_mem>>
          %dma_start3A_104 = tpu.memref_slice %arg7[%add3A_95] : memref<256000xi32, #tpu.memory_space<hbm>> -> memref<128xi32, #tpu.memory_space<hbm>>
          %dma_start3A_105 = tpu.memref_slice %arg7[%add3A_95] : memref<256000xi32, #tpu.memory_space<hbm>> -> memref<128xi32, #tpu.memory_space<hbm>>
          tpu.enqueue_dma source(%dma_start3A_105 : memref<128xi32, #tpu.memory_space<hbm>>) target(%arg19 : memref<128xi32, #tpu.memory_space<vmem>>) target_semaphore(%run_scoped3A : memref<!tpu.dma_semaphore, #tpu.memory_space<semaphore_mem>>)
          %dma_wait3A_106 = tpu.memref_slice %arg7[%add3A_95] : memref<256000xi32, #tpu.memory_space<hbm>> -> memref<128xi32, #tpu.memory_space<hbm>>
          %dma_wait3A_107 = tpu.memref_slice %arg7[%add3A_95] : memref<256000xi32, #tpu.memory_space<hbm>> -> memref<128xi32, #tpu.memory_space<hbm>>
          tpu.wait_dma2 semaphore(%run_scoped3A : memref<!tpu.dma_semaphore, #tpu.memory_space<semaphore_mem>>) src(%dma_wait3A_107 : memref<128xi32, #tpu.memory_space<hbm>>) dst(%arg19 : memref<128xi32, #tpu.memory_space<vmem>>)
          tpu.yield
        }) : () -> ()
        %dma_start3A_96 = arith.constant 0 : i32
        %dma_start3A_97 = arith.constant 0 : i32
        %dma_start3A_98 = tpu.memref_slice %arg24[%dma_start3A_96, %dma_start3A_97] : memref<5120x128xf32, #tpu.memory_space<vmem_shared>> -> memref<5120x128xf32, #tpu.memory_space<vmem_shared>>
        tpu.enqueue_indirect_dma source(%arg22 : memref<128x128xf32, #tpu.memory_space<vmem>>) target(%dma_start3A_98 : memref<5120x128xf32, #tpu.memory_space<vmem_shared>>) offsets(%arg19 : memref<128xi32, #tpu.memory_space<vmem>>) semaphore(%arg30 : memref<!tpu.dma_semaphore, #tpu.memory_space<semaphore_mem>>) {add = true}
        %dma_wait3A = arith.constant 0 : i32
        %dma_wait3A_99 = arith.constant 0 : i32
        %dma_wait3A_100 = tpu.memref_slice %arg24[%dma_wait3A, %dma_wait3A_99] : memref<5120x128xf32, #tpu.memory_space<vmem_shared>> -> memref<5120x128xf32, #tpu.memory_space<vmem_shared>>
        tpu.wait_indirect_dma semaphore(%arg29 : memref<!tpu.dma_semaphore, #tpu.memory_space<semaphore_mem>>) src(%arg22 : memref<128x128xf32, #tpu.memory_space<vmem>>) dst(%dma_wait3A_100 : memref<5120x128xf32, #tpu.memory_space<vmem_shared>>)
        %dma_wait3A_101 = arith.constant 0 : i32
        %dma_wait3A_102 = arith.constant 0 : i32
        %dma_wait3A_103 = tpu.memref_slice %arg24[%dma_wait3A_101, %dma_wait3A_102] : memref<5120x128xf32, #tpu.memory_space<vmem_shared>> -> memref<5120x128xf32, #tpu.memory_space<vmem_shared>>
        tpu.wait_indirect_dma semaphore(%arg30 : memref<!tpu.dma_semaphore, #tpu.memory_space<semaphore_mem>>) src(%arg22 : memref<128x128xf32, #tpu.memory_space<vmem>>) dst(%dma_wait3A_103 : memref<5120x128xf32, #tpu.memory_space<vmem_shared>>)
      }
      %scan3A_66 = arith.constant 62 : i32
      %mul3A = arith.constant 16000 : i32
      %mul3A_67 = arith.muli %arg1, %mul3A : i32
      %add3A = arith.constant 15872 : i32
      %add3A_68 = arith.addi %mul3A_67, %add3A : i32
      "tpu.region"() ({
        %run_scoped3A = tpu.sem_alloc : memref<!tpu.dma_semaphore, #tpu.memory_space<semaphore_mem>>
        %dma_start3A = tpu.memref_slice %arg7[%add3A_68] : memref<256000xi32, #tpu.memory_space<hbm>> -> memref<128xi32, #tpu.memory_space<hbm>>
        %dma_start3A_79 = tpu.memref_slice %arg7[%add3A_68] : memref<256000xi32, #tpu.memory_space<hbm>> -> memref<128xi32, #tpu.memory_space<hbm>>
        tpu.enqueue_dma source(%dma_start3A_79 : memref<128xi32, #tpu.memory_space<hbm>>) target(%arg18 : memref<128xi32, #tpu.memory_space<vmem>>) target_semaphore(%run_scoped3A : memref<!tpu.dma_semaphore, #tpu.memory_space<semaphore_mem>>)
        %dma_wait3A = tpu.memref_slice %arg7[%add3A_68] : memref<256000xi32, #tpu.memory_space<hbm>> -> memref<128xi32, #tpu.memory_space<hbm>>
        %dma_wait3A_80 = tpu.memref_slice %arg7[%add3A_68] : memref<256000xi32, #tpu.memory_space<hbm>> -> memref<128xi32, #tpu.memory_space<hbm>>
        tpu.wait_dma2 semaphore(%run_scoped3A : memref<!tpu.dma_semaphore, #tpu.memory_space<semaphore_mem>>) src(%dma_wait3A_80 : memref<128xi32, #tpu.memory_space<hbm>>) dst(%arg18 : memref<128xi32, #tpu.memory_space<vmem>>)
        tpu.yield
      }) : () -> ()
      "tpu.region"() ({
        %run_scoped3A = tpu.sem_alloc : memref<!tpu.dma_semaphore, #tpu.memory_space<semaphore_mem>>
        %dma_start3A = arith.constant 0 : i32
        %dma_start3A_79 = arith.constant 0 : i32
        %dma_start3A_80 = tpu.memref_slice %arg24[%dma_start3A, %dma_start3A_79] : memref<5120x128xf32, #tpu.memory_space<vmem_shared>> -> memref<5120x128xf32, #tpu.memory_space<vmem_shared>>
        tpu.enqueue_indirect_dma source(%arg22 : memref<128x128xf32, #tpu.memory_space<vmem>>) target(%dma_start3A_80 : memref<5120x128xf32, #tpu.memory_space<vmem_shared>>) offsets(%arg18 : memref<128xi32, #tpu.memory_space<vmem>>) semaphore(%run_scoped3A : memref<!tpu.dma_semaphore, #tpu.memory_space<semaphore_mem>>) {add = true}
        %dma_wait3A = arith.constant 0 : i32
        %dma_wait3A_81 = arith.constant 0 : i32
        %dma_wait3A_82 = tpu.memref_slice %arg24[%dma_wait3A, %dma_wait3A_81] : memref<5120x128xf32, #tpu.memory_space<vmem_shared>> -> memref<5120x128xf32, #tpu.memory_space<vmem_shared>>
        tpu.wait_indirect_dma semaphore(%run_scoped3A : memref<!tpu.dma_semaphore, #tpu.memory_space<semaphore_mem>>) src(%arg22 : memref<128x128xf32, #tpu.memory_space<vmem>>) dst(%dma_wait3A_82 : memref<5120x128xf32, #tpu.memory_space<vmem_shared>>)
        tpu.yield
      }) : () -> ()
      %scan3A_69 = arith.constant 0 : i32
      %scan3A_70 = arith.constant 0 : i32
      %scan3A_71 = arith.constant 62 : i32
      %scan3A_72 = arith.addi %scan3A_70, %scan3A_71 : i32
      %scan3A_73 = arith.constant 1 : i32
      scf.for %scan3A_79 = %scan3A_70 to %scan3A_72 step %scan3A_73  : i32 {
        %mul3A_80 = arith.constant 2 : i32
        %mul3A_81 = arith.muli %mul3A_80, %scan3A_79 : i32
        %mul3A_82 = arith.constant 16000 : i32
        %mul3A_83 = arith.muli %arg1, %mul3A_82 : i32
        %mul3A_84 = arith.constant 128 : i32
        %mul3A_85 = arith.muli %mul3A_81, %mul3A_84 : i32
        %add3A_86 = arith.addi %mul3A_83, %mul3A_85 : i32
        "tpu.region"() ({
          %run_scoped3A = tpu.sem_alloc : memref<!tpu.dma_semaphore, #tpu.memory_space<semaphore_mem>>
          %dma_start3A_104 = tpu.memref_slice %arg9[%add3A_86] : memref<256000xi32, #tpu.memory_space<hbm>> -> memref<128xi32, #tpu.memory_space<hbm>>
          %dma_start3A_105 = tpu.memref_slice %arg9[%add3A_86] : memref<256000xi32, #tpu.memory_space<hbm>> -> memref<128xi32, #tpu.memory_space<hbm>>
          tpu.enqueue_dma source(%dma_start3A_105 : memref<128xi32, #tpu.memory_space<hbm>>) target(%arg18 : memref<128xi32, #tpu.memory_space<vmem>>) target_semaphore(%run_scoped3A : memref<!tpu.dma_semaphore, #tpu.memory_space<semaphore_mem>>)
          %dma_wait3A_106 = tpu.memref_slice %arg9[%add3A_86] : memref<256000xi32, #tpu.memory_space<hbm>> -> memref<128xi32, #tpu.memory_space<hbm>>
          %dma_wait3A_107 = tpu.memref_slice %arg9[%add3A_86] : memref<256000xi32, #tpu.memory_space<hbm>> -> memref<128xi32, #tpu.memory_space<hbm>>
          tpu.wait_dma2 semaphore(%run_scoped3A : memref<!tpu.dma_semaphore, #tpu.memory_space<semaphore_mem>>) src(%dma_wait3A_107 : memref<128xi32, #tpu.memory_space<hbm>>) dst(%arg18 : memref<128xi32, #tpu.memory_space<vmem>>)
          tpu.yield
        }) : () -> ()
        %dma_start3A = arith.constant 0 : i32
        %dma_start3A_87 = arith.constant 0 : i32
        %dma_start3A_88 = tpu.memref_slice %arg24[%dma_start3A, %dma_start3A_87] : memref<5120x128xf32, #tpu.memory_space<vmem_shared>> -> memref<5120x128xf32, #tpu.memory_space<vmem_shared>>
        tpu.enqueue_indirect_dma source(%arg23 : memref<128x128xf32, #tpu.memory_space<vmem>>) target(%dma_start3A_88 : memref<5120x128xf32, #tpu.memory_space<vmem_shared>>) offsets(%arg18 : memref<128xi32, #tpu.memory_space<vmem>>) semaphore(%arg29 : memref<!tpu.dma_semaphore, #tpu.memory_space<semaphore_mem>>) {add = true}
        %add3A_89 = arith.constant 1 : i32
        %add3A_90 = arith.addi %mul3A_81, %add3A_89 : i32
        %mul3A_91 = arith.constant 16000 : i32
        %mul3A_92 = arith.muli %arg1, %mul3A_91 : i32
        %mul3A_93 = arith.constant 128 : i32
        %mul3A_94 = arith.muli %add3A_90, %mul3A_93 : i32
        %add3A_95 = arith.addi %mul3A_92, %mul3A_94 : i32
        "tpu.region"() ({
          %run_scoped3A = tpu.sem_alloc : memref<!tpu.dma_semaphore, #tpu.memory_space<semaphore_mem>>
          %dma_start3A_104 = tpu.memref_slice %arg9[%add3A_95] : memref<256000xi32, #tpu.memory_space<hbm>> -> memref<128xi32, #tpu.memory_space<hbm>>
          %dma_start3A_105 = tpu.memref_slice %arg9[%add3A_95] : memref<256000xi32, #tpu.memory_space<hbm>> -> memref<128xi32, #tpu.memory_space<hbm>>
          tpu.enqueue_dma source(%dma_start3A_105 : memref<128xi32, #tpu.memory_space<hbm>>) target(%arg19 : memref<128xi32, #tpu.memory_space<vmem>>) target_semaphore(%run_scoped3A : memref<!tpu.dma_semaphore, #tpu.memory_space<semaphore_mem>>)
          %dma_wait3A_106 = tpu.memref_slice %arg9[%add3A_95] : memref<256000xi32, #tpu.memory_space<hbm>> -> memref<128xi32, #tpu.memory_space<hbm>>
          %dma_wait3A_107 = tpu.memref_slice %arg9[%add3A_95] : memref<256000xi32, #tpu.memory_space<hbm>> -> memref<128xi32, #tpu.memory_space<hbm>>
          tpu.wait_dma2 semaphore(%run_scoped3A : memref<!tpu.dma_semaphore, #tpu.memory_space<semaphore_mem>>) src(%dma_wait3A_107 : memref<128xi32, #tpu.memory_space<hbm>>) dst(%arg19 : memref<128xi32, #tpu.memory_space<vmem>>)
          tpu.yield
        }) : () -> ()
        %dma_start3A_96 = arith.constant 0 : i32
        %dma_start3A_97 = arith.constant 0 : i32
        %dma_start3A_98 = tpu.memref_slice %arg24[%dma_start3A_96, %dma_start3A_97] : memref<5120x128xf32, #tpu.memory_space<vmem_shared>> -> memref<5120x128xf32, #tpu.memory_space<vmem_shared>>
        tpu.enqueue_indirect_dma source(%arg23 : memref<128x128xf32, #tpu.memory_space<vmem>>) target(%dma_start3A_98 : memref<5120x128xf32, #tpu.memory_space<vmem_shared>>) offsets(%arg19 : memref<128xi32, #tpu.memory_space<vmem>>) semaphore(%arg30 : memref<!tpu.dma_semaphore, #tpu.memory_space<semaphore_mem>>) {add = true}
        %dma_wait3A = arith.constant 0 : i32
        %dma_wait3A_99 = arith.constant 0 : i32
        %dma_wait3A_100 = tpu.memref_slice %arg24[%dma_wait3A, %dma_wait3A_99] : memref<5120x128xf32, #tpu.memory_space<vmem_shared>> -> memref<5120x128xf32, #tpu.memory_space<vmem_shared>>
        tpu.wait_indirect_dma semaphore(%arg29 : memref<!tpu.dma_semaphore, #tpu.memory_space<semaphore_mem>>) src(%arg23 : memref<128x128xf32, #tpu.memory_space<vmem>>) dst(%dma_wait3A_100 : memref<5120x128xf32, #tpu.memory_space<vmem_shared>>)
        %dma_wait3A_101 = arith.constant 0 : i32
        %dma_wait3A_102 = arith.constant 0 : i32
        %dma_wait3A_103 = tpu.memref_slice %arg24[%dma_wait3A_101, %dma_wait3A_102] : memref<5120x128xf32, #tpu.memory_space<vmem_shared>> -> memref<5120x128xf32, #tpu.memory_space<vmem_shared>>
        tpu.wait_indirect_dma semaphore(%arg30 : memref<!tpu.dma_semaphore, #tpu.memory_space<semaphore_mem>>) src(%arg23 : memref<128x128xf32, #tpu.memory_space<vmem>>) dst(%dma_wait3A_103 : memref<5120x128xf32, #tpu.memory_space<vmem_shared>>)
      }
      %scan3A_74 = arith.constant 62 : i32
      %mul3A_75 = arith.constant 16000 : i32
      %mul3A_76 = arith.muli %arg1, %mul3A_75 : i32
      %add3A_77 = arith.constant 15872 : i32
      %add3A_78 = arith.addi %mul3A_76, %add3A_77 : i32
      "tpu.region"() ({
        %run_scoped3A = tpu.sem_alloc : memref<!tpu.dma_semaphore, #tpu.memory_space<semaphore_mem>>
        %dma_start3A = tpu.memref_slice %arg9[%add3A_78] : memref<256000xi32, #tpu.memory_space<hbm>> -> memref<128xi32, #tpu.memory_space<hbm>>
        %dma_start3A_79 = tpu.memref_slice %arg9[%add3A_78] : memref<256000xi32, #tpu.memory_space<hbm>> -> memref<128xi32, #tpu.memory_space<hbm>>
        tpu.enqueue_dma source(%dma_start3A_79 : memref<128xi32, #tpu.memory_space<hbm>>) target(%arg18 : memref<128xi32, #tpu.memory_space<vmem>>) target_semaphore(%run_scoped3A : memref<!tpu.dma_semaphore, #tpu.memory_space<semaphore_mem>>)
        %dma_wait3A = tpu.memref_slice %arg9[%add3A_78] : memref<256000xi32, #tpu.memory_space<hbm>> -> memref<128xi32, #tpu.memory_space<hbm>>
        %dma_wait3A_80 = tpu.memref_slice %arg9[%add3A_78] : memref<256000xi32, #tpu.memory_space<hbm>> -> memref<128xi32, #tpu.memory_space<hbm>>
        tpu.wait_dma2 semaphore(%run_scoped3A : memref<!tpu.dma_semaphore, #tpu.memory_space<semaphore_mem>>) src(%dma_wait3A_80 : memref<128xi32, #tpu.memory_space<hbm>>) dst(%arg18 : memref<128xi32, #tpu.memory_space<vmem>>)
        tpu.yield
      }) : () -> ()
      "tpu.region"() ({
        %run_scoped3A = tpu.sem_alloc : memref<!tpu.dma_semaphore, #tpu.memory_space<semaphore_mem>>
        %dma_start3A = arith.constant 0 : i32
        %dma_start3A_79 = arith.constant 0 : i32
        %dma_start3A_80 = tpu.memref_slice %arg24[%dma_start3A, %dma_start3A_79] : memref<5120x128xf32, #tpu.memory_space<vmem_shared>> -> memref<5120x128xf32, #tpu.memory_space<vmem_shared>>
        tpu.enqueue_indirect_dma source(%arg23 : memref<128x128xf32, #tpu.memory_space<vmem>>) target(%dma_start3A_80 : memref<5120x128xf32, #tpu.memory_space<vmem_shared>>) offsets(%arg18 : memref<128xi32, #tpu.memory_space<vmem>>) semaphore(%run_scoped3A : memref<!tpu.dma_semaphore, #tpu.memory_space<semaphore_mem>>) {add = true}
        %dma_wait3A = arith.constant 0 : i32
        %dma_wait3A_81 = arith.constant 0 : i32
        %dma_wait3A_82 = tpu.memref_slice %arg24[%dma_wait3A, %dma_wait3A_81] : memref<5120x128xf32, #tpu.memory_space<vmem_shared>> -> memref<5120x128xf32, #tpu.memory_space<vmem_shared>>
        tpu.wait_indirect_dma semaphore(%run_scoped3A : memref<!tpu.dma_semaphore, #tpu.memory_space<semaphore_mem>>) src(%arg23 : memref<128x128xf32, #tpu.memory_space<vmem>>) dst(%dma_wait3A_82 : memref<5120x128xf32, #tpu.memory_space<vmem_shared>>)
        tpu.yield
      }) : () -> ()
    } else {
    }
    %barrier3A_55 = arith.constant 0 : index
    tpu.barrier barrier_id(%barrier3A_55)
    %lt3A_56 = arith.constant 5 : i32
    %lt3A_57 = arith.cmpi slt, %arg1, %lt3A_56 : i32
    %convert_element_type3A_58 = arith.extui %lt3A_57 : i1 to i32
    %cond3A_59 = arith.constant 0 : i32
    %cond3A_60 = arith.cmpi ne, %convert_element_type3A_58, %cond3A_59 : i32
    scf.if %cond3A_60 {
      %mul3A = arith.constant 1000 : i32
      %mul3A_62 = arith.muli %arg1, %mul3A : i32
      %mul3A_63 = arith.constant 5000 : i32
      %mul3A_64 = arith.muli %arg0, %mul3A_63 : i32
      %mul3A_65 = arith.constant 1000 : i32
      %mul3A_66 = arith.muli %arg1, %mul3A_65 : i32
      %add3A = arith.addi %mul3A_64, %mul3A_66 : i32
      "tpu.region"() ({
        %run_scoped3A = tpu.sem_alloc : memref<!tpu.dma_semaphore, #tpu.memory_space<semaphore_mem>>
        %dma_start3A = arith.constant 0 : i32
        %dma_start3A_67 = tpu.memref_slice %arg15[%add3A, %dma_start3A] : memref<10000x128xf32, #tpu.memory_space<hbm>> -> memref<1000x128xf32, #tpu.memory_space<hbm>>
        %dma_start3A_68 = arith.constant 0 : i32
        %dma_start3A_69 = tpu.memref_slice %arg24[%mul3A_62, %dma_start3A_68] : memref<5120x128xf32, #tpu.memory_space<vmem_shared>> -> memref<1000x128xf32, #tpu.memory_space<vmem_shared>>
        tpu.enqueue_dma source(%dma_start3A_69 : memref<1000x128xf32, #tpu.memory_space<vmem_shared>>) target(%dma_start3A_67 : memref<1000x128xf32, #tpu.memory_space<hbm>>) target_semaphore(%run_scoped3A : memref<!tpu.dma_semaphore, #tpu.memory_space<semaphore_mem>>)
        %dma_wait3A = arith.constant 0 : i32
        %dma_wait3A_70 = tpu.memref_slice %arg15[%add3A, %dma_wait3A] : memref<10000x128xf32, #tpu.memory_space<hbm>> -> memref<1000x128xf32, #tpu.memory_space<hbm>>
        %dma_wait3A_71 = arith.constant 0 : i32
        %dma_wait3A_72 = tpu.memref_slice %arg24[%mul3A_62, %dma_wait3A_71] : memref<5120x128xf32, #tpu.memory_space<vmem_shared>> -> memref<1000x128xf32, #tpu.memory_space<vmem_shared>>
        tpu.wait_dma2 semaphore(%run_scoped3A : memref<!tpu.dma_semaphore, #tpu.memory_space<semaphore_mem>>) src(%dma_wait3A_72 : memref<1000x128xf32, #tpu.memory_space<vmem_shared>>) dst(%dma_wait3A_70 : memref<1000x128xf32, #tpu.memory_space<hbm>>)
        tpu.yield
      }) : () -> ()
    } else {
    }
    %barrier3A_61 = arith.constant 0 : index
    tpu.barrier barrier_id(%barrier3A_61)
    return
  }
}

module attributes {stable_mosaic.version = 14 : i64} {
  func.func @_leaky_body(%arg0: i32, %arg1: memref<2000x128xf32, #tpu.memory_space<vmem>>, %arg2: memref<2000x128xf32, #tpu.memory_space<vmem>>) attributes {dimension_semantics = [#tpu.dimension_semantics<arbitrary>], iteration_bounds = array<i64: 25>, scalar_prefetch = 0 : i64, scratch_operands = 0 : i64, tpu.core_type = #tpu.core_type<tc>, window_params = [{transform_indices = @transform_0, window_bounds = array<i64: 2000, 128>}, {transform_indices = @transform_1, window_bounds = array<i64: 2000, 128>}]} {
    %get3A = arith.constant 0 : index
    %get3A_0 = arith.constant 0 : index
    %get3A_1 = vector.load %arg1[%get3A, %get3A_0] : memref<2000x128xf32, #tpu.memory_space<vmem>>, vector<2000x128xf32>
    %gt3A = arith.constant 0.000000e+00 : f32
    %gt3A_2 = vector.broadcast %gt3A : f32 to vector<2000x128xf32>
    %gt3A_3 = arith.cmpf ogt, %get3A_1, %gt3A_2 : vector<2000x128xf32>
    %mul3A = arith.constant 0.00999999977 : f32
    %mul3A_4 = vector.broadcast %mul3A : f32 to vector<2000x128xf32>
    %mul3A_5 = arith.mulf %mul3A_4, %get3A_1 : vector<2000x128xf32>
    %select_n3A = arith.select %gt3A_3, %get3A_1, %mul3A_5 : vector<2000x128xi1>, vector<2000x128xf32>
    %swap3A = arith.constant 0 : index
    %swap3A_6 = arith.constant 0 : index
    %swap3A_7 = vector.load %arg2[%swap3A, %swap3A_6] : memref<2000x128xf32, #tpu.memory_space<vmem>>, vector<2000x128xf32>
    tpu.vector_store %arg2[%swap3A, %swap3A_6], %select_n3A {strides = array<i32>} : memref<2000x128xf32, #tpu.memory_space<vmem>>, vector<2000x128xf32>,
    return
  }
  func.func @transform_0(%arg0: i32) -> (i32, i32) {
    %c0_i32 = arith.constant 0 : i32
    %c0_i32_0 = arith.constant 0 : i32
    return %arg0, %c0_i32 : i32, i32
  }
  func.func @transform_1(%arg0: i32) -> (i32, i32) {
    %c0_i32 = arith.constant 0 : i32
    %c0_i32_0 = arith.constant 0 : i32
    return %arg0, %c0_i32 : i32, i32
  }
}

module attributes {stable_mosaic.version = 14 : i64} {
  func.func @_leaky_body(%arg0: i32, %arg1: memref<2000x128xf32, #tpu.memory_space<vmem>>, %arg2: memref<2000x128xf32, #tpu.memory_space<vmem>>) attributes {dimension_semantics = [#tpu.dimension_semantics<arbitrary>], iteration_bounds = array<i64: 50>, scalar_prefetch = 0 : i64, scratch_operands = 0 : i64, tpu.core_type = #tpu.core_type<tc>, window_params = [{transform_indices = @transform_0, window_bounds = array<i64: 2000, 128>}, {transform_indices = @transform_1, window_bounds = array<i64: 2000, 128>}]} {
    %get3A = arith.constant 0 : index
    %get3A_0 = arith.constant 0 : index
    %get3A_1 = vector.load %arg1[%get3A, %get3A_0] : memref<2000x128xf32, #tpu.memory_space<vmem>>, vector<2000x128xf32>
    %gt3A = arith.constant 0.000000e+00 : f32
    %gt3A_2 = vector.broadcast %gt3A : f32 to vector<2000x128xf32>
    %gt3A_3 = arith.cmpf ogt, %get3A_1, %gt3A_2 : vector<2000x128xf32>
    %mul3A = arith.constant 0.00999999977 : f32
    %mul3A_4 = vector.broadcast %mul3A : f32 to vector<2000x128xf32>
    %mul3A_5 = arith.mulf %mul3A_4, %get3A_1 : vector<2000x128xf32>
    %select_n3A = arith.select %gt3A_3, %get3A_1, %mul3A_5 : vector<2000x128xi1>, vector<2000x128xf32>
    %swap3A = arith.constant 0 : index
    %swap3A_6 = arith.constant 0 : index
    %swap3A_7 = vector.load %arg2[%swap3A, %swap3A_6] : memref<2000x128xf32, #tpu.memory_space<vmem>>, vector<2000x128xf32>
    tpu.vector_store %arg2[%swap3A, %swap3A_6], %select_n3A {strides = array<i32>} : memref<2000x128xf32, #tpu.memory_space<vmem>>, vector<2000x128xf32>,
    return
  }
  func.func @transform_0(%arg0: i32) -> (i32, i32) {
    %c0_i32 = arith.constant 0 : i32
    %c0_i32_0 = arith.constant 0 : i32
    return %arg0, %c0_i32 : i32, i32
  }
  func.func @transform_1(%arg0: i32) -> (i32, i32) {
    %c0_i32 = arith.constant 0 : i32
    %c0_i32_0 = arith.constant 0 : i32
    return %arg0, %c0_i32 : i32, i32
  }
}

module attributes {stable_mosaic.version = 14 : i64} {
  func.func @_clamp_body(%arg0: memref<2000x128xi32, #tpu.memory_space<vmem>>, %arg1: memref<2000x128xi32, #tpu.memory_space<vmem>>, %arg2: memref<2000x128xi32, #tpu.memory_space<vmem>>) attributes {dimension_semantics = [], scalar_prefetch = 0 : i64, scratch_operands = 0 : i64, tpu.core_type = #tpu.core_type<tc>} {
    %get3A = arith.constant 0 : index
    %get3A_0 = arith.constant 0 : index
    %get3A_1 = vector.load %arg0[%get3A, %get3A_0] : memref<2000x128xi32, #tpu.memory_space<vmem>>, vector<2000x128xi32>
    %iota3A = tpu.iota {dimensions = array<i32: 1>} : vector<2000x128xi32>
    %jit3A = arith.constant 120 : i32
    %eq3A = arith.constant 0 : i32
    %eq3A_2 = arith.cmpi eq, %jit3A, %eq3A : i32
    %jit3A_3 = arith.constant 1 : i32
    %select_n3A = arith.select %eq3A_2, %jit3A_3, %jit3A : i32
    %rem3A = vector.broadcast %select_n3A : i32 to vector<2000x128xi32>
    %rem3A_4 = arith.remsi %iota3A, %rem3A : vector<2000x128xi32>
    %ne3A = arith.constant 0 : i32
    %ne3A_5 = vector.broadcast %ne3A : i32 to vector<2000x128xi32>
    %ne3A_6 = arith.cmpi ne, %rem3A_4, %ne3A_5 : vector<2000x128xi32>
    %lt3A = arith.constant 0 : i32
    %lt3A_7 = vector.broadcast %lt3A : i32 to vector<2000x128xi32>
    %lt3A_8 = arith.cmpi slt, %rem3A_4, %lt3A_7 : vector<2000x128xi32>
    %lt3A_9 = arith.constant 0 : i32
    %lt3A_10 = arith.cmpi slt, %select_n3A, %lt3A_9 : i32
    %ne3A_11 = vector.broadcast %lt3A_10 : i1 to vector<2000x128xi1>
    %ne3A_12 = vector.broadcast %ne3A_11 : vector<2000x128xi1> to vector<2000x128xi1>
    %ne3A_13 = arith.xori %lt3A_8, %ne3A_12 : vector<2000x128xi1>
    %and3A = arith.andi %ne3A_13, %ne3A_6 : vector<2000x128xi1>
    %add3A = vector.broadcast %select_n3A : i32 to vector<2000x128xi32>
    %add3A_14 = arith.addi %rem3A_4, %add3A : vector<2000x128xi32>
    %select_n3A_15 = arith.select %and3A, %add3A_14, %rem3A_4 : vector<2000x128xi1>, vector<2000x128xi32>
    %add3A_16 = arith.constant 5000 : i32
    %add3A_17 = vector.broadcast %add3A_16 : i32 to vector<2000x128xi32>
    %add3A_18 = arith.addi %add3A_17, %select_n3A_15 : vector<2000x128xi32>
    %lt3A_19 = arith.constant 5000 : i32
    %lt3A_20 = vector.broadcast %lt3A_19 : i32 to vector<2000x128xi32>
    %lt3A_21 = arith.cmpi slt, %get3A_1, %lt3A_20 : vector<2000x128xi32>
    %select_n3A_22 = arith.select %lt3A_21, %get3A_1, %add3A_18 : vector<2000x128xi1>, vector<2000x128xi32>
    %swap3A = arith.constant 0 : index
    %swap3A_23 = arith.constant 0 : index
    %swap3A_24 = vector.load %arg1[%swap3A, %swap3A_23] : memref<2000x128xi32, #tpu.memory_space<vmem>>, vector<2000x128xi32>
    tpu.vector_store %arg1[%swap3A, %swap3A_23], %select_n3A_22 {strides = array<i32>} : memref<2000x128xi32, #tpu.memory_space<vmem>>, vector<2000x128xi32>,
    %ge3A = arith.constant 5000 : i32
    %ge3A_25 = vector.broadcast %ge3A : i32 to vector<2000x128xi32>
    %ge3A_26 = arith.cmpi sge, %get3A_1, %ge3A_25 : vector<2000x128xi32>
    %sub3A = arith.constant 5000 : i32
    %sub3A_27 = vector.broadcast %sub3A : i32 to vector<2000x128xi32>
    %sub3A_28 = arith.subi %get3A_1, %sub3A_27 : vector<2000x128xi32>
    %select_n3A_29 = arith.select %ge3A_26, %sub3A_28, %add3A_18 : vector<2000x128xi1>, vector<2000x128xi32>
    %swap3A_30 = arith.constant 0 : index
    %swap3A_31 = arith.constant 0 : index
    %swap3A_32 = vector.load %arg2[%swap3A_30, %swap3A_31] : memref<2000x128xi32, #tpu.memory_space<vmem>>, vector<2000x128xi32>
    tpu.vector_store %arg2[%swap3A_30, %swap3A_31], %select_n3A_29 {strides = array<i32>} : memref<2000x128xi32, #tpu.memory_space<vmem>>, vector<2000x128xi32>,
    return
  }
}

module attributes {stable_mosaic.version = 14 : i64} {
  func.func @_final_body(%arg0: i32, %arg1: memref<2000x128xf32, #tpu.memory_space<vmem>>, %arg2: memref<2000x128xf32, #tpu.memory_space<vmem>>, %arg3: memref<2000x128xf32, #tpu.memory_space<vmem>>, %arg4: memref<2000x128xf32, #tpu.memory_space<vmem>>, %arg5: memref<128x128xf32, #tpu.memory_space<vmem>>, %arg6: memref<128x128xf32, #tpu.memory_space<vmem>>, %arg7: memref<128x128xf32, #tpu.memory_space<vmem>>, %arg8: memref<128x1xf32, #tpu.memory_space<vmem>>, %arg9: memref<1x1xf32, #tpu.memory_space<vmem>>, %arg10: memref<2000x1xf32, #tpu.memory_space<vmem>>, %arg11: memref<2000x128xf32, #tpu.memory_space<vmem>>) attributes {dimension_semantics = [#tpu.dimension_semantics<arbitrary>], iteration_bounds = array<i64: 5>, scalar_prefetch = 0 : i64, scratch_operands = 0 : i64, tpu.core_type = #tpu.core_type<tc>, window_params = [{transform_indices = @transform_0, window_bounds = array<i64: 2000, 128>}, {transform_indices = @transform_1, window_bounds = array<i64: 2000, 128>}, {transform_indices = @transform_2, window_bounds = array<i64: 2000, 128>}, {transform_indices = @transform_3, window_bounds = array<i64: 2000, 128>}, {pipeline_mode = #tpu.pipeline_mode<synchronous>, transform_indices = @transform_4, window_bounds = array<i64: 128, 128>}, {pipeline_mode = #tpu.pipeline_mode<synchronous>, transform_indices = @transform_5, window_bounds = array<i64: 128, 128>}, {pipeline_mode = #tpu.pipeline_mode<synchronous>, transform_indices = @transform_6, window_bounds = array<i64: 128, 128>}, {pipeline_mode = #tpu.pipeline_mode<synchronous>, transform_indices = @transform_7, window_bounds = array<i64: 128, 1>}, {pipeline_mode = #tpu.pipeline_mode<synchronous>, transform_indices = @transform_8, window_bounds = array<i64: 1, 1>}, {transform_indices = @transform_9, window_bounds = array<i64: 2000, 1>}, {transform_indices = @transform_10, window_bounds = array<i64: 2000, 128>}]} {
    %get3A = arith.constant 0 : index
    %get3A_0 = arith.constant 0 : index
    %get3A_1 = vector.load %arg1[%get3A, %get3A_0] : memref<2000x128xf32, #tpu.memory_space<vmem>>, vector<2000x128xf32>
    %gt3A = arith.constant 0.000000e+00 : f32
    %gt3A_2 = vector.broadcast %gt3A : f32 to vector<2000x128xf32>
    %gt3A_3 = arith.cmpf ogt, %get3A_1, %gt3A_2 : vector<2000x128xf32>
    %mul3A = arith.constant 0.00999999977 : f32
    %mul3A_4 = vector.broadcast %mul3A : f32 to vector<2000x128xf32>
    %mul3A_5 = arith.mulf %mul3A_4, %get3A_1 : vector<2000x128xf32>
    %select_n3A = arith.select %gt3A_3, %get3A_1, %mul3A_5 : vector<2000x128xi1>, vector<2000x128xf32>
    %get3A_6 = arith.constant 0 : index
    %get3A_7 = arith.constant 0 : index
    %get3A_8 = vector.load %arg4[%get3A_6, %get3A_7] : memref<2000x128xf32, #tpu.memory_space<vmem>>, vector<2000x128xf32>
    %slice3A = vector.extract_strided_slice %get3A_8 {offsets = [0, 0], sizes = [2000, 1], strides = [1, 1]} : vector<2000x128xf32> to vector<2000x1xf32>
    %jit3A = arith.constant 1.000000e+00 : f32
    %max3A = vector.broadcast %jit3A : f32 to vector<2000x1xf32>
    %max3A_9 = arith.maximumf %max3A, %slice3A : vector<2000x1xf32>
    %slice3A_10 = vector.extract_strided_slice %get3A_8 {offsets = [0, 64], sizes = [2000, 1], strides = [1, 1]} : vector<2000x128xf32> to vector<2000x1xf32>
    %jit3A_11 = arith.constant 1.000000e+00 : f32
    %max3A_12 = vector.broadcast %jit3A_11 : f32 to vector<2000x1xf32>
    %max3A_13 = arith.maximumf %max3A_12, %slice3A_10 : vector<2000x1xf32>
    %get3A_14 = arith.constant 0 : index
    %get3A_15 = arith.constant 0 : index
    %get3A_16 = vector.load %arg5[%get3A_14, %get3A_15] : memref<128x128xf32, #tpu.memory_space<vmem>>, vector<128x128xf32>
    %dot_general3A = arith.constant dense<0.000000e+00> : vector<2000x128xf32>
    %dot_general3A_17 = tpu.matmul %select_n3A, %get3A_16, %dot_general3A {dimension_numbers = #tpu.dot_dimension_numbers<[1], [0], [0], [1], [0, 0, 1, 1], [], []>, transpose_lhs_hint = false} : vector<2000x128xf32>, vector<128x128xf32>, vector<2000x128xf32> -> vector<2000x128xf32>
    %get3A_18 = arith.constant 0 : index
    %get3A_19 = arith.constant 0 : index
    %get3A_20 = vector.load %arg2[%get3A_18, %get3A_19] : memref<2000x128xf32, #tpu.memory_space<vmem>>, vector<2000x128xf32>
    %div3A = vector.broadcast %max3A_9 : vector<2000x1xf32> to vector<2000x128xf32>
    %div3A_21 = arith.divf %get3A_20, %div3A : vector<2000x128xf32>
    %get3A_22 = arith.constant 0 : index
    %get3A_23 = arith.constant 0 : index
    %get3A_24 = vector.load %arg6[%get3A_22, %get3A_23] : memref<128x128xf32, #tpu.memory_space<vmem>>, vector<128x128xf32>
    %dot_general3A_25 = arith.constant dense<0.000000e+00> : vector<2000x128xf32>
    %dot_general3A_26 = tpu.matmul %div3A_21, %get3A_24, %dot_general3A_25 {dimension_numbers = #tpu.dot_dimension_numbers<[1], [0], [0], [1], [0, 0, 1, 1], [], []>, transpose_lhs_hint = false} : vector<2000x128xf32>, vector<128x128xf32>, vector<2000x128xf32> -> vector<2000x128xf32>
    %add3A = arith.addf %dot_general3A_17, %dot_general3A_26 : vector<2000x128xf32>
    %get3A_27 = arith.constant 0 : index
    %get3A_28 = arith.constant 0 : index
    %get3A_29 = vector.load %arg3[%get3A_27, %get3A_28] : memref<2000x128xf32, #tpu.memory_space<vmem>>, vector<2000x128xf32>
    %div3A_30 = vector.broadcast %max3A_13 : vector<2000x1xf32> to vector<2000x128xf32>
    %div3A_31 = arith.divf %get3A_29, %div3A_30 : vector<2000x128xf32>
    %get3A_32 = arith.constant 0 : index
    %get3A_33 = arith.constant 0 : index
    %get3A_34 = vector.load %arg7[%get3A_32, %get3A_33] : memref<128x128xf32, #tpu.memory_space<vmem>>, vector<128x128xf32>
    %dot_general3A_35 = arith.constant dense<0.000000e+00> : vector<2000x128xf32>
    %dot_general3A_36 = tpu.matmul %div3A_31, %get3A_34, %dot_general3A_35 {dimension_numbers = #tpu.dot_dimension_numbers<[1], [0], [0], [1], [0, 0, 1, 1], [], []>, transpose_lhs_hint = false} : vector<2000x128xf32>, vector<128x128xf32>, vector<2000x128xf32> -> vector<2000x128xf32>
    %add3A_37 = arith.addf %add3A, %dot_general3A_36 : vector<2000x128xf32>
    %swap3A = arith.constant 0 : index
    %swap3A_38 = arith.constant 0 : index
    %swap3A_39 = vector.load %arg11[%swap3A, %swap3A_38] : memref<2000x128xf32, #tpu.memory_space<vmem>>, vector<2000x128xf32>
    tpu.vector_store %arg11[%swap3A, %swap3A_38], %add3A_37 {strides = array<i32>} : memref<2000x128xf32, #tpu.memory_space<vmem>>, vector<2000x128xf32>,
    %get3A_40 = arith.constant 0 : index
    %get3A_41 = arith.constant 0 : index
    %get3A_42 = vector.load %arg8[%get3A_40, %get3A_41] : memref<128x1xf32, #tpu.memory_space<vmem>>, vector<128x1xf32>
    %dot_general3A_43 = arith.constant dense<0.000000e+00> : vector<2000x1xf32>
    %dot_general3A_44 = tpu.matmul %add3A_37, %get3A_42, %dot_general3A_43 {dimension_numbers = #tpu.dot_dimension_numbers<[1], [0], [0], [1], [0, 0, 1, 1], [], []>, transpose_lhs_hint = false} : vector<2000x128xf32>, vector<128x1xf32>, vector<2000x1xf32> -> vector<2000x1xf32>
    %get3A_45 = arith.constant 0 : index
    %get3A_46 = arith.constant 0 : index
    %get3A_47 = vector.load %arg9[%get3A_45, %get3A_46] : memref<1x1xf32, #tpu.memory_space<vmem>>, vector<1x1xf32>
    %add3A_48 = vector.broadcast %get3A_47 : vector<1x1xf32> to vector<2000x1xf32>
    %add3A_49 = arith.addf %dot_general3A_44, %add3A_48 : vector<2000x1xf32>
    %swap3A_50 = arith.constant 0 : index
    %swap3A_51 = arith.constant 0 : index
    %swap3A_52 = vector.load %arg10[%swap3A_50, %swap3A_51] : memref<2000x1xf32, #tpu.memory_space<vmem>>, vector<2000x1xf32>
    tpu.vector_store %arg10[%swap3A_50, %swap3A_51], %add3A_49 {strides = array<i32>} : memref<2000x1xf32, #tpu.memory_space<vmem>>, vector<2000x1xf32>,
    return
  }
  func.func @transform_0(%arg0: i32) -> (i32, i32) {
    %c0_i32 = arith.constant 0 : i32
    %c0_i32_0 = arith.constant 0 : i32
    return %arg0, %c0_i32 : i32, i32
  }
  func.func @transform_1(%arg0: i32) -> (i32, i32) {
    %c0_i32 = arith.constant 0 : i32
    %c0_i32_0 = arith.constant 0 : i32
    return %arg0, %c0_i32 : i32, i32
  }
  func.func @transform_2(%arg0: i32) -> (i32, i32) {
    %c0_i32 = arith.constant 0 : i32
    %c0_i32_0 = arith.constant 0 : i32
    return %arg0, %c0_i32 : i32, i32
  }
  func.func @transform_3(%arg0: i32) -> (i32, i32) {
    %c0_i32 = arith.constant 0 : i32
    %c0_i32_0 = arith.constant 0 : i32
    return %arg0, %c0_i32 : i32, i32
  }
  func.func @transform_4(%arg0: i32) -> (i32, i32) {
    %c0_i32 = arith.constant 0 : i32
    %c0_i32_0 = arith.constant 0 : i32
    %c0_i32_1 = arith.constant 0 : i32
    return %c0_i32, %c0_i32_0 : i32, i32
  }
  func.func @transform_5(%arg0: i32) -> (i32, i32) {
    %c0_i32 = arith.constant 0 : i32
    %c0_i32_0 = arith.constant 0 : i32
    %c0_i32_1 = arith.constant 0 : i32
    return %c0_i32, %c0_i32_0 : i32, i32
  }
  func.func @transform_6(%arg0: i32) -> (i32, i32) {
    %c0_i32 = arith.constant 0 : i32
    %c0_i32_0 = arith.constant 0 : i32
    %c0_i32_1 = arith.constant 0 : i32
    return %c0_i32, %c0_i32_0 : i32, i32
  }
  func.func @transform_7(%arg0: i32) -> (i32, i32) {
    %c0_i32 = arith.constant 0 : i32
    %c0_i32_0 = arith.constant 0 : i32
    %c0_i32_1 = arith.constant 0 : i32
    return %c0_i32, %c0_i32_0 : i32, i32
  }
  func.func @transform_8(%arg0: i32) -> (i32, i32) {
    %c0_i32 = arith.constant 0 : i32
    %c0_i32_0 = arith.constant 0 : i32
    %c0_i32_1 = arith.constant 0 : i32
    return %c0_i32, %c0_i32_0 : i32, i32
  }
  func.func @transform_9(%arg0: i32) -> (i32, i32) {
    %c0_i32 = arith.constant 0 : i32
    %c0_i32_0 = arith.constant 0 : i32
    return %arg0, %c0_i32 : i32, i32
  }
  func.func @transform_10(%arg0: i32) -> (i32, i32) {
    %c0_i32 = arith.constant 0 : i32
    %c0_i32_0 = arith.constant 0 : i32
    return %arg0, %c0_i32 : i32, i32
  }
}

</mosaic_0001>

<sc_bundles>
// kernel: kernel.8.cloned.1.call-start
scs
__scs_entry_jumppad:
0x0: {  	(pc) =	sbr.rel $0x88, $3  }
0x1: {  	(tag) =	ssettag $0x0;
	lr =	simm.s32 $0x1  }
0x2: {  	[smem:$0x3F95] =	sst lr;
	_ =	strace $0xD0000000  }
0x3: {  	_ = 	snop  }
0x4: {  	_ = 	snop  }
0x5: {  	_ = 	snop  }
0x6: {  	_ = 	snop  }
0x7: {  	_ = 	snop  }
__scs_overlays_trampoline_lowered:
0x8: {  	[smem:$0x3FA4] =	sst s0  }
0x9: {  	[smem:$0x3FA5] =	sst s1  }
0xa: {  	[smem:$0x3FA6] =	sst s2  }
0xb: {  	[smem:$0x3FA7] =	sst s3  }
0xc: {  	[smem:$0x3FA8] =	sst s4  }
0xd: {  	[smem:$0x3FA9] =	sst s5  }
0xe: {  	[smem:$0x3FAA] =	sst s6  }
0xf: {  	[smem:$0x3FAB] =	sst s7  }
0x10: {  	[smem:$0x3FAC] =	sst s8  }
0x11: {  	[smem:$0x3FAD] =	sst s9;
	s0 =	simm.s32 @!p0 $0x0  }
0x12: {  	s1 =	sld [smem:$0x3F93];
	s0 =	simm.s32 @p0 $0x1  }
0x13: {  	[smem:$0x3FAE] =	sst s0;
	s0 =	simm.s32 @!p1 $0x0  }
0x14: {  	s2 =	sld [smem:$0x3F92];
	s0 =	simm.s32 @p1 $0x1  }
0x15: {  	[smem:$0x3FAF] =	sst s0;
	s0 =	simm.s32 @!p2 $0x0  }
0x16: {  	s3 =	sld [smem:$0x3FDB];
	s0 =	simm.s32 @p2 $0x1  }
0x17: {  	s4 =	simm.s32 $0x1BF5;
	[smem:$0x3FB1] =	sst s0  }
0x18: {  	s0 =	sld [smem:$0x3F94];
	_ =	swait.ge [sflag:s4], $0x0  }
0x19: {  	s7 =	sld [smem:$0x3F95]  }
0x1a: {  	s8 =	sadd.s32 $0xFFFFE003, lr  }
0x1b: {  	s9 =	sadd.s32 $0xFFFFFEF7, lr;
	s5 =	simm.s32 $0xFFFFFFFF;
	p2 =	slt.u32 s8, $0xFFFFF086  }
0x1c: {  	p1 =	slt.u32 s9, $0xF7A;
	s5 =	simm.s32 @!p2 $0x0  }
0x1d: {  	s5 =	simm.s32 @p1 $0x1;
	p0 =	seq.s32 s7, s2  }
0x1e: {  	s7 =	smul.u32 @!p0 $0xF7A, s2;
	p2 =	seq.s32 @!p0 s5, $0x0  }
0x1f: {  	s9 =	smul.u32 $0xF7A, s1;
	s8 =	simm.s32 @!p0 $0x1BF5;
	p2 =	por !p2, p0  }
0x20: {  	[sflag:s8] =	ssyncset.s32 @!p0 $0xFFFFF086;
	s6 =	sadd.s32 @!p0 s3, s7;
	s7 =	simm.s32 @!p0 $0x108  }
0x21: {  	s3 =	sadd.s32 s3, s9;
	s6 =	sadd.s32 @!p0 $0x88, s6;
	s7 =	simm.s32 @p2 $0x1082  }
0x22: {  	[simem:s7], [sflag:s8] =	dma.local @!p0 [hbm:s6], $0xF7A  }
0x23: {  	s9 =	sor.u32 $0xD0000000, s2;
	s6 =	simm.s32 $0x108;
	_ =	swait.ge @!p0 [sflag:s8], $0x0  }
0x24: {  	s3 =	sadd.s32 $0x88, s3;
	s6 =	simm.s32 @!p1 $0x1082;
	[sflag:s4] =	ssyncset.s32 $0xFFFFF086  }
0x25: {  	[simem:s6], [sflag:s4] =	dma.local [hbm:s3], $0xF7A  }
0x26: {  	[smem:$0x3F95] =	sst s1;
	(tag) =	ssettag s2;
	_ =	strace s9  }
0x27: {  	s1 =	sld [smem:$0x3FA5]  }
0x28: {  	s2 =	sld [smem:$0x3FA6]  }
0x29: {  	s4 =	sld [smem:$0x3FA8]  }
0x2a: {  	p0 =	seq.s32 s5, $0x0;
	s5 =	sld [smem:$0x3FA9]  }
0x2b: {  	s6 =	sld [smem:$0x3FAA]  }
0x2c: {  	s7 =	sld [smem:$0x3FAB]  }
0x2d: {  	s3 =	simm.s32 $0x108;
	s8 =	sld [smem:$0x3FAC]  }
0x2e: {  	s3 =	simm.s32 @!p0 $0x1082;
	s9 =	sld [smem:$0x3FAD]  }
0x2f: {  	lr =	sadd.s32 s0, s3;
	s0 =	sld [smem:$0x3FA4]  }
0x30: {  	s3 =	sld [smem:$0x3FA7]  }
0x31: {  	[smem:$0x3FB0] =	sst s10  }
0x32: {  	s10 =	sld [smem:$0x3FAE];
	_ =	sdelay $0x3  }
0x33: {  	p0 =	seq.s32 s10, $0x1;
	s10 =	sld [smem:$0x3FB0];
	_ =	sdelay $0x3  }
0x34: {  	[smem:$0x3FB0] =	sst s10  }
0x35: {  	s10 =	sld [smem:$0x3FAF];
	_ =	sdelay $0x3  }
0x36: {  	p1 =	seq.s32 s10, $0x1;
	s10 =	sld [smem:$0x3FB0];
	_ =	sdelay $0x3  }
0x37: {  	[smem:$0x3FB0] =	sst s10  }
0x38: {  	s10 =	sld [smem:$0x3FB1]  }
0x39: {  	_ = 	snop;
	(pc) =	sbr.ind lr, $3  }
0x3a: {  	_ = 	snop  }
0x3b: {  	_ = 	snop  }
0x3c: {  	p2 =	seq.s32 s10, $0x1;
	s10 =	sld [smem:$0x3FB0]  }
0x3d: {  	_ =	shalt  }
0x3e: {  	_ =	shalt  }
0x3f: {  	_ =	shalt  }
0x40: {  	_ =	shalt  }
0x41: {  	_ =	shalt  }
0x42: {  	_ =	shalt  }
0x43: {  	_ =	shalt  }
0x44: {  	_ =	shalt  }
0x45: {  	_ =	shalt  }
0x46: {  	_ =	shalt  }
0x47: {  	_ =	shalt  }
0x48: {  	_ =	shalt  }
0x49: {  	_ =	shalt  }
0x4a: {  	_ =	shalt  }
0x4b: {  	_ =	shalt  }
0x4c: {  	_ =	shalt  }
0x4d: {  	_ =	shalt  }
0x4e: {  	_ =	shalt  }
0x4f: {  	_ =	shalt  }
0x50: {  	_ =	shalt  }
0x51: {  	_ =	shalt  }
0x52: {  	_ =	shalt  }
0x53: {  	_ =	shalt  }
0x54: {  	_ =	shalt  }
0x55: {  	_ =	shalt  }
0x56: {  	_ =	shalt  }
0x57: {  	_ =	shalt  }
0x58: {  	_ =	shalt  }
0x59: {  	_ =	shalt  }
0x5a: {  	_ =	shalt  }
0x5b: {  	_ =	shalt  }
0x5c: {  	_ =	shalt  }
0x5d: {  	_ =	shalt  }
0x5e: {  	_ =	shalt  }
0x5f: {  	_ =	shalt  }
0x60: {  	_ =	shalt  }
0x61: {  	_ =	shalt  }
0x62: {  	_ =	shalt  }
0x63: {  	_ =	shalt  }
0x64: {  	_ =	shalt  }
0x65: {  	_ =	shalt  }
0x66: {  	_ =	shalt  }
0x67: {  	_ =	shalt  }
0x68: {  	_ =	shalt  }
0x69: {  	_ =	shalt  }
0x6a: {  	_ =	shalt  }
0x6b: {  	_ =	shalt  }
0x6c: {  	_ =	shalt  }
0x6d: {  	_ =	shalt  }
0x6e: {  	_ =	shalt  }
0x6f: {  	_ =	shalt  }
0x70: {  	_ =	shalt  }
0x71: {  	_ =	shalt  }
0x72: {  	_ =	shalt  }
0x73: {  	_ =	shalt  }
0x74: {  	_ =	shalt  }
0x75: {  	_ =	shalt  }
0x76: {  	_ =	shalt  }
0x77: {  	_ =	shalt  }
0x78: {  	_ =	shalt  }
0x79: {  	_ =	shalt  }
0x7a: {  	_ =	shalt  }
0x7b: {  	_ =	shalt  }
0x7c: {  	_ =	shalt  }
0x7d: {  	_ =	shalt  }
0x7e: {  	_ =	shalt  }
0x7f: {  	_ =	shalt  }
0x80: {  	_ =	shalt  }
0x81: {  	_ =	shalt  }
0x82: {  	_ =	shalt  }
0x83: {  	_ =	shalt  }
0x84: {  	_ =	shalt  }
0x85: {  	_ =	shalt  }
0x86: {  	_ =	shalt  }
0x87: {  	_ =	shalt  }
.Lfunc_end0:
.L_simem_size_0:
called_computation_lowered:
.L_overlay_start_0:
0x88: {  	s2 =	sld [smem:$0x3FD9]  }
0x89: {  	s3 =	sld [smem:$0x3FFE];
	_ =	sdelay $0x1  }
0x8a: {  	s1 =	srdreg.scid  }
0x8b: {  	s0 =	sand.u32 $0x1, s1  }
0x8c: {  	s14 =	sshll.u32 s0, $0xA;
	s2 =	sadd.s32 s3, s2  }
0x8d: {  	s2 =	sadd.s32 s2, s14  }
0x8e: {  	[smem:$0x3FBC] =	sst s2  }
0x8f: {  	_ = 	snop  }
0x90: {  	s2 =	sld [smem:$0x3FD0];
	_ =	sdelay $0x1  }
0x91: {  	s15 =	sld [smem:$0x3FC8]  }
0x92: {  	s5 =	simm.s32 $0xA;
	s6 =	simm.s32 $0x10;
	s4 =	sld [smem:$0x3FC6]  }
0x93: {  	[smem:s6], [sflag:s5] =	dma.local [hbm:s2], $0x1  }
0x94: {  	_ =	swait.eq [sflag:s5], $0x1  }
0x95: {  	[sflag:s5] =	ssyncset.done $0x0  }
0x96: {  	[sflag:s5] =	ssyncadd.s32 $0xFFFFFFFF  }
0x97: {  	s16 =	sld [smem:$0x11];
	(tm) =	ssettm $0x1  }
0x98: {  	s17 =	sld [smem:$0x3FFB];
	_ =	sdelay $0x3  }
0x99: {  	_ =	strace s17  }
0x9a: {  	s5 =	sld [smem:$0x3FFC];
	_ =	sdelay $0x3  }
0x9b: {  	_ =	strace s5  }
0x9c: {  	s5 =	sld [smem:$0x3FFD];
	_ =	sdelay $0x3  }
0x9d: {  	_ =	strace s5  }
0x9e: {  	_ =	strace $0x8FFFFFFF  }
0x9f: {  	s18 =	sld [smem:$0x3FDB];
	_ =	sdelay $0x1  }
0xa0: {  	s19 =	simm.s32 $_scs_section_size  }
0xa1: {  	s7 =	simm.s32 $_size__tile_overlayer_lowered;
	s8 =	simm.s32 $_tile_overlayer_lowered  }
0xa2: {  	s22 =	simm.s32 $0x1BFF;
	s21 =	sshll.u32 s8, $0x1;
	s5 =	sadd.s32 s19, s18  }
0xa3: {  	s9 =	simm.s32 $0x0;
	s20 =	sshll.u32 s7, $0x1;
	s7 =	sadd.s32 s21, s5  }
0xa4: {  	[timem:s9], [sflag:s22] =	dma.local [hbm:s7], s20  }
0xa5: {  	_ =	swait.ge [sflag:s22], s20  }
0xa6: {  	s6 =	ssub.s32 $0x0, s20;
	[sflag:s22] =	ssyncset.done $0x0  }
0xa7: {  	[sflag:s22] =	ssyncadd.s32 s6;
	_ =	sdelay $0x1  }
0xa8: {  	s23 =	simm.s32 $0x1B8B  }
0xa9: {  	_ =	swait.ge [sflag:s23], $0x1  }
0xaa: {  	[sflag:s23] =	ssyncset.done $0x0  }
0xab: {  	s25 =	simm.s32 $0x1B8E;
	s24 =	sld [smem:$0x3FFE];
	[sflag:s23] =	ssyncadd.s32 $0xFFFFFFFF  }
0xac: {  	s26 =	simm.s32 $execute0_lowered;
	[smem:$0x3FD2] =	sst s25  }
0xad: {  	s7 =	sshll.u32 s26, $0x1;
	_ =	strace $0x80000046;
	[dreg:$0x1] =	wrdreg $0xFFFFFFFF  }
0xae: {  	s28 =	simm.s32 $_size_execute0_lowered;
	s5 =	sadd.s32 s5, s7;
	[dreg:$0x0] =	wrdreg $0x0  }
0xaf: {  	s7 =	sshll.u32 s28, $0x1;
	[dreg:$0x2] =	wrdreg s5  }
0xb0: {  	[dreg:$0x3] =	wrdreg s7  }
0xb1: {  	[dreg:$0x4] =	wrdreg $0xC0  }
0xb2: {  	_ =	task [dreg:s9], $0x5FFFF  }
0xb3: {  	[dreg:$0x1] =	wrdreg $0xFFFFFFFF  }
0xb4: {  	[dreg:$0x0] =	wrdreg $0x60  }
0xb5: {  	[dreg:$0x2] =	wrdreg s24  }
0xb6: {  	[dreg:$0x3] =	wrdreg s15  }
0xb7: {  	[dreg:$0x4] =	wrdreg s4  }
0xb8: {  	[dreg:$0x5] =	wrdreg s16  }
0xb9: {  	[dreg:$0x6] =	wrdreg $0x102000  }
0xba: {  	[dreg:$0x7] =	wrdreg $0x9  }
0xbb: {  	_ =	task.clear_ibuf [dreg:s9], $0x8FFFF;
	_ =	strace $0x90000046  }
0xbc: {  	s29 =	simm.s32 $0x9;
	_ =	strace $0x80000048  }
0xbd: {  	_ =	swait.ge [sflag:s29], $0x1  }
0xbe: {  	[sflag:s29] =	ssyncadd.s32 $0xFFFFFFFF  }
0xbf: {  	_ =	strace $0x90000048  }
0xc0: {  	_ =	sfence  }
0xc1: {  	s30 =	sld [smem:$0x0];
	_ =	sdelay $0x2  }
0xc2: {  	s31 =	sshll.u32 s1, $0xD;
	s1 =	sshrl.u32 s1, $0x2  }
0xc3: {  	s3 =	sand.u32 $0x4000, s31;
	s1 =	sadd.s32 s1, s30  }
0xc4: {  	s0 =	sor.u32 s3, s0;
	s1 =	sshll.u32 s1, $0x11  }
0xc5: {  	s0 =	sor.u32 s1, s0  }
0xc6: {  	s0 =	sadd.s32 $0x8F2B, s0  }
0xc7: {  	[sflag:s0] =	ssyncadd.remote.s32 $0x1  }
0xc8: {  	_ =	sfence.sel $0xFFFF  }
0xc9: {  	[dreg:$0x0] =	wrdreg $0xFFFFFFFF;
	(pc) =	sbr.abs _section_cstart, $3  }
0xca: {  	[dreg:$0x1] =	wrdreg $0xFFFFFFFF  }
0xcb: {  	_ =	task.clear_ibuf [dreg:s9], $0x2FFFF;
	_ =	strace $0x9FFFFFFF  }
0xcc: {  	(tm) =	ssettm $0x7FFFFFFF  }
0xcd: {  	_ =	shalt  }
tec
execute0_lowered:
.L_overlay_start_1:
0x0: {  	(tag) =	ssettag $0x1  }
0x1: {  	s0 =	rddreg [dreg:$0x0]  }
0x2: {  	s3 =	rddreg [dreg:$0x1]  }
0x3: {  	s6 =	rddreg [dreg:$0x2]  }
0x4: {  	s7 =	rddreg [dreg:$0x3]  }
0x5: {  	s1 =	rddreg [dreg:$0x4];
	s2 =	simm.s32 $0x0  }
0x6: {  	s22 =	stileid.u32;
	s10 =	srdreg.scid;
	s28 =	simm.s32 $0x8200  }
0x7: {  	s29 =	simm.s32 $0x5;
	s30 =	simm.s32 $0xC200;
	s31 =	simm.s32 $0x100  }
0x8: {  	[smem:$0x7FF] =	sst s2;
	s4 =	sadd.s32 $0x22600, s0;
	s5 =	sadd.s32 $0x1A9000, s0  }
0x9: {  	s8 =	sadd.s32 $0x2E00, s0;
	s9 =	sadd.s32 $0xAC00, s0;
	s11 =	sadd.s32 $0x12A00, s0  }
0xa: {  	s10 =	sand.u32 $0x1, s10;
	s12 =	smul.u32 $0x3E80, s22;
	s13 =	sadd.s32 $0x1A800, s0  }
0xb: {  	s14 =	sshll.u32 s22, $0xE;
	s25 =	sadd.s32 $0x26CE00, s0;
	s19 =	smul.u32 $0x7D0, s22  }
0xc: {  	p1 =	sgt.u32 s22, $0x4;
	_ =	strace $0x80000047;
	s15 =	smul.u32 $0x13880, s10  }
0xd: {  	s20 =	sadd.s32 s14, s0;
	[dreg:$0x6] =	wrdreg s25;
	s26 =	ssub.s32 $0x2, s10  }
0xe: {  	p0 =	sne.s32 s10, $0x0;
	s16 =	sshrl.u32 s26, $0x1;
	s15 =	sadd.s32 s12, s15  }
0xf: {  	s12 =	sshrl.u32 s12, $0x3;
	s21 =	sadd.s32 s15, s0;
	s7 =	sadd.s32 s7, s15  }
0x10: {  	s12 =	sadd.s32 $0x7C0, s12;
	s0 =	sadd.s32 $0x26C600, s0;
	[dreg:$0xa] =	wrdreg s7  }
0x11: {  	s23 =	ssub.s32 s26, s16;
	s16 =	sadd.s32 s3, s12;
	[dreg:$0xe] =	wrdreg s0  }
0x12: {  	s10 =	simm.s32 $0x4200;
	s17 =	sadd.s32 s9, s12;
	[dreg:$0x7] =	wrdreg s16  }
0x13: {  	s14 =	sadd.s32 s19, s9;
	s18 =	sadd.s32 s8, s12;
	[dreg:$0x8] =	wrdreg s17  }
0x14: {  	s15 =	sadd.s32 s19, s3;
	s24 =	sadd.s32 s6, s12;
	[dreg:$0x9] =	wrdreg s18  }
0x15: {  	s25 =	sadd.s32 s13, s12;
	s26 =	sadd.s32 s11, s12;
	[dreg:$0xb] =	wrdreg s24  }
0x16: {  	s12 =	sshll.u32 s22, $0x11;
	s3 =	simm.s32 $0x200;
	[dreg:$0xc] =	wrdreg s25  }
0x17: {  	s7 =	simm.s32 $0x1;
	s9 =	simm.s32 $0x4;
	[dreg:$0xd] =	wrdreg s26  }
0x18: {  	s16 =	sadd.s32 s19, s8;
	s17 =	sadd.s32 s19, s13;
	s18 =	sadd.s32 s19, s6  }
0x19: {  	s19 =	sadd.s32 s19, s11;
	s11 =	smul.u32 $0x7D000, s22;
	s0 =	sadd.s32 s12, s1  }
0x1a: {  	s13 =	sadd.s32 $0x26D600, s20;
	s24 =	sadd.s32 $0x281600, s21;
	[dreg:$0xf] =	wrdreg s0  }
.Ltmp0:
0x1b: {  	s25 =	sadd.s32 $0x2A8800, s21;
	[dreg:$0x10] =	wrdreg s13;
	(pc) =	sbr.rel .LBB2_1-.Ltmp0, $4  }
0x1c: {  	s26 =	smax.u32 s23, $0x1;
	s6 =	simm.s32 $0x180;
	[dreg:$0x12] =	wrdreg s24  }
0x1d: {  	s8 =	simm.s32 $0x3;
	[dreg:$0x13] =	wrdreg s25;
	s20 =	sshrl.u32 s11, $0x2  }
0x1e: {  	[dreg:$0x14] =	wrdreg s26;
	s11 =	simm.s32 $0x2;
	s0 =	sadd.s32 s20, s1  }
0x1f: {  	s20 =	simm.s32 $0x0;
	[dreg:$0x11] =	wrdreg s0;
	s0 =	simm.s32 $0x80  }
.LBB2_25:
0x20: {  	s13 =	sadd.s32 s13, s17;
	[sflag:s9] =	ssyncadd.s32 $0xFFFFC000  }
0x21: {  	[tilespmem:s31], [sflag:$0x5] =	stream.linear.gather [hbm4b:s13+s2], $0x80, $0x38;
	[tilespmem:$0x1A200] =	vst v63  }
0x22: {  	_ =	swait.ge [sflag:s29], $0x80  }
0x23: {  	[sflag:s29] =	ssyncset.done $0x0  }
0x24: {  	[sflag:s29] =	ssyncadd.s32 $0xFFFFFF80  }
0x25: {  	[spmem:s1] =	stream.indirect.scatter.add.f32 [tilespmem:s30], [sflag:$0x3], $0x80, s31, s0, $0xb8;
	[tilespmem:$0x1A200] =	vst v63  }
0x26: {  	s13 =	sadd.s32 $0x10, s13  }
0x27: {  	[tilespmem:s6], [sflag:$0x5] =	stream.linear.gather [hbm4b:s13+s2], $0x80, $0x38;
	[tilespmem:$0x1A200] =	vst v63  }
0x28: {  	_ =	swait.ge [sflag:s29], $0x80  }
0x29: {  	[sflag:s29] =	ssyncset.done $0x0  }
0x2a: {  	[sflag:s29] =	ssyncadd.s32 $0xFFFFFF80  }
0x2b: {  	[spmem:s1] =	stream.indirect.scatter.add.f32 [tilespmem:s30], [sflag:$0x4], $0x80, s6, s0, $0xb8;
	[tilespmem:$0x1A200] =	vst v63  }
0x2c: {  	_ =	swait.ge [sflag:s8], $0x4000  }
0x2d: {  	[sflag:s8] =	ssyncset.done $0x0  }
0x2e: {  	[sflag:s8] =	ssyncadd.s32 $0xFFFFC000  }
0x2f: {  	_ =	swait.ge [sflag:s9], $0x4000  }
0x30: {  	[sflag:s9] =	ssyncset.done $0x0  }
0x31: {  	s13 =	rddreg [dreg:$0xc];
	[sflag:s9] =	ssyncadd.s32 $0xFFFFC000  }
.LBB2_26:
0x32: {  	[tilespmem:s31], [sflag:$0x5] =	stream.linear.gather [hbm4b:s13+s2], $0x80, $0x38;
	[tilespmem:$0x1A200] =	vst v63  }
0x33: {  	_ =	swait.ge [sflag:s29], $0x80  }
0x34: {  	[sflag:s29] =	ssyncset.done $0x0  }
0x35: {  	[sflag:s29] =	ssyncadd.s32 $0xFFFFFF80  }
0x36: {  	[spmem:s1] =	stream.indirect.scatter.add.f32 [tilespmem:s30], [sflag:$0x5], $0x80, s31, s0, $0xb8;
	[tilespmem:$0x1A200] =	vst v63  }
0x37: {  	_ =	swait.ge [sflag:s29], $0x4000  }
0x38: {  	[sflag:s29] =	ssyncset.done $0x0  }
0x39: {  	[sflag:s29] =	ssyncadd.s32 $0xFFFFC000  }
0x3a: {  	[bflag:$0x0] =	sbarrier.arrive $0xFFFF  }
0x3b: {  	s13 =	rddreg [dreg:$0x13]  }
0x3c: {  	[hbm:s13], [sflag:s12] =	dma.local @!p1 [spmem:s21], $0x3E80  }
0x3d: {  	s12 =	simm.s32 @!p1 $0x5  }
0x3e: {  	_ =	swait.ge @!p1 [sflag:s12], $0x3E80  }
0x3f: {  	s20 =	sadd.s32 $0x1, s20;
	s26 =	rddreg [dreg:$0x14]  }
0x40: {  	p2 =	sne.s32 s20, s26  }
.Ltmp1:
0x41: {  	_ = 	snop;
	(pc) =	sbr.rel @!p2 .LBB2_27-.Ltmp1, $3  }
0x42: {  	[sflag:s12] =	ssyncset.done @!p1 $0x0  }
0x43: {  	[sflag:s12] =	ssyncadd.s32 @!p1 $0xFFFFC180  }
0x44: {  	[bflag:$0x0] =	sbarrier.arrive $0xFFFF;
	_ =	sdelay $0x1  }
.LBB2_1:
0x45: {  	s12 =	rddreg [dreg:$0x6]  }
0x46: {  	[tilespmem:s28], [sflag:$0x5] =	stream.linear.gather [hbm4b:s12+s2], $0x4000, $0x38;
	[tilespmem:$0x1A200] =	vst v63  }
0x47: {  	_ =	swait.ge [sflag:s29], $0x4000  }
0x48: {  	[sflag:s29] =	ssyncset.done $0x0  }
0x49: {  	s12 =	stileid.u32;
	s26 =	rddreg [dreg:$0xe];
	[sflag:s29] =	ssyncadd.s32 $0xFFFFC000  }
0x4a: {  	[tilespmem:s30], [sflag:$0x5] =	stream.linear.gather [hbm4b:s26+s2], $0x4000, $0x38;
	[tilespmem:$0x1A200] =	vst v63  }
0x4b: {  	s12 =	sshll.u32 @!p1 s12, $0x6;
	_ =	swait.ge [sflag:s29], $0x4000  }
0x4c: {  	s12 =	sor.u32 @!p1 $0x1C05, s12;
	[sflag:s29] =	ssyncset.done $0x0;
	s13 =	rddreg [dreg:$0xf]  }
0x4d: {  	s21 =	rddreg [dreg:$0x10];
	[sflag:s29] =	ssyncadd.s32 $0xFFFFC000;
	s13 =	sshrl.u32 @!p1 s13, $0x3  }
0x4e: {  	[spmem:s13], [sflag:s12] =	dma.local @!p1 [hbm:s21], $0x4000  }
0x4f: {  	s21 =	simm.s32 @!p1 $0x5  }
.Ltmp2:
0x50: {  	_ =	swait.ge @!p1 [sflag:s21], $0x4000;
	(pc) =	sbr.rel @p0 .LBB2_5-.Ltmp2, $4  }
0x51: {  	[sflag:s21] =	ssyncset.done @!p1 $0x0  }
0x52: {  	[sflag:s21] =	ssyncadd.s32 @!p1 $0xFFFFC000  }
0x53: {  	[bflag:$0x0] =	sbarrier.arrive $0xFFFF  }
0x54: {  	s21 =	sadd.s32 $0x0, s15  }
0x55: {  	[tilespmem:s2], [sflag:$0x5] =	stream.linear.gather [hbm4b:s21+s2], $0x80, $0x38;
	[tilespmem:$0x1A200] =	vst v63  }
0x56: {  	_ =	swait.ge [sflag:s29], $0x80  }
0x57: {  	[sflag:s29] =	ssyncset.done $0x0  }
0x58: {  	s23 =	sadd.s32 $0x0, s16;
	[sflag:s29] =	ssyncadd.s32 $0xFFFFFF80  }
0x59: {  	[tilespmem:s31], [sflag:$0x5] =	stream.linear.gather [hbm4b:s23+s2], $0x80, $0x38;
	[tilespmem:$0x1A200] =	vst v63  }
0x5a: {  	_ =	swait.ge [sflag:s29], $0x80  }
0x5b: {  	[sflag:s29] =	ssyncset.done $0x0  }
0x5c: {  	[sflag:s29] =	ssyncadd.s32 $0xFFFFFF80  }
0x5d: {  	[tilespmem:s3], [sflag:$0x1] =	stream.indirect.gather [hbm4b:s4+s0], $0x80, s2, s0, $0xb8;
	[tilespmem:$0x1A200] =	vst v63  }
0x5e: {  	s25 =	sadd.s32 $0x10, s21  }
0x5f: {  	[tilespmem:s0], [sflag:$0x5] =	stream.linear.gather [hbm4b:s25+s2], $0x80, $0x38;
	[tilespmem:$0x1A200] =	vst v63  }
0x60: {  	_ =	swait.ge [sflag:s29], $0x80  }
0x61: {  	[sflag:s29] =	ssyncset.done $0x0  }
0x62: {  	s26 =	sadd.s32 $0x10, s23;
	[sflag:s29] =	ssyncadd.s32 $0xFFFFFF80  }
0x63: {  	[tilespmem:s6], [sflag:$0x5] =	stream.linear.gather [hbm4b:s26+s2], $0x80, $0x38;
	[tilespmem:$0x1A200] =	vst v63  }
0x64: {  	_ =	swait.ge [sflag:s29], $0x80  }
0x65: {  	[sflag:s29] =	ssyncset.done $0x0  }
0x66: {  	[sflag:s29] =	ssyncadd.s32 $0xFFFFFF80  }
0x67: {  	_ =	swait.ge [sflag:s7], $0x4000  }
0x68: {  	[sflag:s7] =	ssyncset.done $0x0  }
0x69: {  	[sflag:s7] =	ssyncadd.s32 $0xFFFFC000  }
0x6a: {  	[spmem:s1] =	stream.indirect.scatter.add.f32 [tilespmem:s3], [sflag:$0x3], $0x80, s31, s0, $0xb8;
	[tilespmem:$0x1A200] =	vst v63  }
0x6b: {  	_ = 	snop  }
0x6c: {  	[tilespmem:s10], [sflag:$0x2] =	stream.indirect.gather [hbm4b:s4+s0], $0x80, s0, s0, $0xb8;
	[tilespmem:$0x1A200] =	vst v63  }
0x6d: {  	_ =	swait.ge [sflag:s11], $0x4000  }
0x6e: {  	[sflag:s11] =	ssyncset.done $0x0  }
0x6f: {  	[sflag:s11] =	ssyncadd.s32 $0xFFFFC000  }
0x70: {  	[spmem:s1] =	stream.indirect.scatter.add.f32 [tilespmem:s10], [sflag:$0x4], $0x80, s6, s0, $0xb8;
	[tilespmem:$0x1A200] =	vst v63  }
0x71: {  	_ =	swait.ge [sflag:s8], $0x4000  }
0x72: {  	[sflag:s8] =	ssyncset.done $0x0  }
0x73: {  	[sflag:s8] =	ssyncadd.s32 $0xFFFFC000  }
0x74: {  	_ =	swait.ge [sflag:s9], $0x4000  }
0x75: {  	s21 =	simm.s32 $0x20;
	s24 =	simm.s32 $0x40;
	[sflag:s9] =	ssyncset.done $0x0  }
.LBB2_3:
0x76: {  	s25 =	sadd.s32 s21, s15  }
0x77: {  	[sflag:s9] =	ssyncadd.s32 $0xFFFFC000;
	s26 =	smov.u32 s24;
	s23 =	sadd.s32 $0x20, s24  }
0x78: {  	[tilespmem:s2], [sflag:$0x5] =	stream.linear.gather [hbm4b:s25+s2], $0x80, $0x38;
	[tilespmem:$0x1A200] =	vst v63  }
0x79: {  	p2 =	seq.s32 s24, $0x7A0;
	_ =	swait.ge [sflag:s29], $0x80  }
0x7a: {  	[sflag:s29] =	ssyncset.done $0x0  }
0x7b: {  	s24 =	sadd.s32 s21, s16;
	s21 =	smov.u32 s26;
	[sflag:s29] =	ssyncadd.s32 $0xFFFFFF80  }
0x7c: {  	[tilespmem:s31], [sflag:$0x5] =	stream.linear.gather [hbm4b:s24+s2], $0x80, $0x38;
	[tilespmem:$0x1A200] =	vst v63  }
0x7d: {  	_ =	swait.ge [sflag:s29], $0x80  }
0x7e: {  	[sflag:s29] =	ssyncset.done $0x0  }
0x7f: {  	[sflag:s29] =	ssyncadd.s32 $0xFFFFFF80  }
0x80: {  	[tilespmem:s3], [sflag:$0x1] =	stream.indirect.gather [hbm4b:s4+s0], $0x80, s2, s0, $0xb8;
	[tilespmem:$0x1A200] =	vst v63  }
0x81: {  	s25 =	sadd.s32 $0x10, s25  }
0x82: {  	[tilespmem:s0], [sflag:$0x5] =	stream.linear.gather [hbm4b:s25+s2], $0x80, $0x38;
	[tilespmem:$0x1A200] =	vst v63  }
0x83: {  	_ =	swait.ge [sflag:s29], $0x80  }
0x84: {  	[sflag:s29] =	ssyncset.done $0x0  }
0x85: {  	s24 =	sadd.s32 $0x10, s24;
	[sflag:s29] =	ssyncadd.s32 $0xFFFFFF80  }
0x86: {  	[tilespmem:s6], [sflag:$0x5] =	stream.linear.gather [hbm4b:s24+s2], $0x80, $0x38;
	[tilespmem:$0x1A200] =	vst v63  }
0x87: {  	_ =	swait.ge [sflag:s29], $0x80  }
0x88: {  	[sflag:s29] =	ssyncset.done $0x0  }
0x89: {  	[sflag:s29] =	ssyncadd.s32 $0xFFFFFF80  }
0x8a: {  	_ =	swait.ge [sflag:s7], $0x4000  }
0x8b: {  	[sflag:s7] =	ssyncset.done $0x0  }
0x8c: {  	[sflag:s7] =	ssyncadd.s32 $0xFFFFC000  }
0x8d: {  	[spmem:s1] =	stream.indirect.scatter.add.f32 [tilespmem:s3], [sflag:$0x3], $0x80, s31, s0, $0xb8;
	[tilespmem:$0x1A200] =	vst v63  }
0x8e: {  	_ = 	snop  }
0x8f: {  	[tilespmem:s10], [sflag:$0x2] =	stream.indirect.gather [hbm4b:s4+s0], $0x80, s0, s0, $0xb8;
	[tilespmem:$0x1A200] =	vst v63  }
0x90: {  	_ =	swait.ge [sflag:s11], $0x4000  }
0x91: {  	[sflag:s11] =	ssyncset.done $0x0  }
0x92: {  	[sflag:s11] =	ssyncadd.s32 $0xFFFFC000  }
0x93: {  	[spmem:s1] =	stream.indirect.scatter.add.f32 [tilespmem:s10], [sflag:$0x4], $0x80, s6, s0, $0xb8;
	[tilespmem:$0x1A200] =	vst v63  }
.Ltmp3:
0x94: {  	_ =	swait.ge [sflag:s8], $0x4000;
	(pc) =	sbr.rel @!p2 .LBB2_3-.Ltmp3, $4  }
0x95: {  	[sflag:s8] =	ssyncset.done $0x0  }
0x96: {  	[sflag:s8] =	ssyncadd.s32 $0xFFFFC000  }
0x97: {  	_ =	swait.ge [sflag:s9], $0x4000  }
0x98: {  	s24 =	smov.u32 s23;
	[sflag:s9] =	ssyncset.done $0x0  }
0x99: {  	s23 =	sadd.s32 s21, s15;
	[sflag:s9] =	ssyncadd.s32 $0xFFFFC000  }
0x9a: {  	[tilespmem:s2], [sflag:$0x5] =	stream.linear.gather [hbm4b:s23+s2], $0x80, $0x38;
	[tilespmem:$0x1A200] =	vst v63  }
0x9b: {  	_ =	swait.ge [sflag:s29], $0x80  }
0x9c: {  	[sflag:s29] =	ssyncset.done $0x0  }
0x9d: {  	s26 =	sadd.s32 s21, s16;
	[sflag:s29] =	ssyncadd.s32 $0xFFFFFF80  }
0x9e: {  	[tilespmem:s31], [sflag:$0x5] =	stream.linear.gather [hbm4b:s26+s2], $0x80, $0x38;
	[tilespmem:$0x1A200] =	vst v63  }
0x9f: {  	_ =	swait.ge [sflag:s29], $0x80  }
0xa0: {  	[sflag:s29] =	ssyncset.done $0x0  }
0xa1: {  	[sflag:s29] =	ssyncadd.s32 $0xFFFFFF80  }
0xa2: {  	[tilespmem:s3], [sflag:$0x1] =	stream.indirect.gather [hbm4b:s4+s0], $0x80, s2, s0, $0xb8;
	[tilespmem:$0x1A200] =	vst v63  }
0xa3: {  	s23 =	sadd.s32 $0x10, s23  }
0xa4: {  	[tilespmem:s0], [sflag:$0x5] =	stream.linear.gather [hbm4b:s23+s2], $0x80, $0x38;
	[tilespmem:$0x1A200] =	vst v63  }
0xa5: {  	_ =	swait.ge [sflag:s29], $0x80  }
0xa6: {  	[sflag:s29] =	ssyncset.done $0x0  }
0xa7: {  	s21 =	sadd.s32 $0x10, s26;
	[sflag:s29] =	ssyncadd.s32 $0xFFFFFF80  }
0xa8: {  	[tilespmem:s6], [sflag:$0x5] =	stream.linear.gather [hbm4b:s21+s2], $0x80, $0x38;
	[tilespmem:$0x1A200] =	vst v63  }
0xa9: {  	_ =	swait.ge [sflag:s29], $0x80  }
0xaa: {  	[sflag:s29] =	ssyncset.done $0x0  }
0xab: {  	[sflag:s29] =	ssyncadd.s32 $0xFFFFFF80  }
0xac: {  	_ =	swait.ge [sflag:s7], $0x4000  }
0xad: {  	[sflag:s7] =	ssyncset.done $0x0  }
0xae: {  	[sflag:s7] =	ssyncadd.s32 $0xFFFFC000  }
0xaf: {  	[spmem:s1] =	stream.indirect.scatter.add.f32 [tilespmem:s3], [sflag:$0x3], $0x80, s31, s0, $0xb8;
	[tilespmem:$0x1A200] =	vst v63  }
0xb0: {  	_ = 	snop  }
0xb1: {  	[tilespmem:s10], [sflag:$0x2] =	stream.indirect.gather [hbm4b:s4+s0], $0x80, s0, s0, $0xb8;
	[tilespmem:$0x1A200] =	vst v63  }
0xb2: {  	_ =	swait.ge [sflag:s11], $0x4000  }
0xb3: {  	[sflag:s11] =	ssyncset.done $0x0  }
0xb4: {  	[sflag:s11] =	ssyncadd.s32 $0xFFFFC000  }
0xb5: {  	[spmem:s1] =	stream.indirect.scatter.add.f32 [tilespmem:s10], [sflag:$0x4], $0x80, s6, s0, $0xb8;
	[tilespmem:$0x1A200] =	vst v63  }
0xb6: {  	_ =	swait.ge [sflag:s8], $0x4000  }
.Ltmp4:
0xb7: {  	[sflag:s8] =	ssyncset.done $0x0;
	(pc) =	sbr.rel .LBB2_8-.Ltmp4, $4  }
0xb8: {  	[sflag:s8] =	ssyncadd.s32 $0xFFFFC000  }
0xb9: {  	_ =	swait.ge [sflag:s9], $0x4000  }
0xba: {  	[sflag:s9] =	ssyncset.done $0x0  }
0xbb: {  	s21 =	rddreg [dreg:$0x9];
	[sflag:s9] =	ssyncadd.s32 $0xFFFFC000  }
.LBB2_5:
0xbc: {  	[tilespmem:s2], [sflag:$0x5] =	stream.linear.gather [hbm4b:s21+s2], $0x80, $0x38;
	[tilespmem:$0x1A200] =	vst v63  }
0xbd: {  	_ =	swait.ge [sflag:s29], $0x80  }
0xbe: {  	[sflag:s29] =	ssyncset.done $0x0  }
0xbf: {  	s23 =	sadd.s32 $0x0, s14;
	[sflag:s29] =	ssyncadd.s32 $0xFFFFFF80  }
0xc0: {  	[tilespmem:s31], [sflag:$0x5] =	stream.linear.gather [hbm4b:s23+s2], $0x80, $0x38;
	[tilespmem:$0x1A200] =	vst v63  }
0xc1: {  	_ =	swait.ge [sflag:s29], $0x80  }
0xc2: {  	[sflag:s29] =	ssyncset.done $0x0  }
0xc3: {  	[sflag:s29] =	ssyncadd.s32 $0xFFFFFF80  }
0xc4: {  	[tilespmem:s3], [sflag:$0x1] =	stream.indirect.gather [hbm4b:s4+s0], $0x80, s2, s0, $0xb8;
	[tilespmem:$0x1A200] =	vst v63  }
0xc5: {  	s25 =	sadd.s32 $0x10, s21  }
0xc6: {  	[tilespmem:s0], [sflag:$0x5] =	stream.linear.gather [hbm4b:s25+s2], $0x80, $0x38;
	[tilespmem:$0x1A200] =	vst v63  }
0xc7: {  	_ =	swait.ge [sflag:s29], $0x80  }
0xc8: {  	[sflag:s29] =	ssyncset.done $0x0  }
0xc9: {  	s26 =	sadd.s32 $0x10, s23;
	[sflag:s29] =	ssyncadd.s32 $0xFFFFFF80  }
0xca: {  	[tilespmem:s6], [sflag:$0x5] =	stream.linear.gather [hbm4b:s26+s2], $0x80, $0x38;
	[tilespmem:$0x1A200] =	vst v63  }
0xcb: {  	_ =	swait.ge [sflag:s29], $0x80  }
0xcc: {  	[sflag:s29] =	ssyncset.done $0x0  }
0xcd: {  	[sflag:s29] =	ssyncadd.s32 $0xFFFFFF80  }
0xce: {  	_ =	swait.ge [sflag:s7], $0x4000  }
0xcf: {  	[sflag:s7] =	ssyncset.done $0x0  }
0xd0: {  	[sflag:s7] =	ssyncadd.s32 $0xFFFFC000  }
0xd1: {  	[spmem:s1] =	stream.indirect.scatter.add.f32 [tilespmem:s3], [sflag:$0x3], $0x80, s31, s0, $0xb8;
	[tilespmem:$0x1A200] =	vst v63  }
0xd2: {  	_ = 	snop  }
0xd3: {  	[tilespmem:s10], [sflag:$0x2] =	stream.indirect.gather [hbm4b:s4+s0], $0x80, s0, s0, $0xb8;
	[tilespmem:$0x1A200] =	vst v63  }
0xd4: {  	_ =	swait.ge [sflag:s11], $0x4000  }
0xd5: {  	[sflag:s11] =	ssyncset.done $0x0  }
0xd6: {  	[sflag:s11] =	ssyncadd.s32 $0xFFFFC000  }
0xd7: {  	[spmem:s1] =	stream.indirect.scatter.add.f32 [tilespmem:s10], [sflag:$0x4], $0x80, s6, s0, $0xb8;
	[tilespmem:$0x1A200] =	vst v63  }
0xd8: {  	_ =	swait.ge [sflag:s8], $0x4000  }
0xd9: {  	[sflag:s8] =	ssyncset.done $0x0  }
0xda: {  	[sflag:s8] =	ssyncadd.s32 $0xFFFFC000  }
0xdb: {  	_ =	swait.ge [sflag:s9], $0x4000  }
0xdc: {  	s21 =	simm.s32 $0x20;
	s24 =	simm.s32 $0x40;
	[sflag:s9] =	ssyncset.done $0x0  }
.LBB2_6:
0xdd: {  	s25 =	sadd.s32 s21, s15  }
0xde: {  	[sflag:s9] =	ssyncadd.s32 $0xFFFFC000;
	s26 =	smov.u32 s24;
	s23 =	sadd.s32 $0x20, s24  }
0xdf: {  	[tilespmem:s2], [sflag:$0x5] =	stream.linear.gather [hbm4b:s25+s2], $0x80, $0x38;
	[tilespmem:$0x1A200] =	vst v63  }
0xe0: {  	p2 =	sne.s32 s24, $0x7A0;
	_ =	swait.ge [sflag:s29], $0x80  }
0xe1: {  	[sflag:s29] =	ssyncset.done $0x0  }
0xe2: {  	s24 =	sadd.s32 s21, s14;
	s21 =	smov.u32 s26;
	[sflag:s29] =	ssyncadd.s32 $0xFFFFFF80  }
0xe3: {  	[tilespmem:s31], [sflag:$0x5] =	stream.linear.gather [hbm4b:s24+s2], $0x80, $0x38;
	[tilespmem:$0x1A200] =	vst v63  }
0xe4: {  	_ =	swait.ge [sflag:s29], $0x80  }
0xe5: {  	[sflag:s29] =	ssyncset.done $0x0  }
0xe6: {  	[sflag:s29] =	ssyncadd.s32 $0xFFFFFF80  }
0xe7: {  	[tilespmem:s3], [sflag:$0x1] =	stream.indirect.gather [hbm4b:s4+s0], $0x80, s2, s0, $0xb8;
	[tilespmem:$0x1A200] =	vst v63  }
0xe8: {  	s25 =	sadd.s32 $0x10, s25  }
0xe9: {  	[tilespmem:s0], [sflag:$0x5] =	stream.linear.gather [hbm4b:s25+s2], $0x80, $0x38;
	[tilespmem:$0x1A200] =	vst v63  }
0xea: {  	_ =	swait.ge [sflag:s29], $0x80  }
0xeb: {  	[sflag:s29] =	ssyncset.done $0x0  }
0xec: {  	s24 =	sadd.s32 $0x10, s24;
	[sflag:s29] =	ssyncadd.s32 $0xFFFFFF80  }
0xed: {  	[tilespmem:s6], [sflag:$0x5] =	stream.linear.gather [hbm4b:s24+s2], $0x80, $0x38;
	[tilespmem:$0x1A200] =	vst v63  }
0xee: {  	_ =	swait.ge [sflag:s29], $0x80  }
0xef: {  	[sflag:s29] =	ssyncset.done $0x0  }
0xf0: {  	[sflag:s29] =	ssyncadd.s32 $0xFFFFFF80  }
0xf1: {  	_ =	swait.ge [sflag:s7], $0x4000  }
0xf2: {  	[sflag:s7] =	ssyncset.done $0x0  }
0xf3: {  	[sflag:s7] =	ssyncadd.s32 $0xFFFFC000  }
0xf4: {  	[spmem:s1] =	stream.indirect.scatter.add.f32 [tilespmem:s3], [sflag:$0x3], $0x80, s31, s0, $0xb8;
	[tilespmem:$0x1A200] =	vst v63  }
0xf5: {  	_ = 	snop  }
0xf6: {  	[tilespmem:s10], [sflag:$0x2] =	stream.indirect.gather [hbm4b:s4+s0], $0x80, s0, s0, $0xb8;
	[tilespmem:$0x1A200] =	vst v63  }
0xf7: {  	_ =	swait.ge [sflag:s11], $0x4000  }
0xf8: {  	[sflag:s11] =	ssyncset.done $0x0  }
0xf9: {  	[sflag:s11] =	ssyncadd.s32 $0xFFFFC000  }
0xfa: {  	[spmem:s1] =	stream.indirect.scatter.add.f32 [tilespmem:s10], [sflag:$0x4], $0x80, s6, s0, $0xb8;
	[tilespmem:$0x1A200] =	vst v63  }
.Ltmp5:
0xfb: {  	_ =	swait.ge [sflag:s8], $0x4000;
	(pc) =	sbr.rel @p2 .LBB2_6-.Ltmp5, $4  }
0xfc: {  	[sflag:s8] =	ssyncset.done $0x0  }
0xfd: {  	[sflag:s8] =	ssyncadd.s32 $0xFFFFC000  }
0xfe: {  	_ =	swait.ge [sflag:s9], $0x4000  }
0xff: {  	s24 =	smov.u32 s23;
	[sflag:s9] =	ssyncset.done $0x0  }
0x100: {  	s23 =	sadd.s32 s21, s15;
	[sflag:s9] =	ssyncadd.s32 $0xFFFFC000  }
0x101: {  	[tilespmem:s2], [sflag:$0x5] =	stream.linear.gather [hbm4b:s23+s2], $0x80, $0x38;
	[tilespmem:$0x1A200] =	vst v63  }
0x102: {  	_ =	swait.ge [sflag:s29], $0x80  }
0x103: {  	[sflag:s29] =	ssyncset.done $0x0  }
0x104: {  	s26 =	sadd.s32 s21, s14;
	[sflag:s29] =	ssyncadd.s32 $0xFFFFFF80  }
0x105: {  	[tilespmem:s31], [sflag:$0x5] =	stream.linear.gather [hbm4b:s26+s2], $0x80, $0x38;
	[tilespmem:$0x1A200] =	vst v63  }
0x106: {  	_ =	swait.ge [sflag:s29], $0x80  }
0x107: {  	[sflag:s29] =	ssyncset.done $0x0  }
0x108: {  	[sflag:s29] =	ssyncadd.s32 $0xFFFFFF80  }
0x109: {  	[tilespmem:s3], [sflag:$0x1] =	stream.indirect.gather [hbm4b:s4+s0], $0x80, s2, s0, $0xb8;
	[tilespmem:$0x1A200] =	vst v63  }
0x10a: {  	s23 =	sadd.s32 $0x10, s23  }
0x10b: {  	[tilespmem:s0], [sflag:$0x5] =	stream.linear.gather [hbm4b:s23+s2], $0x80, $0x38;
	[tilespmem:$0x1A200] =	vst v63  }
0x10c: {  	_ =	swait.ge [sflag:s29], $0x80  }
0x10d: {  	[sflag:s29] =	ssyncset.done $0x0  }
0x10e: {  	s21 =	sadd.s32 $0x10, s26;
	[sflag:s29] =	ssyncadd.s32 $0xFFFFFF80  }
0x10f: {  	[tilespmem:s6], [sflag:$0x5] =	stream.linear.gather [hbm4b:s21+s2], $0x80, $0x38;
	[tilespmem:$0x1A200] =	vst v63  }
0x110: {  	_ =	swait.ge [sflag:s29], $0x80  }
0x111: {  	[sflag:s29] =	ssyncset.done $0x0  }
0x112: {  	[sflag:s29] =	ssyncadd.s32 $0xFFFFFF80  }
0x113: {  	_ =	swait.ge [sflag:s7], $0x4000  }
0x114: {  	[sflag:s7] =	ssyncset.done $0x0  }
0x115: {  	[sflag:s7] =	ssyncadd.s32 $0xFFFFC000  }
0x116: {  	[spmem:s1] =	stream.indirect.scatter.add.f32 [tilespmem:s3], [sflag:$0x3], $0x80, s31, s0, $0xb8;
	[tilespmem:$0x1A200] =	vst v63  }
0x117: {  	_ = 	snop  }
0x118: {  	[tilespmem:s10], [sflag:$0x2] =	stream.indirect.gather [hbm4b:s4+s0], $0x80, s0, s0, $0xb8;
	[tilespmem:$0x1A200] =	vst v63  }
0x119: {  	_ =	swait.ge [sflag:s11], $0x4000  }
0x11a: {  	[sflag:s11] =	ssyncset.done $0x0  }
0x11b: {  	[sflag:s11] =	ssyncadd.s32 $0xFFFFC000  }
0x11c: {  	[spmem:s1] =	stream.indirect.scatter.add.f32 [tilespmem:s10], [sflag:$0x4], $0x80, s6, s0, $0xb8;
	[tilespmem:$0x1A200] =	vst v63  }
0x11d: {  	_ =	swait.ge [sflag:s8], $0x4000  }
0x11e: {  	[sflag:s8] =	ssyncset.done $0x0  }
0x11f: {  	[sflag:s8] =	ssyncadd.s32 $0xFFFFC000  }
0x120: {  	_ =	swait.ge [sflag:s9], $0x4000  }
0x121: {  	[sflag:s9] =	ssyncset.done $0x0  }
0x122: {  	s21 =	rddreg [dreg:$0x8];
	[sflag:s9] =	ssyncadd.s32 $0xFFFFC000  }
.LBB2_8:
0x123: {  	s22 =	rddreg [dreg:$0x7]  }
0x124: {  	[tilespmem:s2], [sflag:$0x5] =	stream.linear.gather [hbm4b:s22+s2], $0x80, $0x38;
	[tilespmem:$0x1A200] =	vst v63  }
0x125: {  	_ =	swait.ge [sflag:s29], $0x80  }
0x126: {  	[sflag:s29] =	ssyncset.done $0x0  }
0x127: {  	[sflag:s29] =	ssyncadd.s32 $0xFFFFFF80  }
0x128: {  	[tilespmem:s31], [sflag:$0x5] =	stream.linear.gather [hbm4b:s21+s2], $0x80, $0x38;
	[tilespmem:$0x1A200] =	vst v63  }
0x129: {  	_ =	swait.ge [sflag:s29], $0x80  }
0x12a: {  	[sflag:s29] =	ssyncset.done $0x0  }
0x12b: {  	[sflag:s29] =	ssyncadd.s32 $0xFFFFFF80  }
0x12c: {  	[tilespmem:s3], [sflag:$0x1] =	stream.indirect.gather [hbm4b:s4+s0], $0x80, s2, s0, $0xb8;
	[tilespmem:$0x1A200] =	vst v63  }
0x12d: {  	_ =	swait.ge [sflag:s7], $0x4000  }
0x12e: {  	[sflag:s7] =	ssyncset.done $0x0  }
0x12f: {  	[sflag:s7] =	ssyncadd.s32 $0xFFFFC000  }
0x130: {  	[spmem:s1] =	stream.indirect.scatter.add.f32 [tilespmem:s3], [sflag:$0x5], $0x80, s31, s0, $0xb8;
	[tilespmem:$0x1A200] =	vst v63  }
0x131: {  	_ =	swait.ge [sflag:s29], $0x4000  }
0x132: {  	[sflag:s29] =	ssyncset.done $0x0  }
0x133: {  	[sflag:s29] =	ssyncadd.s32 $0xFFFFC000  }
0x134: {  	[bflag:$0x0] =	sbarrier.arrive $0xFFFF  }
0x135: {  	[bflag:$0x0] =	sbarrier.arrive @p1 $0xFFFF  }
0x136: {  	s21 =	rddreg [dreg:$0x11]  }
0x137: {  	s23 =	simm.s32 @!p1 $0x5;
	s22 =	rddreg [dreg:$0xa];
	s21 =	sshrl.u32 @!p1 s21, $0x3  }
0x138: {  	[hbm:s22], [sflag:s12] =	dma.local @!p1 [spmem:s21], $0x3E80  }
0x139: {  	_ =	swait.ge @!p1 [sflag:s23], $0x3E80  }
0x13a: {  	[sflag:s23] =	ssyncset.done @!p1 $0x0  }
0x13b: {  	[sflag:s23] =	ssyncadd.s32 @!p1 $0xFFFFC180  }
0x13c: {  	[bflag:$0x0] =	sbarrier.arrive @!p1 $0xFFFF  }
0x13d: {  	s22 =	rddreg [dreg:$0x10]  }
0x13e: {  	[spmem:s13], [sflag:s12] =	dma.local @!p1 [hbm:s22], $0x4000  }
.Ltmp6:
0x13f: {  	_ =	swait.ge @!p1 [sflag:s23], $0x4000;
	(pc) =	sbr.rel @p0 .LBB2_12-.Ltmp6, $3  }
0x140: {  	[sflag:s23] =	ssyncset.done @!p1 $0x0  }
0x141: {  	[sflag:s23] =	ssyncadd.s32 @!p1 $0xFFFFC000  }
0x142: {  	[bflag:$0x0] =	sbarrier.arrive $0xFFFF;
	_ =	sdelay $0x1  }
0x143: {  	s23 =	sadd.s32 $0x0, s18  }
0x144: {  	[tilespmem:s2], [sflag:$0x5] =	stream.linear.gather [hbm4b:s23+s2], $0x80, $0x38;
	[tilespmem:$0x1A200] =	vst v63  }
0x145: {  	_ =	swait.ge [sflag:s29], $0x80  }
0x146: {  	[sflag:s29] =	ssyncset.done $0x0  }
0x147: {  	s24 =	sadd.s32 $0x0, s19;
	[sflag:s29] =	ssyncadd.s32 $0xFFFFFF80  }
0x148: {  	[tilespmem:s31], [sflag:$0x5] =	stream.linear.gather [hbm4b:s24+s2], $0x80, $0x38;
	[tilespmem:$0x1A200] =	vst v63  }
0x149: {  	_ =	swait.ge [sflag:s29], $0x80  }
0x14a: {  	[sflag:s29] =	ssyncset.done $0x0  }
0x14b: {  	[sflag:s29] =	ssyncadd.s32 $0xFFFFFF80  }
0x14c: {  	[tilespmem:s3], [sflag:$0x1] =	stream.indirect.gather [hbm4b:s5+s0], $0x80, s2, s0, $0xb8;
	[tilespmem:$0x1A200] =	vst v63  }
0x14d: {  	s23 =	sadd.s32 $0x10, s23  }
0x14e: {  	[tilespmem:s0], [sflag:$0x5] =	stream.linear.gather [hbm4b:s23+s2], $0x80, $0x38;
	[tilespmem:$0x1A200] =	vst v63  }
0x14f: {  	_ =	swait.ge [sflag:s29], $0x80  }
0x150: {  	[sflag:s29] =	ssyncset.done $0x0  }
0x151: {  	s26 =	sadd.s32 $0x10, s24;
	[sflag:s29] =	ssyncadd.s32 $0xFFFFFF80  }
0x152: {  	[tilespmem:s6], [sflag:$0x5] =	stream.linear.gather [hbm4b:s26+s2], $0x80, $0x38;
	[tilespmem:$0x1A200] =	vst v63  }
0x153: {  	_ =	swait.ge [sflag:s29], $0x80  }
0x154: {  	[sflag:s29] =	ssyncset.done $0x0  }
0x155: {  	[sflag:s29] =	ssyncadd.s32 $0xFFFFFF80  }
0x156: {  	_ =	swait.ge [sflag:s7], $0x4000  }
0x157: {  	[sflag:s7] =	ssyncset.done $0x0  }
0x158: {  	[sflag:s7] =	ssyncadd.s32 $0xFFFFC000  }
0x159: {  	[spmem:s1] =	stream.indirect.scatter.add.f32 [tilespmem:s3], [sflag:$0x3], $0x80, s31, s0, $0xb8;
	[tilespmem:$0x1A200] =	vst v63  }
0x15a: {  	_ = 	snop  }
0x15b: {  	[tilespmem:s10], [sflag:$0x2] =	stream.indirect.gather [hbm4b:s5+s0], $0x80, s0, s0, $0xb8;
	[tilespmem:$0x1A200] =	vst v63  }
0x15c: {  	_ =	swait.ge [sflag:s11], $0x4000  }
0x15d: {  	[sflag:s11] =	ssyncset.done $0x0  }
0x15e: {  	[sflag:s11] =	ssyncadd.s32 $0xFFFFC000  }
0x15f: {  	[spmem:s1] =	stream.indirect.scatter.add.f32 [tilespmem:s10], [sflag:$0x4], $0x80, s6, s0, $0xb8;
	[tilespmem:$0x1A200] =	vst v63  }
0x160: {  	_ =	swait.ge [sflag:s8], $0x4000  }
0x161: {  	[sflag:s8] =	ssyncset.done $0x0  }
0x162: {  	[sflag:s8] =	ssyncadd.s32 $0xFFFFC000  }
0x163: {  	_ =	swait.ge [sflag:s9], $0x4000  }
0x164: {  	s24 =	simm.s32 $0x40;
	s23 =	simm.s32 $0x20;
	[sflag:s9] =	ssyncset.done $0x0  }
.LBB2_10:
0x165: {  	s26 =	sadd.s32 s23, s18  }
0x166: {  	[sflag:s9] =	ssyncadd.s32 $0xFFFFC000;
	s22 =	smov.u32 s24;
	s25 =	sadd.s32 $0x20, s24  }
0x167: {  	[tilespmem:s2], [sflag:$0x5] =	stream.linear.gather [hbm4b:s26+s2], $0x80, $0x38;
	[tilespmem:$0x1A200] =	vst v63  }
0x168: {  	p2 =	seq.s32 s24, $0x7A0;
	_ =	swait.ge [sflag:s29], $0x80  }
0x169: {  	[sflag:s29] =	ssyncset.done $0x0  }
0x16a: {  	s24 =	sadd.s32 s23, s19;
	s23 =	smov.u32 s22;
	[sflag:s29] =	ssyncadd.s32 $0xFFFFFF80  }
0x16b: {  	[tilespmem:s31], [sflag:$0x5] =	stream.linear.gather [hbm4b:s24+s2], $0x80, $0x38;
	[tilespmem:$0x1A200] =	vst v63  }
0x16c: {  	_ =	swait.ge [sflag:s29], $0x80  }
0x16d: {  	[sflag:s29] =	ssyncset.done $0x0  }
0x16e: {  	[sflag:s29] =	ssyncadd.s32 $0xFFFFFF80  }
0x16f: {  	[tilespmem:s3], [sflag:$0x1] =	stream.indirect.gather [hbm4b:s5+s0], $0x80, s2, s0, $0xb8;
	[tilespmem:$0x1A200] =	vst v63  }
0x170: {  	s22 =	sadd.s32 $0x10, s26  }
0x171: {  	[tilespmem:s0], [sflag:$0x5] =	stream.linear.gather [hbm4b:s22+s2], $0x80, $0x38;
	[tilespmem:$0x1A200] =	vst v63  }
0x172: {  	_ =	swait.ge [sflag:s29], $0x80  }
0x173: {  	[sflag:s29] =	ssyncset.done $0x0  }
0x174: {  	s22 =	sadd.s32 $0x10, s24;
	[sflag:s29] =	ssyncadd.s32 $0xFFFFFF80  }
0x175: {  	[tilespmem:s6], [sflag:$0x5] =	stream.linear.gather [hbm4b:s22+s2], $0x80, $0x38;
	[tilespmem:$0x1A200] =	vst v63  }
0x176: {  	_ =	swait.ge [sflag:s29], $0x80  }
0x177: {  	[sflag:s29] =	ssyncset.done $0x0  }
0x178: {  	[sflag:s29] =	ssyncadd.s32 $0xFFFFFF80  }
0x179: {  	_ =	swait.ge [sflag:s7], $0x4000  }
0x17a: {  	[sflag:s7] =	ssyncset.done $0x0  }
0x17b: {  	[sflag:s7] =	ssyncadd.s32 $0xFFFFC000  }
0x17c: {  	[spmem:s1] =	stream.indirect.scatter.add.f32 [tilespmem:s3], [sflag:$0x3], $0x80, s31, s0, $0xb8;
	[tilespmem:$0x1A200] =	vst v63  }
0x17d: {  	_ = 	snop  }
0x17e: {  	[tilespmem:s10], [sflag:$0x2] =	stream.indirect.gather [hbm4b:s5+s0], $0x80, s0, s0, $0xb8;
	[tilespmem:$0x1A200] =	vst v63  }
0x17f: {  	_ =	swait.ge [sflag:s11], $0x4000  }
0x180: {  	[sflag:s11] =	ssyncset.done $0x0  }
0x181: {  	[sflag:s11] =	ssyncadd.s32 $0xFFFFC000  }
0x182: {  	[spmem:s1] =	stream.indirect.scatter.add.f32 [tilespmem:s10], [sflag:$0x4], $0x80, s6, s0, $0xb8;
	[tilespmem:$0x1A200] =	vst v63  }
.Ltmp7:
0x183: {  	_ =	swait.ge [sflag:s8], $0x4000;
	(pc) =	sbr.rel @!p2 .LBB2_10-.Ltmp7, $4  }
0x184: {  	[sflag:s8] =	ssyncset.done $0x0  }
0x185: {  	[sflag:s8] =	ssyncadd.s32 $0xFFFFC000  }
0x186: {  	_ =	swait.ge [sflag:s9], $0x4000  }
0x187: {  	s24 =	smov.u32 s25;
	[sflag:s9] =	ssyncset.done $0x0  }
0x188: {  	s22 =	sadd.s32 s23, s18;
	[sflag:s9] =	ssyncadd.s32 $0xFFFFC000  }
0x189: {  	[tilespmem:s2], [sflag:$0x5] =	stream.linear.gather [hbm4b:s22+s2], $0x80, $0x38;
	[tilespmem:$0x1A200] =	vst v63  }
0x18a: {  	_ =	swait.ge [sflag:s29], $0x80  }
0x18b: {  	[sflag:s29] =	ssyncset.done $0x0  }
0x18c: {  	s25 =	sadd.s32 s23, s19;
	[sflag:s29] =	ssyncadd.s32 $0xFFFFFF80  }
0x18d: {  	[tilespmem:s31], [sflag:$0x5] =	stream.linear.gather [hbm4b:s25+s2], $0x80, $0x38;
	[tilespmem:$0x1A200] =	vst v63  }
0x18e: {  	_ =	swait.ge [sflag:s29], $0x80  }
0x18f: {  	[sflag:s29] =	ssyncset.done $0x0  }
0x190: {  	[sflag:s29] =	ssyncadd.s32 $0xFFFFFF80  }
0x191: {  	[tilespmem:s3], [sflag:$0x1] =	stream.indirect.gather [hbm4b:s5+s0], $0x80, s2, s0, $0xb8;
	[tilespmem:$0x1A200] =	vst v63  }
0x192: {  	s22 =	sadd.s32 $0x10, s22  }
0x193: {  	[tilespmem:s0], [sflag:$0x5] =	stream.linear.gather [hbm4b:s22+s2], $0x80, $0x38;
	[tilespmem:$0x1A200] =	vst v63  }
0x194: {  	_ =	swait.ge [sflag:s29], $0x80  }
0x195: {  	[sflag:s29] =	ssyncset.done $0x0  }
0x196: {  	s26 =	sadd.s32 $0x10, s25;
	[sflag:s29] =	ssyncadd.s32 $0xFFFFFF80  }
0x197: {  	[tilespmem:s6], [sflag:$0x5] =	stream.linear.gather [hbm4b:s26+s2], $0x80, $0x38;
	[tilespmem:$0x1A200] =	vst v63  }
0x198: {  	_ =	swait.ge [sflag:s29], $0x80  }
0x199: {  	[sflag:s29] =	ssyncset.done $0x0  }
0x19a: {  	[sflag:s29] =	ssyncadd.s32 $0xFFFFFF80  }
0x19b: {  	_ =	swait.ge [sflag:s7], $0x4000  }
0x19c: {  	[sflag:s7] =	ssyncset.done $0x0  }
0x19d: {  	[sflag:s7] =	ssyncadd.s32 $0xFFFFC000  }
0x19e: {  	[spmem:s1] =	stream.indirect.scatter.add.f32 [tilespmem:s3], [sflag:$0x3], $0x80, s31, s0, $0xb8;
	[tilespmem:$0x1A200] =	vst v63  }
0x19f: {  	_ = 	snop  }
0x1a0: {  	[tilespmem:s10], [sflag:$0x2] =	stream.indirect.gather [hbm4b:s5+s0], $0x80, s0, s0, $0xb8;
	[tilespmem:$0x1A200] =	vst v63  }
0x1a1: {  	_ =	swait.ge [sflag:s11], $0x4000  }
0x1a2: {  	[sflag:s11] =	ssyncset.done $0x0  }
0x1a3: {  	[sflag:s11] =	ssyncadd.s32 $0xFFFFC000  }
0x1a4: {  	[spmem:s1] =	stream.indirect.scatter.add.f32 [tilespmem:s10], [sflag:$0x4], $0x80, s6, s0, $0xb8;
	[tilespmem:$0x1A200] =	vst v63  }
0x1a5: {  	_ =	swait.ge [sflag:s8], $0x4000  }
.Ltmp8:
0x1a6: {  	[sflag:s8] =	ssyncset.done $0x0;
	(pc) =	sbr.rel .LBB2_15-.Ltmp8, $4  }
0x1a7: {  	[sflag:s8] =	ssyncadd.s32 $0xFFFFC000  }
0x1a8: {  	_ =	swait.ge [sflag:s9], $0x4000  }
0x1a9: {  	[sflag:s9] =	ssyncset.done $0x0  }
0x1aa: {  	s23 =	rddreg [dreg:$0xd];
	[sflag:s9] =	ssyncadd.s32 $0xFFFFC000  }
.LBB2_12:
0x1ab: {  	s22 =	sadd.s32 $0x0, s18  }
0x1ac: {  	[tilespmem:s2], [sflag:$0x5] =	stream.linear.gather [hbm4b:s22+s2], $0x80, $0x38;
	[tilespmem:$0x1A200] =	vst v63  }
0x1ad: {  	_ =	swait.ge [sflag:s29], $0x80  }
0x1ae: {  	[sflag:s29] =	ssyncset.done $0x0  }
0x1af: {  	s23 =	sadd.s32 $0x0, s17;
	[sflag:s29] =	ssyncadd.s32 $0xFFFFFF80  }
0x1b0: {  	[tilespmem:s31], [sflag:$0x5] =	stream.linear.gather [hbm4b:s23+s2], $0x80, $0x38;
	[tilespmem:$0x1A200] =	vst v63  }
0x1b1: {  	_ =	swait.ge [sflag:s29], $0x80  }
0x1b2: {  	[sflag:s29] =	ssyncset.done $0x0  }
0x1b3: {  	[sflag:s29] =	ssyncadd.s32 $0xFFFFFF80  }
0x1b4: {  	[tilespmem:s3], [sflag:$0x1] =	stream.indirect.gather [hbm4b:s5+s0], $0x80, s2, s0, $0xb8;
	[tilespmem:$0x1A200] =	vst v63  }
0x1b5: {  	s22 =	sadd.s32 $0x10, s22  }
0x1b6: {  	[tilespmem:s0], [sflag:$0x5] =	stream.linear.gather [hbm4b:s22+s2], $0x80, $0x38;
	[tilespmem:$0x1A200] =	vst v63  }
0x1b7: {  	_ =	swait.ge [sflag:s29], $0x80  }
0x1b8: {  	[sflag:s29] =	ssyncset.done $0x0  }
0x1b9: {  	s26 =	sadd.s32 $0x10, s23;
	[sflag:s29] =	ssyncadd.s32 $0xFFFFFF80  }
0x1ba: {  	[tilespmem:s6], [sflag:$0x5] =	stream.linear.gather [hbm4b:s26+s2], $0x80, $0x38;
	[tilespmem:$0x1A200] =	vst v63  }
0x1bb: {  	_ =	swait.ge [sflag:s29], $0x80  }
0x1bc: {  	[sflag:s29] =	ssyncset.done $0x0  }
0x1bd: {  	[sflag:s29] =	ssyncadd.s32 $0xFFFFFF80  }
0x1be: {  	_ =	swait.ge [sflag:s7], $0x4000  }
0x1bf: {  	[sflag:s7] =	ssyncset.done $0x0  }
0x1c0: {  	[sflag:s7] =	ssyncadd.s32 $0xFFFFC000  }
0x1c1: {  	[spmem:s1] =	stream.indirect.scatter.add.f32 [tilespmem:s3], [sflag:$0x3], $0x80, s31, s0, $0xb8;
	[tilespmem:$0x1A200] =	vst v63  }
0x1c2: {  	_ = 	snop  }
0x1c3: {  	[tilespmem:s10], [sflag:$0x2] =	stream.indirect.gather [hbm4b:s5+s0], $0x80, s0, s0, $0xb8;
	[tilespmem:$0x1A200] =	vst v63  }
0x1c4: {  	_ =	swait.ge [sflag:s11], $0x4000  }
0x1c5: {  	[sflag:s11] =	ssyncset.done $0x0  }
0x1c6: {  	[sflag:s11] =	ssyncadd.s32 $0xFFFFC000  }
0x1c7: {  	[spmem:s1] =	stream.indirect.scatter.add.f32 [tilespmem:s10], [sflag:$0x4], $0x80, s6, s0, $0xb8;
	[tilespmem:$0x1A200] =	vst v63  }
0x1c8: {  	_ =	swait.ge [sflag:s8], $0x4000  }
0x1c9: {  	[sflag:s8] =	ssyncset.done $0x0  }
0x1ca: {  	[sflag:s8] =	ssyncadd.s32 $0xFFFFC000  }
0x1cb: {  	_ =	swait.ge [sflag:s9], $0x4000  }
0x1cc: {  	s25 =	simm.s32 $0x40;
	s23 =	simm.s32 $0x20;
	[sflag:s9] =	ssyncset.done $0x0  }
.LBB2_13:
0x1cd: {  	s22 =	sadd.s32 s23, s18  }
0x1ce: {  	[sflag:s9] =	ssyncadd.s32 $0xFFFFC000;
	s26 =	smov.u32 s25;
	s24 =	sadd.s32 $0x20, s25  }
0x1cf: {  	[tilespmem:s2], [sflag:$0x5] =	stream.linear.gather [hbm4b:s22+s2], $0x80, $0x38;
	[tilespmem:$0x1A200] =	vst v63  }
0x1d0: {  	p2 =	sne.s32 s25, $0x7A0;
	_ =	swait.ge [sflag:s29], $0x80  }
0x1d1: {  	[sflag:s29] =	ssyncset.done $0x0  }
0x1d2: {  	s25 =	sadd.s32 s23, s17;
	s23 =	smov.u32 s26;
	[sflag:s29] =	ssyncadd.s32 $0xFFFFFF80  }
0x1d3: {  	[tilespmem:s31], [sflag:$0x5] =	stream.linear.gather [hbm4b:s25+s2], $0x80, $0x38;
	[tilespmem:$0x1A200] =	vst v63  }
0x1d4: {  	_ =	swait.ge [sflag:s29], $0x80  }
0x1d5: {  	[sflag:s29] =	ssyncset.done $0x0  }
0x1d6: {  	[sflag:s29] =	ssyncadd.s32 $0xFFFFFF80  }
0x1d7: {  	[tilespmem:s3], [sflag:$0x1] =	stream.indirect.gather [hbm4b:s5+s0], $0x80, s2, s0, $0xb8;
	[tilespmem:$0x1A200] =	vst v63  }
0x1d8: {  	s22 =	sadd.s32 $0x10, s22  }
0x1d9: {  	[tilespmem:s0], [sflag:$0x5] =	stream.linear.gather [hbm4b:s22+s2], $0x80, $0x38;
	[tilespmem:$0x1A200] =	vst v63  }
0x1da: {  	_ =	swait.ge [sflag:s29], $0x80  }
0x1db: {  	[sflag:s29] =	ssyncset.done $0x0  }
0x1dc: {  	s22 =	sadd.s32 $0x10, s25;
	[sflag:s29] =	ssyncadd.s32 $0xFFFFFF80  }
0x1dd: {  	[tilespmem:s6], [sflag:$0x5] =	stream.linear.gather [hbm4b:s22+s2], $0x80, $0x38;
	[tilespmem:$0x1A200] =	vst v63  }
0x1de: {  	_ =	swait.ge [sflag:s29], $0x80  }
0x1df: {  	[sflag:s29] =	ssyncset.done $0x0  }
0x1e0: {  	[sflag:s29] =	ssyncadd.s32 $0xFFFFFF80  }
0x1e1: {  	_ =	swait.ge [sflag:s7], $0x4000  }
0x1e2: {  	[sflag:s7] =	ssyncset.done $0x0  }
0x1e3: {  	[sflag:s7] =	ssyncadd.s32 $0xFFFFC000  }
0x1e4: {  	[spmem:s1] =	stream.indirect.scatter.add.f32 [tilespmem:s3], [sflag:$0x3], $0x80, s31, s0, $0xb8;
	[tilespmem:$0x1A200] =	vst v63  }
0x1e5: {  	_ = 	snop  }
0x1e6: {  	[tilespmem:s10], [sflag:$0x2] =	stream.indirect.gather [hbm4b:s5+s0], $0x80, s0, s0, $0xb8;
	[tilespmem:$0x1A200] =	vst v63  }
0x1e7: {  	_ =	swait.ge [sflag:s11], $0x4000  }
0x1e8: {  	[sflag:s11] =	ssyncset.done $0x0  }
0x1e9: {  	[sflag:s11] =	ssyncadd.s32 $0xFFFFC000  }
0x1ea: {  	[spmem:s1] =	stream.indirect.scatter.add.f32 [tilespmem:s10], [sflag:$0x4], $0x80, s6, s0, $0xb8;
	[tilespmem:$0x1A200] =	vst v63  }
.Ltmp9:
0x1eb: {  	_ =	swait.ge [sflag:s8], $0x4000;
	(pc) =	sbr.rel @p2 .LBB2_13-.Ltmp9, $4  }
0x1ec: {  	[sflag:s8] =	ssyncset.done $0x0  }
0x1ed: {  	[sflag:s8] =	ssyncadd.s32 $0xFFFFC000  }
0x1ee: {  	_ =	swait.ge [sflag:s9], $0x4000  }
0x1ef: {  	s25 =	smov.u32 s24;
	[sflag:s9] =	ssyncset.done $0x0  }
0x1f0: {  	s22 =	sadd.s32 s23, s18;
	[sflag:s9] =	ssyncadd.s32 $0xFFFFC000  }
0x1f1: {  	[tilespmem:s2], [sflag:$0x5] =	stream.linear.gather [hbm4b:s22+s2], $0x80, $0x38;
	[tilespmem:$0x1A200] =	vst v63  }
0x1f2: {  	_ =	swait.ge [sflag:s29], $0x80  }
0x1f3: {  	[sflag:s29] =	ssyncset.done $0x0  }
0x1f4: {  	s25 =	sadd.s32 s23, s17;
	[sflag:s29] =	ssyncadd.s32 $0xFFFFFF80  }
0x1f5: {  	[tilespmem:s31], [sflag:$0x5] =	stream.linear.gather [hbm4b:s25+s2], $0x80, $0x38;
	[tilespmem:$0x1A200] =	vst v63  }
0x1f6: {  	_ =	swait.ge [sflag:s29], $0x80  }
0x1f7: {  	[sflag:s29] =	ssyncset.done $0x0  }
0x1f8: {  	[sflag:s29] =	ssyncadd.s32 $0xFFFFFF80  }
0x1f9: {  	[tilespmem:s3], [sflag:$0x1] =	stream.indirect.gather [hbm4b:s5+s0], $0x80, s2, s0, $0xb8;
	[tilespmem:$0x1A200] =	vst v63  }
0x1fa: {  	s22 =	sadd.s32 $0x10, s22  }
0x1fb: {  	[tilespmem:s0], [sflag:$0x5] =	stream.linear.gather [hbm4b:s22+s2], $0x80, $0x38;
	[tilespmem:$0x1A200] =	vst v63  }
0x1fc: {  	_ =	swait.ge [sflag:s29], $0x80  }
0x1fd: {  	[sflag:s29] =	ssyncset.done $0x0  }
0x1fe: {  	s26 =	sadd.s32 $0x10, s25;
	[sflag:s29] =	ssyncadd.s32 $0xFFFFFF80  }
0x1ff: {  	[tilespmem:s6], [sflag:$0x5] =	stream.linear.gather [hbm4b:s26+s2], $0x80, $0x38;
	[tilespmem:$0x1A200] =	vst v63  }
0x200: {  	_ =	swait.ge [sflag:s29], $0x80  }
0x201: {  	[sflag:s29] =	ssyncset.done $0x0  }
0x202: {  	[sflag:s29] =	ssyncadd.s32 $0xFFFFFF80  }
0x203: {  	_ =	swait.ge [sflag:s7], $0x4000  }
0x204: {  	[sflag:s7] =	ssyncset.done $0x0  }
0x205: {  	[sflag:s7] =	ssyncadd.s32 $0xFFFFC000  }
0x206: {  	[spmem:s1] =	stream.indirect.scatter.add.f32 [tilespmem:s3], [sflag:$0x3], $0x80, s31, s0, $0xb8;
	[tilespmem:$0x1A200] =	vst v63  }
0x207: {  	_ = 	snop  }
0x208: {  	[tilespmem:s10], [sflag:$0x2] =	stream.indirect.gather [hbm4b:s5+s0], $0x80, s0, s0, $0xb8;
	[tilespmem:$0x1A200] =	vst v63  }
0x209: {  	_ =	swait.ge [sflag:s11], $0x4000  }
0x20a: {  	[sflag:s11] =	ssyncset.done $0x0  }
0x20b: {  	[sflag:s11] =	ssyncadd.s32 $0xFFFFC000  }
0x20c: {  	[spmem:s1] =	stream.indirect.scatter.add.f32 [tilespmem:s10], [sflag:$0x4], $0x80, s6, s0, $0xb8;
	[tilespmem:$0x1A200] =	vst v63  }
0x20d: {  	_ =	swait.ge [sflag:s8], $0x4000  }
0x20e: {  	[sflag:s8] =	ssyncset.done $0x0  }
0x20f: {  	[sflag:s8] =	ssyncadd.s32 $0xFFFFC000  }
0x210: {  	_ =	swait.ge [sflag:s9], $0x4000  }
0x211: {  	[sflag:s9] =	ssyncset.done $0x0  }
0x212: {  	s23 =	rddreg [dreg:$0xc];
	[sflag:s9] =	ssyncadd.s32 $0xFFFFC000  }
.LBB2_15:
0x213: {  	s22 =	rddreg [dreg:$0xb]  }
0x214: {  	[tilespmem:s2], [sflag:$0x5] =	stream.linear.gather [hbm4b:s22+s2], $0x80, $0x38;
	[tilespmem:$0x1A200] =	vst v63  }
0x215: {  	_ =	swait.ge [sflag:s29], $0x80  }
0x216: {  	[sflag:s29] =	ssyncset.done $0x0  }
0x217: {  	[sflag:s29] =	ssyncadd.s32 $0xFFFFFF80  }
0x218: {  	[tilespmem:s31], [sflag:$0x5] =	stream.linear.gather [hbm4b:s23+s2], $0x80, $0x38;
	[tilespmem:$0x1A200] =	vst v63  }
0x219: {  	_ =	swait.ge [sflag:s29], $0x80  }
0x21a: {  	[sflag:s29] =	ssyncset.done $0x0  }
0x21b: {  	[sflag:s29] =	ssyncadd.s32 $0xFFFFFF80  }
0x21c: {  	[tilespmem:s3], [sflag:$0x1] =	stream.indirect.gather [hbm4b:s5+s0], $0x80, s2, s0, $0xb8;
	[tilespmem:$0x1A200] =	vst v63  }
0x21d: {  	_ =	swait.ge [sflag:s7], $0x4000  }
0x21e: {  	[sflag:s7] =	ssyncset.done $0x0  }
0x21f: {  	[sflag:s7] =	ssyncadd.s32 $0xFFFFC000  }
0x220: {  	[spmem:s1] =	stream.indirect.scatter.add.f32 [tilespmem:s3], [sflag:$0x5], $0x80, s31, s0, $0xb8;
	[tilespmem:$0x1A200] =	vst v63  }
0x221: {  	_ =	swait.ge [sflag:s29], $0x4000  }
0x222: {  	[sflag:s29] =	ssyncset.done $0x0  }
0x223: {  	[sflag:s29] =	ssyncadd.s32 $0xFFFFC000  }
0x224: {  	[bflag:$0x0] =	sbarrier.arrive $0xFFFF  }
0x225: {  	[bflag:$0x0] =	sbarrier.arrive @p1 $0xFFFF  }
0x226: {  	s22 =	rddreg [dreg:$0x12]  }
0x227: {  	[hbm:s22], [sflag:s12] =	dma.local @!p1 [spmem:s21], $0x3E80  }
0x228: {  	s22 =	simm.s32 @!p1 $0x5  }
0x229: {  	_ =	swait.ge @!p1 [sflag:s22], $0x3E80  }
0x22a: {  	[sflag:s22] =	ssyncset.done @!p1 $0x0  }
0x22b: {  	[sflag:s22] =	ssyncadd.s32 @!p1 $0xFFFFC180  }
0x22c: {  	[bflag:$0x0] =	sbarrier.arrive @!p1 $0xFFFF  }
0x22d: {  	s23 =	rddreg [dreg:$0x10]  }
0x22e: {  	[spmem:s13], [sflag:s12] =	dma.local @!p1 [hbm:s23], $0x4000  }
.Ltmp10:
0x22f: {  	_ =	swait.ge @!p1 [sflag:s22], $0x4000;
	(pc) =	sbr.rel @p0 .LBB2_21-.Ltmp10, $3  }
0x230: {  	[sflag:s22] =	ssyncset.done @!p1 $0x0  }
0x231: {  	[sflag:s22] =	ssyncadd.s32 @!p1 $0xFFFFC000  }
0x232: {  	[bflag:$0x0] =	sbarrier.arrive $0xFFFF;
	_ =	sdelay $0x1  }
0x233: {  	s13 =	sadd.s32 $0x0, s16  }
0x234: {  	[tilespmem:s31], [sflag:$0x5] =	stream.linear.gather [hbm4b:s13+s2], $0x80, $0x38;
	[tilespmem:$0x1A200] =	vst v63  }
0x235: {  	_ =	swait.ge [sflag:s29], $0x80  }
0x236: {  	[sflag:s29] =	ssyncset.done $0x0  }
0x237: {  	[sflag:s29] =	ssyncadd.s32 $0xFFFFFF80  }
0x238: {  	[spmem:s1] =	stream.indirect.scatter.add.f32 [tilespmem:s28], [sflag:$0x3], $0x80, s31, s0, $0xb8;
	[tilespmem:$0x1A200] =	vst v63  }
0x239: {  	s13 =	sadd.s32 $0x10, s13  }
0x23a: {  	[tilespmem:s6], [sflag:$0x5] =	stream.linear.gather [hbm4b:s13+s2], $0x80, $0x38;
	[tilespmem:$0x1A200] =	vst v63  }
0x23b: {  	_ =	swait.ge [sflag:s29], $0x80  }
0x23c: {  	[sflag:s29] =	ssyncset.done $0x0  }
0x23d: {  	[sflag:s29] =	ssyncadd.s32 $0xFFFFFF80  }
0x23e: {  	[spmem:s1] =	stream.indirect.scatter.add.f32 [tilespmem:s28], [sflag:$0x4], $0x80, s6, s0, $0xb8;
	[tilespmem:$0x1A200] =	vst v63  }
0x23f: {  	_ =	swait.ge [sflag:s8], $0x4000  }
0x240: {  	[sflag:s8] =	ssyncset.done $0x0  }
0x241: {  	[sflag:s8] =	ssyncadd.s32 $0xFFFFC000  }
0x242: {  	_ =	swait.ge [sflag:s9], $0x4000  }
0x243: {  	s23 =	simm.s32 $0x40;
	s13 =	simm.s32 $0x20;
	[sflag:s9] =	ssyncset.done $0x0  }
.LBB2_17:
0x244: {  	s22 =	sadd.s32 s13, s16  }
0x245: {  	[sflag:s9] =	ssyncadd.s32 $0xFFFFC000;
	s13 =	smov.u32 s23;
	s24 =	sadd.s32 $0x20, s23  }
0x246: {  	[tilespmem:s31], [sflag:$0x5] =	stream.linear.gather [hbm4b:s22+s2], $0x80, $0x38;
	[tilespmem:$0x1A200] =	vst v63  }
0x247: {  	p2 =	sne.s32 s23, $0x7A0;
	_ =	swait.ge [sflag:s29], $0x80  }
0x248: {  	[sflag:s29] =	ssyncset.done $0x0  }
0x249: {  	[sflag:s29] =	ssyncadd.s32 $0xFFFFFF80  }
0x24a: {  	[spmem:s1] =	stream.indirect.scatter.add.f32 [tilespmem:s28], [sflag:$0x3], $0x80, s31, s0, $0xb8;
	[tilespmem:$0x1A200] =	vst v63  }
0x24b: {  	s22 =	sadd.s32 $0x10, s22  }
0x24c: {  	[tilespmem:s6], [sflag:$0x5] =	stream.linear.gather [hbm4b:s22+s2], $0x80, $0x38;
	[tilespmem:$0x1A200] =	vst v63  }
0x24d: {  	_ =	swait.ge [sflag:s29], $0x80  }
0x24e: {  	[sflag:s29] =	ssyncset.done $0x0  }
0x24f: {  	[sflag:s29] =	ssyncadd.s32 $0xFFFFFF80  }
0x250: {  	[spmem:s1] =	stream.indirect.scatter.add.f32 [tilespmem:s28], [sflag:$0x4], $0x80, s6, s0, $0xb8;
	[tilespmem:$0x1A200] =	vst v63  }
.Ltmp11:
0x251: {  	_ =	swait.ge [sflag:s8], $0x4000;
	(pc) =	sbr.rel @p2 .LBB2_17-.Ltmp11, $4  }
0x252: {  	[sflag:s8] =	ssyncset.done $0x0  }
0x253: {  	[sflag:s8] =	ssyncadd.s32 $0xFFFFC000  }
0x254: {  	_ =	swait.ge [sflag:s9], $0x4000  }
0x255: {  	s23 =	smov.u32 s24;
	[sflag:s9] =	ssyncset.done $0x0  }
0x256: {  	s13 =	sadd.s32 s13, s16;
	[sflag:s9] =	ssyncadd.s32 $0xFFFFC000  }
0x257: {  	[tilespmem:s31], [sflag:$0x5] =	stream.linear.gather [hbm4b:s13+s2], $0x80, $0x38;
	[tilespmem:$0x1A200] =	vst v63  }
0x258: {  	_ =	swait.ge [sflag:s29], $0x80  }
0x259: {  	[sflag:s29] =	ssyncset.done $0x0  }
0x25a: {  	[sflag:s29] =	ssyncadd.s32 $0xFFFFFF80  }
0x25b: {  	[spmem:s1] =	stream.indirect.scatter.add.f32 [tilespmem:s28], [sflag:$0x3], $0x80, s31, s0, $0xb8;
	[tilespmem:$0x1A200] =	vst v63  }
0x25c: {  	s13 =	sadd.s32 $0x10, s13  }
0x25d: {  	[tilespmem:s6], [sflag:$0x5] =	stream.linear.gather [hbm4b:s13+s2], $0x80, $0x38;
	[tilespmem:$0x1A200] =	vst v63  }
0x25e: {  	_ =	swait.ge [sflag:s29], $0x80  }
0x25f: {  	[sflag:s29] =	ssyncset.done $0x0  }
0x260: {  	[sflag:s29] =	ssyncadd.s32 $0xFFFFFF80  }
0x261: {  	[spmem:s1] =	stream.indirect.scatter.add.f32 [tilespmem:s28], [sflag:$0x4], $0x80, s6, s0, $0xb8;
	[tilespmem:$0x1A200] =	vst v63  }
0x262: {  	_ =	swait.ge [sflag:s8], $0x4000  }
0x263: {  	[sflag:s8] =	ssyncset.done $0x0  }
0x264: {  	[sflag:s8] =	ssyncadd.s32 $0xFFFFC000  }
0x265: {  	_ =	swait.ge [sflag:s9], $0x4000  }
0x266: {  	[sflag:s9] =	ssyncset.done $0x0  }
0x267: {  	s25 =	simm.s32 $0x0;
	s22 =	rddreg [dreg:$0x9];
	[sflag:s9] =	ssyncadd.s32 $0xFFFFC000  }
0x268: {  	[tilespmem:s31], [sflag:$0x5] =	stream.linear.gather [hbm4b:s22+s25], $0x80, $0x38;
	[tilespmem:$0x1A200] =	vst v63  }
0x269: {  	_ =	swait.ge [sflag:s29], $0x80  }
0x26a: {  	[sflag:s29] =	ssyncset.done $0x0  }
0x26b: {  	[sflag:s29] =	ssyncadd.s32 $0xFFFFFF80  }
0x26c: {  	[spmem:s1] =	stream.indirect.scatter.add.f32 [tilespmem:s28], [sflag:$0x5], $0x80, s31, s0, $0xb8;
	[tilespmem:$0x1A200] =	vst v63  }
0x26d: {  	_ =	swait.ge [sflag:s29], $0x4000  }
0x26e: {  	[sflag:s29] =	ssyncset.done $0x0  }
0x26f: {  	s26 =	sadd.s32 $0x0, s19;
	[sflag:s29] =	ssyncadd.s32 $0xFFFFC000  }
0x270: {  	[tilespmem:s31], [sflag:$0x5] =	stream.linear.gather [hbm4b:s26+s2], $0x80, $0x38;
	[tilespmem:$0x1A200] =	vst v63  }
0x271: {  	_ =	swait.ge [sflag:s29], $0x80  }
0x272: {  	[sflag:s29] =	ssyncset.done $0x0  }
0x273: {  	[sflag:s29] =	ssyncadd.s32 $0xFFFFFF80  }
0x274: {  	[spmem:s1] =	stream.indirect.scatter.add.f32 [tilespmem:s30], [sflag:$0x3], $0x80, s31, s0, $0xb8;
	[tilespmem:$0x1A200] =	vst v63  }
0x275: {  	s13 =	sadd.s32 $0x10, s26  }
0x276: {  	[tilespmem:s6], [sflag:$0x5] =	stream.linear.gather [hbm4b:s13+s2], $0x80, $0x38;
	[tilespmem:$0x1A200] =	vst v63  }
0x277: {  	_ =	swait.ge [sflag:s29], $0x80  }
0x278: {  	[sflag:s29] =	ssyncset.done $0x0  }
0x279: {  	[sflag:s29] =	ssyncadd.s32 $0xFFFFFF80  }
0x27a: {  	[spmem:s1] =	stream.indirect.scatter.add.f32 [tilespmem:s30], [sflag:$0x4], $0x80, s6, s0, $0xb8;
	[tilespmem:$0x1A200] =	vst v63  }
0x27b: {  	_ =	swait.ge [sflag:s8], $0x4000  }
0x27c: {  	[sflag:s8] =	ssyncset.done $0x0  }
0x27d: {  	[sflag:s8] =	ssyncadd.s32 $0xFFFFC000  }
0x27e: {  	_ =	swait.ge [sflag:s9], $0x4000  }
0x27f: {  	s23 =	simm.s32 $0x40;
	s13 =	simm.s32 $0x20;
	[sflag:s9] =	ssyncset.done $0x0  }
.LBB2_19:
0x280: {  	s22 =	sadd.s32 s13, s19  }
0x281: {  	[sflag:s9] =	ssyncadd.s32 $0xFFFFC000;
	s13 =	smov.u32 s23;
	s24 =	sadd.s32 $0x20, s23  }
0x282: {  	[tilespmem:s31], [sflag:$0x5] =	stream.linear.gather [hbm4b:s22+s2], $0x80, $0x38;
	[tilespmem:$0x1A200] =	vst v63  }
0x283: {  	p2 =	seq.s32 s23, $0x7A0;
	_ =	swait.ge [sflag:s29], $0x80  }
0x284: {  	[sflag:s29] =	ssyncset.done $0x0  }
0x285: {  	[sflag:s29] =	ssyncadd.s32 $0xFFFFFF80  }
0x286: {  	[spmem:s1] =	stream.indirect.scatter.add.f32 [tilespmem:s30], [sflag:$0x3], $0x80, s31, s0, $0xb8;
	[tilespmem:$0x1A200] =	vst v63  }
0x287: {  	s22 =	sadd.s32 $0x10, s22  }
0x288: {  	[tilespmem:s6], [sflag:$0x5] =	stream.linear.gather [hbm4b:s22+s2], $0x80, $0x38;
	[tilespmem:$0x1A200] =	vst v63  }
0x289: {  	_ =	swait.ge [sflag:s29], $0x80  }
0x28a: {  	[sflag:s29] =	ssyncset.done $0x0  }
0x28b: {  	[sflag:s29] =	ssyncadd.s32 $0xFFFFFF80  }
0x28c: {  	[spmem:s1] =	stream.indirect.scatter.add.f32 [tilespmem:s30], [sflag:$0x4], $0x80, s6, s0, $0xb8;
	[tilespmem:$0x1A200] =	vst v63  }
.Ltmp12:
0x28d: {  	_ =	swait.ge [sflag:s8], $0x4000;
	(pc) =	sbr.rel @!p2 .LBB2_19-.Ltmp12, $4  }
0x28e: {  	[sflag:s8] =	ssyncset.done $0x0  }
0x28f: {  	[sflag:s8] =	ssyncadd.s32 $0xFFFFC000  }
0x290: {  	_ =	swait.ge [sflag:s9], $0x4000  }
0x291: {  	s23 =	smov.u32 s24;
	[sflag:s9] =	ssyncset.done $0x0  }
0x292: {  	s13 =	sadd.s32 s13, s19;
	[sflag:s9] =	ssyncadd.s32 $0xFFFFC000  }
0x293: {  	[tilespmem:s31], [sflag:$0x5] =	stream.linear.gather [hbm4b:s13+s2], $0x80, $0x38;
	[tilespmem:$0x1A200] =	vst v63  }
0x294: {  	_ =	swait.ge [sflag:s29], $0x80  }
0x295: {  	[sflag:s29] =	ssyncset.done $0x0  }
0x296: {  	[sflag:s29] =	ssyncadd.s32 $0xFFFFFF80  }
0x297: {  	[spmem:s1] =	stream.indirect.scatter.add.f32 [tilespmem:s30], [sflag:$0x3], $0x80, s31, s0, $0xb8;
	[tilespmem:$0x1A200] =	vst v63  }
0x298: {  	s13 =	sadd.s32 $0x10, s13  }
0x299: {  	[tilespmem:s6], [sflag:$0x5] =	stream.linear.gather [hbm4b:s13+s2], $0x80, $0x38;
	[tilespmem:$0x1A200] =	vst v63  }
0x29a: {  	_ =	swait.ge [sflag:s29], $0x80  }
0x29b: {  	[sflag:s29] =	ssyncset.done $0x0  }
0x29c: {  	[sflag:s29] =	ssyncadd.s32 $0xFFFFFF80  }
0x29d: {  	[spmem:s1] =	stream.indirect.scatter.add.f32 [tilespmem:s30], [sflag:$0x4], $0x80, s6, s0, $0xb8;
	[tilespmem:$0x1A200] =	vst v63  }
0x29e: {  	_ =	swait.ge [sflag:s8], $0x4000  }
.Ltmp13:
0x29f: {  	[sflag:s8] =	ssyncset.done $0x0;
	(pc) =	sbr.rel .LBB2_26-.Ltmp13, $4  }
0x2a0: {  	[sflag:s8] =	ssyncadd.s32 $0xFFFFC000  }
0x2a1: {  	_ =	swait.ge [sflag:s9], $0x4000  }
0x2a2: {  	[sflag:s9] =	ssyncset.done $0x0  }
0x2a3: {  	s13 =	rddreg [dreg:$0xd];
	[sflag:s9] =	ssyncadd.s32 $0xFFFFC000  }
.LBB2_21:
0x2a4: {  	s13 =	sadd.s32 $0x0, s14  }
0x2a5: {  	[tilespmem:s31], [sflag:$0x5] =	stream.linear.gather [hbm4b:s13+s2], $0x80, $0x38;
	[tilespmem:$0x1A200] =	vst v63  }
0x2a6: {  	_ =	swait.ge [sflag:s29], $0x80  }
0x2a7: {  	[sflag:s29] =	ssyncset.done $0x0  }
0x2a8: {  	[sflag:s29] =	ssyncadd.s32 $0xFFFFFF80  }
0x2a9: {  	[spmem:s1] =	stream.indirect.scatter.add.f32 [tilespmem:s28], [sflag:$0x3], $0x80, s31, s0, $0xb8;
	[tilespmem:$0x1A200] =	vst v63  }
0x2aa: {  	s13 =	sadd.s32 $0x10, s13  }
0x2ab: {  	[tilespmem:s6], [sflag:$0x5] =	stream.linear.gather [hbm4b:s13+s2], $0x80, $0x38;
	[tilespmem:$0x1A200] =	vst v63  }
0x2ac: {  	_ =	swait.ge [sflag:s29], $0x80  }
0x2ad: {  	[sflag:s29] =	ssyncset.done $0x0  }
0x2ae: {  	[sflag:s29] =	ssyncadd.s32 $0xFFFFFF80  }
0x2af: {  	[spmem:s1] =	stream.indirect.scatter.add.f32 [tilespmem:s28], [sflag:$0x4], $0x80, s6, s0, $0xb8;
	[tilespmem:$0x1A200] =	vst v63  }
0x2b0: {  	_ =	swait.ge [sflag:s8], $0x4000  }
0x2b1: {  	[sflag:s8] =	ssyncset.done $0x0  }
0x2b2: {  	[sflag:s8] =	ssyncadd.s32 $0xFFFFC000  }
0x2b3: {  	_ =	swait.ge [sflag:s9], $0x4000  }
0x2b4: {  	s23 =	simm.s32 $0x40;
	s13 =	simm.s32 $0x20;
	[sflag:s9] =	ssyncset.done $0x0  }
.LBB2_22:
0x2b5: {  	s22 =	sadd.s32 s13, s14  }
0x2b6: {  	[sflag:s9] =	ssyncadd.s32 $0xFFFFC000;
	s13 =	smov.u32 s23;
	s24 =	sadd.s32 $0x20, s23  }
0x2b7: {  	[tilespmem:s31], [sflag:$0x5] =	stream.linear.gather [hbm4b:s22+s2], $0x80, $0x38;
	[tilespmem:$0x1A200] =	vst v63  }
0x2b8: {  	p2 =	sne.s32 s23, $0x7A0;
	_ =	swait.ge [sflag:s29], $0x80  }
0x2b9: {  	[sflag:s29] =	ssyncset.done $0x0  }
0x2ba: {  	[sflag:s29] =	ssyncadd.s32 $0xFFFFFF80  }
0x2bb: {  	[spmem:s1] =	stream.indirect.scatter.add.f32 [tilespmem:s28], [sflag:$0x3], $0x80, s31, s0, $0xb8;
	[tilespmem:$0x1A200] =	vst v63  }
0x2bc: {  	s22 =	sadd.s32 $0x10, s22  }
0x2bd: {  	[tilespmem:s6], [sflag:$0x5] =	stream.linear.gather [hbm4b:s22+s2], $0x80, $0x38;
	[tilespmem:$0x1A200] =	vst v63  }
0x2be: {  	_ =	swait.ge [sflag:s29], $0x80  }
0x2bf: {  	[sflag:s29] =	ssyncset.done $0x0  }
0x2c0: {  	[sflag:s29] =	ssyncadd.s32 $0xFFFFFF80  }
0x2c1: {  	[spmem:s1] =	stream.indirect.scatter.add.f32 [tilespmem:s28], [sflag:$0x4], $0x80, s6, s0, $0xb8;
	[tilespmem:$0x1A200] =	vst v63  }
.Ltmp14:
0x2c2: {  	_ =	swait.ge [sflag:s8], $0x4000;
	(pc) =	sbr.rel @p2 .LBB2_22-.Ltmp14, $4  }
0x2c3: {  	[sflag:s8] =	ssyncset.done $0x0  }
0x2c4: {  	[sflag:s8] =	ssyncadd.s32 $0xFFFFC000  }
0x2c5: {  	_ =	swait.ge [sflag:s9], $0x4000  }
0x2c6: {  	s23 =	smov.u32 s24;
	[sflag:s9] =	ssyncset.done $0x0  }
0x2c7: {  	s13 =	sadd.s32 s13, s14;
	[sflag:s9] =	ssyncadd.s32 $0xFFFFC000  }
0x2c8: {  	[tilespmem:s31], [sflag:$0x5] =	stream.linear.gather [hbm4b:s13+s2], $0x80, $0x38;
	[tilespmem:$0x1A200] =	vst v63  }
0x2c9: {  	_ =	swait.ge [sflag:s29], $0x80  }
0x2ca: {  	[sflag:s29] =	ssyncset.done $0x0  }
0x2cb: {  	[sflag:s29] =	ssyncadd.s32 $0xFFFFFF80  }
0x2cc: {  	[spmem:s1] =	stream.indirect.scatter.add.f32 [tilespmem:s28], [sflag:$0x3], $0x80, s31, s0, $0xb8;
	[tilespmem:$0x1A200] =	vst v63  }
0x2cd: {  	s13 =	sadd.s32 $0x10, s13  }
0x2ce: {  	[tilespmem:s6], [sflag:$0x5] =	stream.linear.gather [hbm4b:s13+s2], $0x80, $0x38;
	[tilespmem:$0x1A200] =	vst v63  }
0x2cf: {  	_ =	swait.ge [sflag:s29], $0x80  }
0x2d0: {  	[sflag:s29] =	ssyncset.done $0x0  }
0x2d1: {  	[sflag:s29] =	ssyncadd.s32 $0xFFFFFF80  }
0x2d2: {  	[spmem:s1] =	stream.indirect.scatter.add.f32 [tilespmem:s28], [sflag:$0x4], $0x80, s6, s0, $0xb8;
	[tilespmem:$0x1A200] =	vst v63  }
0x2d3: {  	_ =	swait.ge [sflag:s8], $0x4000  }
0x2d4: {  	[sflag:s8] =	ssyncset.done $0x0  }
0x2d5: {  	[sflag:s8] =	ssyncadd.s32 $0xFFFFC000  }
0x2d6: {  	_ =	swait.ge [sflag:s9], $0x4000  }
0x2d7: {  	[sflag:s9] =	ssyncset.done $0x0  }
0x2d8: {  	s25 =	simm.s32 $0x0;
	s22 =	rddreg [dreg:$0x8];
	[sflag:s9] =	ssyncadd.s32 $0xFFFFC000  }
0x2d9: {  	[tilespmem:s31], [sflag:$0x5] =	stream.linear.gather [hbm4b:s22+s25], $0x80, $0x38;
	[tilespmem:$0x1A200] =	vst v63  }
0x2da: {  	_ =	swait.ge [sflag:s29], $0x80  }
0x2db: {  	[sflag:s29] =	ssyncset.done $0x0  }
0x2dc: {  	[sflag:s29] =	ssyncadd.s32 $0xFFFFFF80  }
0x2dd: {  	[spmem:s1] =	stream.indirect.scatter.add.f32 [tilespmem:s28], [sflag:$0x5], $0x80, s31, s0, $0xb8;
	[tilespmem:$0x1A200] =	vst v63  }
0x2de: {  	_ =	swait.ge [sflag:s29], $0x4000  }
0x2df: {  	[sflag:s29] =	ssyncset.done $0x0  }
0x2e0: {  	s26 =	sadd.s32 $0x0, s17;
	[sflag:s29] =	ssyncadd.s32 $0xFFFFC000  }
0x2e1: {  	[tilespmem:s31], [sflag:$0x5] =	stream.linear.gather [hbm4b:s26+s2], $0x80, $0x38;
	[tilespmem:$0x1A200] =	vst v63  }
0x2e2: {  	_ =	swait.ge [sflag:s29], $0x80  }
0x2e3: {  	[sflag:s29] =	ssyncset.done $0x0  }
0x2e4: {  	[sflag:s29] =	ssyncadd.s32 $0xFFFFFF80  }
0x2e5: {  	[spmem:s1] =	stream.indirect.scatter.add.f32 [tilespmem:s30], [sflag:$0x3], $0x80, s31, s0, $0xb8;
	[tilespmem:$0x1A200] =	vst v63  }
0x2e6: {  	s13 =	sadd.s32 $0x10, s26  }
0x2e7: {  	[tilespmem:s6], [sflag:$0x5] =	stream.linear.gather [hbm4b:s13+s2], $0x80, $0x38;
	[tilespmem:$0x1A200] =	vst v63  }
0x2e8: {  	_ =	swait.ge [sflag:s29], $0x80  }
0x2e9: {  	[sflag:s29] =	ssyncset.done $0x0  }
0x2ea: {  	[sflag:s29] =	ssyncadd.s32 $0xFFFFFF80  }
0x2eb: {  	[spmem:s1] =	stream.indirect.scatter.add.f32 [tilespmem:s30], [sflag:$0x4], $0x80, s6, s0, $0xb8;
	[tilespmem:$0x1A200] =	vst v63  }
0x2ec: {  	_ =	swait.ge [sflag:s8], $0x4000  }
0x2ed: {  	[sflag:s8] =	ssyncset.done $0x0  }
0x2ee: {  	[sflag:s8] =	ssyncadd.s32 $0xFFFFC000  }
0x2ef: {  	_ =	swait.ge [sflag:s9], $0x4000  }
0x2f0: {  	s23 =	simm.s32 $0x40;
	s13 =	simm.s32 $0x20;
	[sflag:s9] =	ssyncset.done $0x0  }
.LBB2_24:
0x2f1: {  	s22 =	sadd.s32 s13, s17  }
0x2f2: {  	[sflag:s9] =	ssyncadd.s32 $0xFFFFC000;
	s13 =	smov.u32 s23;
	s24 =	sadd.s32 $0x20, s23  }
0x2f3: {  	[tilespmem:s31], [sflag:$0x5] =	stream.linear.gather [hbm4b:s22+s2], $0x80, $0x38;
	[tilespmem:$0x1A200] =	vst v63  }
0x2f4: {  	p2 =	sne.s32 s23, $0x7A0;
	_ =	swait.ge [sflag:s29], $0x80  }
0x2f5: {  	[sflag:s29] =	ssyncset.done $0x0  }
0x2f6: {  	[sflag:s29] =	ssyncadd.s32 $0xFFFFFF80  }
0x2f7: {  	[spmem:s1] =	stream.indirect.scatter.add.f32 [tilespmem:s30], [sflag:$0x3], $0x80, s31, s0, $0xb8;
	[tilespmem:$0x1A200] =	vst v63  }
0x2f8: {  	s22 =	sadd.s32 $0x10, s22  }
0x2f9: {  	[tilespmem:s6], [sflag:$0x5] =	stream.linear.gather [hbm4b:s22+s2], $0x80, $0x38;
	[tilespmem:$0x1A200] =	vst v63  }
0x2fa: {  	_ =	swait.ge [sflag:s29], $0x80  }
0x2fb: {  	[sflag:s29] =	ssyncset.done $0x0  }
0x2fc: {  	[sflag:s29] =	ssyncadd.s32 $0xFFFFFF80  }
0x2fd: {  	[spmem:s1] =	stream.indirect.scatter.add.f32 [tilespmem:s30], [sflag:$0x4], $0x80, s6, s0, $0xb8;
	[tilespmem:$0x1A200] =	vst v63  }
.Ltmp15:
0x2fe: {  	_ =	swait.ge [sflag:s8], $0x4000;
	(pc) =	sbr.rel @p2 .LBB2_24-.Ltmp15, $4  }
0x2ff: {  	[sflag:s8] =	ssyncset.done $0x0  }
0x300: {  	[sflag:s8] =	ssyncadd.s32 $0xFFFFC000  }
0x301: {  	_ =	swait.ge [sflag:s9], $0x4000  }
0x302: {  	s23 =	smov.u32 s24;
	[sflag:s9] =	ssyncset.done $0x0  }
.Ltmp16:
0x303: {  	_ = 	snop;
	(pc) =	sbr.rel .LBB2_25-.Ltmp16, $1  }
0x304: {  	_ =	sdelay $0x3  }
.LBB2_27:
0x305: {  	_ =	sfence.sel $0x180000  }
0x306: {  	[bflag:$0x0] =	sbarrier.arrive $0xFFFF  }
0x307: {  	_ =	strace $0x90000047  }
0x308: {  	s0 =	stileid.u32;
	[bflag:$0x2] =	sbarrier.arrive $0xFFFF  }
0x309: {  	p0 =	sne.s32 s0, $0x0;
	s0 =	rddreg [dreg:$0x5]  }
0x30a: {  	s0 =	sadd.s32 @!p0 $0x100000, s0  }
0x30b: {  	[sflag:s0] =	ssyncadd.tile.s32 @!p0 $0x1;
	_ =	shalt  }
.Lfunc_end2:
_tile_overlayer_lowered:
.L_overlay_start_2:
0x30c: {  	(tag) =	ssettag $0x2  }
0x30d: {  	s0 =	rddreg [dreg:$0x0];
	s2 =	stileid.u32  }
0x30e: {  	s1 =	rddreg [dreg:$0x1];
	p0 =	sne.s32 s2, $0x0  }
0x30f: {  	s3 =	rddreg [dreg:$0x2];
	[bflag:$0x3] =	sbarrier.arrive $0xFFFF;
	s2 =	simm.s32 @!p0 $0x1C05  }
0x310: {  	[timem:s3], [sflag:s2] =	dma.local @!p0 [hbm:s0], s1  }
0x311: {  	s0 =	simm.s32 @!p0 $0x5  }
0x312: {  	_ =	swait.ge @!p0 [sflag:s0], s1  }
0x313: {  	s1 =	ssub.s32 @!p0 $0x0, s1;
	[sflag:s0] =	ssyncset.done @!p0 $0x0  }
0x314: {  	[sflag:s0] =	ssyncadd.s32 @!p0 s1  }
0x315: {  	[bflag:$0x3] =	sbarrier.arrive $0xFFFF  }
0x316: {  	_ =	shalt  }

</sc_bundles>
